<compile_context>
chip_gen: v7x
topology: tpu7x:2x2x1
jax: 0.10.2.dev20260603
libtpu: 0.0.44.dev20260713+nightly
codegen_flags: <defaults>
</compile_context>

<pallas_src>
import functools

import jax
import jax.numpy as jnp
from jax import lax
from jax.experimental import pallas as pl
from jax.experimental.pallas import tpu as pltpu
from jax.experimental.pallas import tpu_sc as plsc

N_NODES = 10000
FEAT = 128
NGROUP = 64
NCORES = 2
NSUB = 16
GCHUNK = 40
DSTROW = 80
CPR = DSTROW // GCHUNK
DEPTH = 4
ROW_BLK = 1000
NBLK = N_NODES // ROW_BLK


def _agg_call(x, src1, dst3, zeros):
    CHUNKS = dst3.shape[1] * CPR
    rows_per_tile = (N_NODES // NSUB) // 8 * 8
    tail_rows = N_NODES - rows_per_tile * NSUB
    mesh = plsc.VectorSubcoreMesh(core_axis_name="c", subcore_axis_name="s")

    @functools.partial(
        pl.kernel,
        mesh=mesh,
        out_type=jax.ShapeDtypeStruct((NCORES, N_NODES, FEAT), jnp.float32),
        scratch_types=[
            pltpu.VMEM((CHUNKS * GCHUNK,), jnp.int32),
            pltpu.VMEM((CHUNKS // CPR, DSTROW), jnp.int32),
        ] + [pltpu.VMEM((GCHUNK, FEAT), jnp.float32)] * DEPTH
          + [pltpu.SemaphoreType.DMA] * DEPTH
          + [pltpu.VMEM_SHARED((N_NODES, FEAT), jnp.float32)],
    )
    def agg(x_hbm, src_hbm, dst_hbm, z_hbm, out_hbm, src_all, dst_all,
            *ring_and_acc):
        bufs = ring_and_acc[:DEPTH]
        sems = ring_and_acc[DEPTH:2 * DEPTH]
        acc_sh = ring_and_acc[2 * DEPTH]
        c = lax.axis_index("c")
        s = lax.axis_index("s")
        r0 = s * rows_per_tile
        pltpu.sync_copy(z_hbm.at[pl.ds(r0, rows_per_tile)],
                        acc_sh.at[pl.ds(r0, rows_per_tile)])

        @pl.when(s == NSUB - 1)
        def _():
            t0 = NSUB * rows_per_tile
            pltpu.sync_copy(z_hbm.at[pl.ds(t0, tail_rows)],
                            acc_sh.at[pl.ds(t0, tail_rows)])

        w = c * NSUB + s
        pltpu.sync_copy(src_hbm.at[pl.ds(w * CHUNKS * GCHUNK,
                                         CHUNKS * GCHUNK)], src_all)
        pltpu.sync_copy(dst_hbm.at[w], dst_all)
        plsc.subcore_barrier()

        def sidx(j):
            return src_all.at[pl.ds(j * GCHUNK, GCHUNK)]

        def didx(row, half):
            return dst_all.at[row, pl.ds(half * GCHUNK, GCHUNK)]

        def issue(j, d):
            pltpu.async_copy(x_hbm.at[sidx(j)], bufs[d], sems[d])

        def wait(j, d):
            pltpu.make_async_copy(x_hbm.at[sidx(j)], bufs[d], sems[d]).wait()

        def scat(d, row, half):
            pltpu.sync_copy(bufs[d], acc_sh.at[didx(row, half)], add=True)

        for q in range(DEPTH - 1):
            issue(q, q)

        def body(g, carry):
            j = DEPTH * g
            for d in range(DEPTH):
                wait(j + d, d)
                issue(j + d + DEPTH - 1, (d + DEPTH - 1) % DEPTH)
                scat(d, 2 * g + d // CPR, d % CPR)
            return carry

        T = (CHUNKS - DEPTH + 1) // DEPTH
        lax.fori_loop(0, T, body, 0)
        for q in range(DEPTH * T, CHUNKS):
            wait(q, q % DEPTH)
            if q + DEPTH - 1 < CHUNKS:
                issue(q + DEPTH - 1, (q + DEPTH - 1) % DEPTH)
            scat(q % DEPTH, q // CPR, q % CPR)

        plsc.subcore_barrier()
        pltpu.sync_copy(acc_sh.at[pl.ds(r0, rows_per_tile)],
                        out_hbm.at[c, pl.ds(r0, rows_per_tile)])

        @pl.when(s == NSUB - 1)
        def _():
            t0 = NSUB * rows_per_tile
            pltpu.sync_copy(acc_sh.at[pl.ds(t0, tail_rows)],
                            out_hbm.at[c, pl.ds(t0, tail_rows)])

    return agg(x, src1, dst3, zeros)


def _conv_mlp_call(x, p, W1, b1, W2, b2):

    def body(x_ref, p_ref, w1_ref, b1_ref, w2_ref, b2_ref, o_ref):
        h = x_ref[...] + p_ref[0] + p_ref[1]
        t = jnp.maximum(
            jnp.dot(h, w1_ref[...], preferred_element_type=jnp.float32)
            + b1_ref[...], 0.0)
        o = (jnp.dot(t, w2_ref[...], preferred_element_type=jnp.float32)
             + b2_ref[...])
        o_ref[...] = jnp.maximum(o, 0.0)

    return pl.pallas_call(
        body,
        grid=(NBLK,),
        in_specs=[
            pl.BlockSpec((ROW_BLK, FEAT), lambda i: (i, 0)),
            pl.BlockSpec((NCORES, ROW_BLK, FEAT), lambda i: (0, i, 0)),
            pl.BlockSpec((FEAT, FEAT), lambda i: (0, 0)),
            pl.BlockSpec((1, FEAT), lambda i: (0, 0)),
            pl.BlockSpec((FEAT, FEAT), lambda i: (0, 0)),
            pl.BlockSpec((1, FEAT), lambda i: (0, 0)),
        ],
        out_specs=pl.BlockSpec((ROW_BLK, FEAT), lambda i: (i, 0)),
        out_shape=jax.ShapeDtypeStruct((N_NODES, FEAT), jnp.float32),
    )(x, p, W1, b1.reshape(1, FEAT), W2, b2.reshape(1, FEAT))


def _conv3_pool_head_call(x, p, W1, b1, W2, b2, batch_r,
                          Wf1, bf1, Wf2p, bf2p):

    def body(x_ref, p_ref, w1_ref, b1_ref, w2_ref, b2_ref, batch_ref,
             hw1_ref, hb1_ref, hw2_ref, hb2_ref, head_ref, acc_ref):
        i = pl.program_id(0)

        @pl.when(i == 0)
        def _():
            acc_ref[...] = jnp.full((NGROUP, FEAT), -jnp.inf, jnp.float32)

        h = x_ref[...] + p_ref[0] + p_ref[1]
        t = jnp.maximum(
            jnp.dot(h, w1_ref[...], preferred_element_type=jnp.float32)
            + b1_ref[...], 0.0)
        o = (jnp.dot(t, w2_ref[...], preferred_element_type=jnp.float32)
             + b2_ref[...])

        b = batch_ref[...]
        glo = jnp.min(b)
        ghi = jnp.max(b)

        def gbody(g, acc):
            m = b == g
            mx = jnp.max(jnp.where(m, o, -jnp.inf), axis=0, keepdims=True)
            rowm = lax.broadcasted_iota(jnp.int32, (NGROUP, 1), 0) == g
            return jnp.where(rowm, jnp.maximum(acc, mx), acc)

        acc_ref[...] = lax.fori_loop(glo, ghi + 1, gbody, acc_ref[...])

        @pl.when(i == NBLK - 1)
        def _():
            th = jnp.maximum(
                jnp.dot(acc_ref[...], hw1_ref[...],
                        preferred_element_type=jnp.float32) + hb1_ref[...],
                0.0)
            head_ref[...] = (
                jnp.dot(th, hw2_ref[...], preferred_element_type=jnp.float32)
                + hb2_ref[...])

    return pl.pallas_call(
        body,
        grid=(NBLK,),
        in_specs=[
            pl.BlockSpec((ROW_BLK, FEAT), lambda i: (i, 0)),
            pl.BlockSpec((NCORES, ROW_BLK, FEAT), lambda i: (0, i, 0)),
            pl.BlockSpec((FEAT, FEAT), lambda i: (0, 0)),
            pl.BlockSpec((1, FEAT), lambda i: (0, 0)),
            pl.BlockSpec((FEAT, FEAT), lambda i: (0, 0)),
            pl.BlockSpec((1, FEAT), lambda i: (0, 0)),
            pl.BlockSpec((ROW_BLK, FEAT), lambda i: (i, 0)),
            pl.BlockSpec((FEAT, FEAT), lambda i: (0, 0)),
            pl.BlockSpec((1, FEAT), lambda i: (0, 0)),
            pl.BlockSpec((FEAT, FEAT), lambda i: (0, 0)),
            pl.BlockSpec((1, FEAT), lambda i: (0, 0)),
        ],
        out_specs=pl.BlockSpec((NGROUP, FEAT), lambda i: (0, 0)),
        out_shape=jax.ShapeDtypeStruct((NGROUP, FEAT), jnp.float32),
        scratch_shapes=[pltpu.VMEM((NGROUP, FEAT), jnp.float32)],
    )(x, p, W1, b1.reshape(1, FEAT), W2, b2.reshape(1, FEAT), batch_r,
      Wf1, bf1.reshape(1, FEAT), Wf2p, bf2p)


def kernel(x, edge_index, batch, W11, b11, W12, b12, W21, b21, W22, b22,
           W31, b31, W32, b32, Wf1, bf1, Wf2, bf2):
    src1 = edge_index[0]
    dst3 = edge_index[1].reshape(NCORES * NSUB, -1, DSTROW)
    zeros = jnp.zeros((N_NODES, FEAT), jnp.float32)

    p1 = _agg_call(x, src1, dst3, zeros)
    h1 = _conv_mlp_call(x, p1, W11, b11, W12, b12)
    p2 = _agg_call(h1, src1, dst3, zeros)
    h2 = _conv_mlp_call(h1, p2, W21, b21, W22, b22)
    p3 = _agg_call(h2, src1, dst3, zeros)

    batch_r = jnp.broadcast_to(batch[:, None], (N_NODES, FEAT))
    C = Wf2.shape[1]
    Wf2p = jnp.pad(Wf2, ((0, 0), (0, FEAT - C)))
    bf2p = jnp.pad(bf2, (0, FEAT - C)).reshape(1, FEAT)
    head = _conv3_pool_head_call(h2, p3, W31, b31, W32, b32, batch_r,
                                 Wf1, bf1, Wf2p, bf2p)
    return head[:, :C]

# --- scband reference (transcript-rebuilt; emitter-appended) ---
"""Pipeline reference for scband-tumor-ginclassifier-22230750724497 (READ-ONLY COPY).

The authoritative reference and input builder live on the scoring server;
editing this copy changes nothing except your own understanding.
"""

import jax, jax.numpy as jnp
import numpy as np

N = 10000
E = 320000
D = 128
H = 128
C = 2
G = 64


def _init_linear(key, fan_in, fan_out):
    k1, k2 = jax.random.split(key)
    lim = 1.0 / np.sqrt(fan_in)
    W = jax.random.uniform(k1, (fan_in, fan_out), minval=-lim, maxval=lim, dtype=jnp.float32)
    b = jax.random.uniform(k2, (fan_out,), minval=-lim, maxval=lim, dtype=jnp.float32)
    return W, b


def setup_inputs(seed: int = 0):
    key = jax.random.key(seed)
    ks = jax.random.split(key, 12)
    x = jax.random.normal(ks[0], (N, D), dtype=jnp.float32)
    edge_index = jax.random.randint(ks[1], (2, E), 0, N, dtype=jnp.int32)
    batch = jnp.sort(jax.random.randint(ks[2], (N,), 0, G, dtype=jnp.int32))
    W11, b11 = _init_linear(ks[3], D, H)
    W12, b12 = _init_linear(ks[4], H, H)
    W21, b21 = _init_linear(ks[5], H, H)
    W22, b22 = _init_linear(ks[6], H, H)
    W31, b31 = _init_linear(ks[7], H, H)
    W32, b32 = _init_linear(ks[8], H, H)
    Wf1, bf1 = _init_linear(ks[9], H, H)
    Wf2, bf2 = _init_linear(ks[10], H, C)
    return {"x": x, "edge_index": edge_index, "batch": batch,
            "W11": W11, "b11": b11, "W12": W12, "b12": b12,
            "W21": W21, "b21": b21, "W22": W22, "b22": b22,
            "W31": W31, "b31": b31, "W32": W32, "b32": b32,
            "Wf1": Wf1, "bf1": bf1, "Wf2": Wf2, "bf2": bf2}


def _gin_conv(x, edge_index, W1, b1, W2, b2):
    # GINConv with eps=0: h_i = MLP((1+eps)*x_i + sum_{j->i} x_j)
    src = edge_index[0]
    dst = edge_index[1]
    agg = jnp.zeros_like(x).at[dst].add(x[src])
    h = x + agg
    h = jnp.maximum(h @ W1 + b1, 0.0)
    h = h @ W2 + b2
    return h


def reference(x, edge_index, batch, W11, b11, W12, b12, W21, b21, W22, b22,
              W31, b31, W32, b32, Wf1, bf1, Wf2, bf2):
    h = jnp.maximum(_gin_conv(x, edge_index, W11, b11, W12, b12), 0.0)
    h = jnp.maximum(_gin_conv(h, edge_index, W21, b21, W22, b22), 0.0)
    h = _gin_conv(h, edge_index, W31, b31, W32, b32)
    pooled = jax.ops.segment_max(h, batch, num_segments=G)
    out = jnp.maximum(pooled @ Wf1 + bf1, 0.0) @ Wf2 + bf2
    return out

if __name__ == "__main__":
    import jax
    _d = setup_inputs()
    print(jax.jit(kernel)(*tuple(_d.values())))

</pallas_src>

<mosaic_0001>
#map = affine_map<(d0, d1) -> (0, 0)>
#map1 = affine_map<(d0, d1) -> (0)>
#map2 = affine_map<(d0, d1) -> (0, 0, 0)>
module attributes {stable_mosaic.version = 14 : i64} {
  func.func @agg(%arg0: i32, %arg1: i32, %arg2: memref<10000x128xf32, #tpu.memory_space<hbm>>, %arg3: memref<320000xi32, #tpu.memory_space<hbm>>, %arg4: memref<32x125x80xi32, #tpu.memory_space<hbm>>, %arg5: memref<10000x128xf32, #tpu.memory_space<hbm>>, %arg6: memref<2x10000x128xf32, #tpu.memory_space<hbm>>, %arg7: memref<10000xi32, #tpu.memory_space<vmem>>, %arg8: memref<125x80xi32, #tpu.memory_space<vmem>>, %arg9: memref<40x128xf32, #tpu.memory_space<vmem>>, %arg10: memref<40x128xf32, #tpu.memory_space<vmem>>, %arg11: memref<40x128xf32, #tpu.memory_space<vmem>>, %arg12: memref<40x128xf32, #tpu.memory_space<vmem>>, %arg13: memref<!tpu.dma_semaphore, #tpu.memory_space<semaphore_mem>>, %arg14: memref<!tpu.dma_semaphore, #tpu.memory_space<semaphore_mem>>, %arg15: memref<!tpu.dma_semaphore, #tpu.memory_space<semaphore_mem>>, %arg16: memref<!tpu.dma_semaphore, #tpu.memory_space<semaphore_mem>>, %arg17: memref<10000x128xf32, #tpu.memory_space<vmem_shared>>) attributes {dimension_semantics = [#tpu.dimension_semantics<core_parallel>, #tpu.dimension_semantics<subcore_parallel>], iteration_bounds = array<i64: 2, 16>, scalar_prefetch = 0 : i64, scratch_operands = 11 : i64, tpu.core_type = #tpu.core_type<sc_vector_subcore>, window_params = [{transform_indices = #map}, {transform_indices = #map1}, {transform_indices = #map2}, {transform_indices = #map}, {transform_indices = #map2}]} {
    %mul3A = arith.constant 624 : i32
    %mul3A_0 = arith.muli %arg1, %mul3A : i32
    "tpu.region"() ({
      %run_scoped3A_83 = tpu.sem_alloc : memref<!tpu.dma_semaphore, #tpu.memory_space<semaphore_mem>>
      %dma_start3A_84 = arith.constant 0 : i32
      %dma_start3A_85 = tpu.memref_slice %arg17[%mul3A_0, %dma_start3A_84] : memref<10000x128xf32, #tpu.memory_space<vmem_shared>> -> memref<624x128xf32, #tpu.memory_space<vmem_shared>>
      %dma_start3A_86 = arith.constant 0 : i32
      %dma_start3A_87 = tpu.memref_slice %arg5[%mul3A_0, %dma_start3A_86] : memref<10000x128xf32, #tpu.memory_space<hbm>> -> memref<624x128xf32, #tpu.memory_space<hbm>>
      tpu.enqueue_dma source(%dma_start3A_87 : memref<624x128xf32, #tpu.memory_space<hbm>>) target(%dma_start3A_85 : memref<624x128xf32, #tpu.memory_space<vmem_shared>>) target_semaphore(%run_scoped3A_83 : memref<!tpu.dma_semaphore, #tpu.memory_space<semaphore_mem>>)
      %dma_wait3A_88 = arith.constant 0 : i32
      %dma_wait3A_89 = tpu.memref_slice %arg17[%mul3A_0, %dma_wait3A_88] : memref<10000x128xf32, #tpu.memory_space<vmem_shared>> -> memref<624x128xf32, #tpu.memory_space<vmem_shared>>
      %dma_wait3A_90 = arith.constant 0 : i32
      %dma_wait3A_91 = tpu.memref_slice %arg5[%mul3A_0, %dma_wait3A_90] : memref<10000x128xf32, #tpu.memory_space<hbm>> -> memref<624x128xf32, #tpu.memory_space<hbm>>
      tpu.wait_dma2 semaphore(%run_scoped3A_83 : memref<!tpu.dma_semaphore, #tpu.memory_space<semaphore_mem>>) src(%dma_wait3A_91 : memref<624x128xf32, #tpu.memory_space<hbm>>) dst(%dma_wait3A_89 : memref<624x128xf32, #tpu.memory_space<vmem_shared>>)
      tpu.yield
    }) : () -> ()
    %eq3A = arith.constant 15 : i32
    %eq3A_1 = arith.cmpi eq, %arg1, %eq3A : i32
    %convert_element_type3A = arith.extui %eq3A_1 : i1 to i32
    %cond3A = arith.constant 0 : i32
    %cond3A_2 = arith.cmpi ne, %convert_element_type3A, %cond3A : i32
    scf.if %cond3A_2 {
      "tpu.region"() ({
        %run_scoped3A_83 = tpu.sem_alloc : memref<!tpu.dma_semaphore, #tpu.memory_space<semaphore_mem>>
        %dma_start3A_84 = arith.constant 9984 : i32
        %dma_start3A_85 = arith.constant 0 : i32
        %dma_start3A_86 = tpu.memref_slice %arg17[%dma_start3A_84, %dma_start3A_85] : memref<10000x128xf32, #tpu.memory_space<vmem_shared>> -> memref<16x128xf32, #tpu.memory_space<vmem_shared>>
        %dma_start3A_87 = arith.constant 9984 : i32
        %dma_start3A_88 = arith.constant 0 : i32
        %dma_start3A_89 = tpu.memref_slice %arg5[%dma_start3A_87, %dma_start3A_88] : memref<10000x128xf32, #tpu.memory_space<hbm>> -> memref<16x128xf32, #tpu.memory_space<hbm>>
        tpu.enqueue_dma source(%dma_start3A_89 : memref<16x128xf32, #tpu.memory_space<hbm>>) target(%dma_start3A_86 : memref<16x128xf32, #tpu.memory_space<vmem_shared>>) target_semaphore(%run_scoped3A_83 : memref<!tpu.dma_semaphore, #tpu.memory_space<semaphore_mem>>)
        %dma_wait3A_90 = arith.constant 9984 : i32
        %dma_wait3A_91 = arith.constant 0 : i32
        %dma_wait3A_92 = tpu.memref_slice %arg17[%dma_wait3A_90, %dma_wait3A_91] : memref<10000x128xf32, #tpu.memory_space<vmem_shared>> -> memref<16x128xf32, #tpu.memory_space<vmem_shared>>
        %dma_wait3A_93 = arith.constant 9984 : i32
        %dma_wait3A_94 = arith.constant 0 : i32
        %dma_wait3A_95 = tpu.memref_slice %arg5[%dma_wait3A_93, %dma_wait3A_94] : memref<10000x128xf32, #tpu.memory_space<hbm>> -> memref<16x128xf32, #tpu.memory_space<hbm>>
        tpu.wait_dma2 semaphore(%run_scoped3A_83 : memref<!tpu.dma_semaphore, #tpu.memory_space<semaphore_mem>>) src(%dma_wait3A_95 : memref<16x128xf32, #tpu.memory_space<hbm>>) dst(%dma_wait3A_92 : memref<16x128xf32, #tpu.memory_space<vmem_shared>>)
        tpu.yield
      }) : () -> ()
    } else {
    }
    %mul3A_3 = arith.constant 16 : i32
    %mul3A_4 = arith.muli %arg0, %mul3A_3 : i32
    %add3A = arith.addi %mul3A_4, %arg1 : i32
    %mul3A_5 = arith.constant 250 : i32
    %mul3A_6 = arith.muli %add3A, %mul3A_5 : i32
    %mul3A_7 = arith.constant 40 : i32
    %mul3A_8 = arith.muli %mul3A_6, %mul3A_7 : i32
    "tpu.region"() ({
      %run_scoped3A_83 = tpu.sem_alloc : memref<!tpu.dma_semaphore, #tpu.memory_space<semaphore_mem>>
      %dma_start3A_84 = tpu.memref_slice %arg3[%mul3A_8] : memref<320000xi32, #tpu.memory_space<hbm>> -> memref<10000xi32, #tpu.memory_space<hbm>>
      %dma_start3A_85 = tpu.memref_slice %arg3[%mul3A_8] : memref<320000xi32, #tpu.memory_space<hbm>> -> memref<10000xi32, #tpu.memory_space<hbm>>
      tpu.enqueue_dma source(%dma_start3A_85 : memref<10000xi32, #tpu.memory_space<hbm>>) target(%arg7 : memref<10000xi32, #tpu.memory_space<vmem>>) target_semaphore(%run_scoped3A_83 : memref<!tpu.dma_semaphore, #tpu.memory_space<semaphore_mem>>)
      %dma_wait3A_86 = tpu.memref_slice %arg3[%mul3A_8] : memref<320000xi32, #tpu.memory_space<hbm>> -> memref<10000xi32, #tpu.memory_space<hbm>>
      %dma_wait3A_87 = tpu.memref_slice %arg3[%mul3A_8] : memref<320000xi32, #tpu.memory_space<hbm>> -> memref<10000xi32, #tpu.memory_space<hbm>>
      tpu.wait_dma2 semaphore(%run_scoped3A_83 : memref<!tpu.dma_semaphore, #tpu.memory_space<semaphore_mem>>) src(%dma_wait3A_87 : memref<10000xi32, #tpu.memory_space<hbm>>) dst(%arg7 : memref<10000xi32, #tpu.memory_space<vmem>>)
      tpu.yield
    }) : () -> ()
    "tpu.region"() ({
      %run_scoped3A_83 = tpu.sem_alloc : memref<!tpu.dma_semaphore, #tpu.memory_space<semaphore_mem>>
      %dma_start3A_84 = arith.constant 0 : i32
      %dma_start3A_85 = arith.constant 0 : i32
      %dma_start3A_86 = tpu.memref_slice %arg4[%add3A, %dma_start3A_84, %dma_start3A_85] : memref<32x125x80xi32, #tpu.memory_space<hbm>> -> memref<1x125x80xi32, #tpu.memory_space<hbm>>
      %dma_start3A_87 = tpu.memref_squeeze %dma_start3A_86 : memref<1x125x80xi32, #tpu.memory_space<hbm>> -> memref<125x80xi32, #tpu.memory_space<hbm>>
      %dma_start3A_88 = arith.constant 0 : i32
      %dma_start3A_89 = arith.constant 0 : i32
      %dma_start3A_90 = tpu.memref_slice %arg4[%add3A, %dma_start3A_88, %dma_start3A_89] : memref<32x125x80xi32, #tpu.memory_space<hbm>> -> memref<1x125x80xi32, #tpu.memory_space<hbm>>
      %dma_start3A_91 = tpu.memref_squeeze %dma_start3A_90 : memref<1x125x80xi32, #tpu.memory_space<hbm>> -> memref<125x80xi32, #tpu.memory_space<hbm>>
      tpu.enqueue_dma source(%dma_start3A_91 : memref<125x80xi32, #tpu.memory_space<hbm>>) target(%arg8 : memref<125x80xi32, #tpu.memory_space<vmem>>) target_semaphore(%run_scoped3A_83 : memref<!tpu.dma_semaphore, #tpu.memory_space<semaphore_mem>>)
      %dma_wait3A_92 = arith.constant 0 : i32
      %dma_wait3A_93 = arith.constant 0 : i32
      %dma_wait3A_94 = tpu.memref_slice %arg4[%add3A, %dma_wait3A_92, %dma_wait3A_93] : memref<32x125x80xi32, #tpu.memory_space<hbm>> -> memref<1x125x80xi32, #tpu.memory_space<hbm>>
      %dma_wait3A_95 = tpu.memref_squeeze %dma_wait3A_94 : memref<1x125x80xi32, #tpu.memory_space<hbm>> -> memref<125x80xi32, #tpu.memory_space<hbm>>
      %dma_wait3A_96 = arith.constant 0 : i32
      %dma_wait3A_97 = arith.constant 0 : i32
      %dma_wait3A_98 = tpu.memref_slice %arg4[%add3A, %dma_wait3A_96, %dma_wait3A_97] : memref<32x125x80xi32, #tpu.memory_space<hbm>> -> memref<1x125x80xi32, #tpu.memory_space<hbm>>
      %dma_wait3A_99 = tpu.memref_squeeze %dma_wait3A_98 : memref<1x125x80xi32, #tpu.memory_space<hbm>> -> memref<125x80xi32, #tpu.memory_space<hbm>>
      tpu.wait_dma2 semaphore(%run_scoped3A_83 : memref<!tpu.dma_semaphore, #tpu.memory_space<semaphore_mem>>) src(%dma_wait3A_99 : memref<125x80xi32, #tpu.memory_space<hbm>>) dst(%arg8 : memref<125x80xi32, #tpu.memory_space<vmem>>)
      tpu.yield
    }) : () -> ()
    %barrier3A = arith.constant 0 : index
    tpu.barrier barrier_id(%barrier3A)
    %dma_start3A = arith.constant 0 : i32
    %dma_start3A_9 = tpu.memref_slice %arg7[%dma_start3A] : memref<10000xi32, #tpu.memory_space<vmem>> -> memref<40xi32, #tpu.memory_space<vmem>>
    %dma_start3A_10 = arith.constant 0 : i32
    %dma_start3A_11 = arith.constant 0 : i32
    %dma_start3A_12 = tpu.memref_slice %arg2[%dma_start3A_10, %dma_start3A_11] : memref<10000x128xf32, #tpu.memory_space<hbm>> -> memref<10000x128xf32, #tpu.memory_space<hbm>>
    tpu.enqueue_indirect_dma source(%dma_start3A_12 : memref<10000x128xf32, #tpu.memory_space<hbm>>) target(%arg9 : memref<40x128xf32, #tpu.memory_space<vmem>>) offsets(%dma_start3A_9 : memref<40xi32, #tpu.memory_space<vmem>>) semaphore(%arg13 : memref<!tpu.dma_semaphore, #tpu.memory_space<semaphore_mem>>)
    %dma_start3A_13 = arith.constant 40 : i32
    %dma_start3A_14 = tpu.memref_slice %arg7[%dma_start3A_13] : memref<10000xi32, #tpu.memory_space<vmem>> -> memref<40xi32, #tpu.memory_space<vmem>>
    %dma_start3A_15 = arith.constant 0 : i32
    %dma_start3A_16 = arith.constant 0 : i32
    %dma_start3A_17 = tpu.memref_slice %arg2[%dma_start3A_15, %dma_start3A_16] : memref<10000x128xf32, #tpu.memory_space<hbm>> -> memref<10000x128xf32, #tpu.memory_space<hbm>>
    tpu.enqueue_indirect_dma source(%dma_start3A_17 : memref<10000x128xf32, #tpu.memory_space<hbm>>) target(%arg10 : memref<40x128xf32, #tpu.memory_space<vmem>>) offsets(%dma_start3A_14 : memref<40xi32, #tpu.memory_space<vmem>>) semaphore(%arg14 : memref<!tpu.dma_semaphore, #tpu.memory_space<semaphore_mem>>)
    %dma_start3A_18 = arith.constant 80 : i32
    %dma_start3A_19 = tpu.memref_slice %arg7[%dma_start3A_18] : memref<10000xi32, #tpu.memory_space<vmem>> -> memref<40xi32, #tpu.memory_space<vmem>>
    %dma_start3A_20 = arith.constant 0 : i32
    %dma_start3A_21 = arith.constant 0 : i32
    %dma_start3A_22 = tpu.memref_slice %arg2[%dma_start3A_20, %dma_start3A_21] : memref<10000x128xf32, #tpu.memory_space<hbm>> -> memref<10000x128xf32, #tpu.memory_space<hbm>>
    tpu.enqueue_indirect_dma source(%dma_start3A_22 : memref<10000x128xf32, #tpu.memory_space<hbm>>) target(%arg11 : memref<40x128xf32, #tpu.memory_space<vmem>>) offsets(%dma_start3A_19 : memref<40xi32, #tpu.memory_space<vmem>>) semaphore(%arg15 : memref<!tpu.dma_semaphore, #tpu.memory_space<semaphore_mem>>)
    %scan3A = arith.constant 0 : i32
    %scan3A_23 = arith.constant 0 : i32
    %scan3A_24 = arith.constant 61 : i32
    %scan3A_25 = arith.addi %scan3A_23, %scan3A_24 : i32
    %scan3A_26 = arith.constant 1 : i32
    scf.for %scan3A_83 = %scan3A_23 to %scan3A_25 step %scan3A_26  : i32 {
      %mul3A_84 = arith.constant 4 : i32
      %mul3A_85 = arith.muli %mul3A_84, %scan3A_83 : i32
      %add3A_86 = arith.constant 0 : i32
      %add3A_87 = arith.addi %mul3A_85, %add3A_86 : i32
      %mul3A_88 = arith.constant 40 : i32
      %mul3A_89 = arith.muli %add3A_87, %mul3A_88 : i32
      %dma_wait3A_90 = tpu.memref_slice %arg7[%mul3A_89] : memref<10000xi32, #tpu.memory_space<vmem>> -> memref<40xi32, #tpu.memory_space<vmem>>
      %dma_wait3A_91 = arith.constant 0 : i32
      %dma_wait3A_92 = arith.constant 0 : i32
      %dma_wait3A_93 = tpu.memref_slice %arg2[%dma_wait3A_91, %dma_wait3A_92] : memref<10000x128xf32, #tpu.memory_space<hbm>> -> memref<10000x128xf32, #tpu.memory_space<hbm>>
      tpu.wait_indirect_dma semaphore(%arg13 : memref<!tpu.dma_semaphore, #tpu.memory_space<semaphore_mem>>) src(%dma_wait3A_93 : memref<10000x128xf32, #tpu.memory_space<hbm>>) dst(%arg9 : memref<40x128xf32, #tpu.memory_space<vmem>>)
      %add3A_94 = arith.constant 0 : i32
      %add3A_95 = arith.addi %mul3A_85, %add3A_94 : i32
      %add3A_96 = arith.constant 4 : i32
      %add3A_97 = arith.addi %add3A_95, %add3A_96 : i32
      %sub3A = arith.constant 1 : i32
      %sub3A_98 = arith.subi %add3A_97, %sub3A : i32
      %mul3A_99 = arith.constant 40 : i32
      %mul3A_100 = arith.muli %sub3A_98, %mul3A_99 : i32
      %dma_start3A_101 = tpu.memref_slice %arg7[%mul3A_100] : memref<10000xi32, #tpu.memory_space<vmem>> -> memref<40xi32, #tpu.memory_space<vmem>>
      %dma_start3A_102 = arith.constant 0 : i32
      %dma_start3A_103 = arith.constant 0 : i32
      %dma_start3A_104 = tpu.memref_slice %arg2[%dma_start3A_102, %dma_start3A_103] : memref<10000x128xf32, #tpu.memory_space<hbm>> -> memref<10000x128xf32, #tpu.memory_space<hbm>>
      tpu.enqueue_indirect_dma source(%dma_start3A_104 : memref<10000x128xf32, #tpu.memory_space<hbm>>) target(%arg12 : memref<40x128xf32, #tpu.memory_space<vmem>>) offsets(%dma_start3A_101 : memref<40xi32, #tpu.memory_space<vmem>>) semaphore(%arg16 : memref<!tpu.dma_semaphore, #tpu.memory_space<semaphore_mem>>)
      %mul3A_105 = arith.constant 2 : i32
      %mul3A_106 = arith.muli %mul3A_105, %scan3A_83 : i32
      %add3A_107 = arith.constant 0 : i32
      %add3A_108 = arith.addi %mul3A_106, %add3A_107 : i32
      "tpu.region"() ({
        %run_scoped3A_181 = tpu.sem_alloc : memref<!tpu.dma_semaphore, #tpu.memory_space<semaphore_mem>>
        %dma_start3A_182 = arith.constant 0 : i32
        %dma_start3A_183 = tpu.memref_slice %arg8[%add3A_108, %dma_start3A_182] : memref<125x80xi32, #tpu.memory_space<vmem>> -> memref<1x40xi32, #tpu.memory_space<vmem>>
        %dma_start3A_184 = tpu.memref_squeeze %dma_start3A_183 : memref<1x40xi32, #tpu.memory_space<vmem>> -> memref<40xi32, #tpu.memory_space<vmem>>
        %dma_start3A_185 = arith.constant 0 : i32
        %dma_start3A_186 = arith.constant 0 : i32
        %dma_start3A_187 = tpu.memref_slice %arg17[%dma_start3A_185, %dma_start3A_186] : memref<10000x128xf32, #tpu.memory_space<vmem_shared>> -> memref<10000x128xf32, #tpu.memory_space<vmem_shared>>
        tpu.enqueue_indirect_dma source(%arg9 : memref<40x128xf32, #tpu.memory_space<vmem>>) target(%dma_start3A_187 : memref<10000x128xf32, #tpu.memory_space<vmem_shared>>) offsets(%dma_start3A_184 : memref<40xi32, #tpu.memory_space<vmem>>) semaphore(%run_scoped3A_181 : memref<!tpu.dma_semaphore, #tpu.memory_space<semaphore_mem>>) {add = true}
        %dma_wait3A_188 = arith.constant 0 : i32
        %dma_wait3A_189 = tpu.memref_slice %arg8[%add3A_108, %dma_wait3A_188] : memref<125x80xi32, #tpu.memory_space<vmem>> -> memref<1x40xi32, #tpu.memory_space<vmem>>
        %dma_wait3A_190 = tpu.memref_squeeze %dma_wait3A_189 : memref<1x40xi32, #tpu.memory_space<vmem>> -> memref<40xi32, #tpu.memory_space<vmem>>
        %dma_wait3A_191 = arith.constant 0 : i32
        %dma_wait3A_192 = arith.constant 0 : i32
        %dma_wait3A_193 = tpu.memref_slice %arg17[%dma_wait3A_191, %dma_wait3A_192] : memref<10000x128xf32, #tpu.memory_space<vmem_shared>> -> memref<10000x128xf32, #tpu.memory_space<vmem_shared>>
        tpu.wait_indirect_dma semaphore(%run_scoped3A_181 : memref<!tpu.dma_semaphore, #tpu.memory_space<semaphore_mem>>) src(%arg9 : memref<40x128xf32, #tpu.memory_space<vmem>>) dst(%dma_wait3A_193 : memref<10000x128xf32, #tpu.memory_space<vmem_shared>>)
        tpu.yield
      }) : () -> ()
      %add3A_109 = arith.constant 1 : i32
      %add3A_110 = arith.addi %mul3A_85, %add3A_109 : i32
      %mul3A_111 = arith.constant 40 : i32
      %mul3A_112 = arith.muli %add3A_110, %mul3A_111 : i32
      %dma_wait3A_113 = tpu.memref_slice %arg7[%mul3A_112] : memref<10000xi32, #tpu.memory_space<vmem>> -> memref<40xi32, #tpu.memory_space<vmem>>
      %dma_wait3A_114 = arith.constant 0 : i32
      %dma_wait3A_115 = arith.constant 0 : i32
      %dma_wait3A_116 = tpu.memref_slice %arg2[%dma_wait3A_114, %dma_wait3A_115] : memref<10000x128xf32, #tpu.memory_space<hbm>> -> memref<10000x128xf32, #tpu.memory_space<hbm>>
      tpu.wait_indirect_dma semaphore(%arg14 : memref<!tpu.dma_semaphore, #tpu.memory_space<semaphore_mem>>) src(%dma_wait3A_116 : memref<10000x128xf32, #tpu.memory_space<hbm>>) dst(%arg10 : memref<40x128xf32, #tpu.memory_space<vmem>>)
      %add3A_117 = arith.constant 1 : i32
      %add3A_118 = arith.addi %mul3A_85, %add3A_117 : i32
      %add3A_119 = arith.constant 4 : i32
      %add3A_120 = arith.addi %add3A_118, %add3A_119 : i32
      %sub3A_121 = arith.constant 1 : i32
      %sub3A_122 = arith.subi %add3A_120, %sub3A_121 : i32
      %mul3A_123 = arith.constant 40 : i32
      %mul3A_124 = arith.muli %sub3A_122, %mul3A_123 : i32
      %dma_start3A_125 = tpu.memref_slice %arg7[%mul3A_124] : memref<10000xi32, #tpu.memory_space<vmem>> -> memref<40xi32, #tpu.memory_space<vmem>>
      %dma_start3A_126 = arith.constant 0 : i32
      %dma_start3A_127 = arith.constant 0 : i32
      %dma_start3A_128 = tpu.memref_slice %arg2[%dma_start3A_126, %dma_start3A_127] : memref<10000x128xf32, #tpu.memory_space<hbm>> -> memref<10000x128xf32, #tpu.memory_space<hbm>>
      tpu.enqueue_indirect_dma source(%dma_start3A_128 : memref<10000x128xf32, #tpu.memory_space<hbm>>) target(%arg9 : memref<40x128xf32, #tpu.memory_space<vmem>>) offsets(%dma_start3A_125 : memref<40xi32, #tpu.memory_space<vmem>>) semaphore(%arg13 : memref<!tpu.dma_semaphore, #tpu.memory_space<semaphore_mem>>)
      %mul3A_129 = arith.constant 2 : i32
      %mul3A_130 = arith.muli %mul3A_129, %scan3A_83 : i32
      %add3A_131 = arith.constant 0 : i32
      %add3A_132 = arith.addi %mul3A_130, %add3A_131 : i32
      "tpu.region"() ({
        %run_scoped3A_181 = tpu.sem_alloc : memref<!tpu.dma_semaphore, #tpu.memory_space<semaphore_mem>>
        %dma_start3A_182 = arith.constant 40 : i32
        %dma_start3A_183 = tpu.memref_slice %arg8[%add3A_132, %dma_start3A_182] : memref<125x80xi32, #tpu.memory_space<vmem>> -> memref<1x40xi32, #tpu.memory_space<vmem>>
        %dma_start3A_184 = tpu.memref_squeeze %dma_start3A_183 : memref<1x40xi32, #tpu.memory_space<vmem>> -> memref<40xi32, #tpu.memory_space<vmem>>
        %dma_start3A_185 = arith.constant 0 : i32
        %dma_start3A_186 = arith.constant 0 : i32
        %dma_start3A_187 = tpu.memref_slice %arg17[%dma_start3A_185, %dma_start3A_186] : memref<10000x128xf32, #tpu.memory_space<vmem_shared>> -> memref<10000x128xf32, #tpu.memory_space<vmem_shared>>
        tpu.enqueue_indirect_dma source(%arg10 : memref<40x128xf32, #tpu.memory_space<vmem>>) target(%dma_start3A_187 : memref<10000x128xf32, #tpu.memory_space<vmem_shared>>) offsets(%dma_start3A_184 : memref<40xi32, #tpu.memory_space<vmem>>) semaphore(%run_scoped3A_181 : memref<!tpu.dma_semaphore, #tpu.memory_space<semaphore_mem>>) {add = true}
        %dma_wait3A_188 = arith.constant 40 : i32
        %dma_wait3A_189 = tpu.memref_slice %arg8[%add3A_132, %dma_wait3A_188] : memref<125x80xi32, #tpu.memory_space<vmem>> -> memref<1x40xi32, #tpu.memory_space<vmem>>
        %dma_wait3A_190 = tpu.memref_squeeze %dma_wait3A_189 : memref<1x40xi32, #tpu.memory_space<vmem>> -> memref<40xi32, #tpu.memory_space<vmem>>
        %dma_wait3A_191 = arith.constant 0 : i32
        %dma_wait3A_192 = arith.constant 0 : i32
        %dma_wait3A_193 = tpu.memref_slice %arg17[%dma_wait3A_191, %dma_wait3A_192] : memref<10000x128xf32, #tpu.memory_space<vmem_shared>> -> memref<10000x128xf32, #tpu.memory_space<vmem_shared>>
        tpu.wait_indirect_dma semaphore(%run_scoped3A_181 : memref<!tpu.dma_semaphore, #tpu.memory_space<semaphore_mem>>) src(%arg10 : memref<40x128xf32, #tpu.memory_space<vmem>>) dst(%dma_wait3A_193 : memref<10000x128xf32, #tpu.memory_space<vmem_shared>>)
        tpu.yield
      }) : () -> ()
      %add3A_133 = arith.constant 2 : i32
      %add3A_134 = arith.addi %mul3A_85, %add3A_133 : i32
      %mul3A_135 = arith.constant 40 : i32
      %mul3A_136 = arith.muli %add3A_134, %mul3A_135 : i32
      %dma_wait3A_137 = tpu.memref_slice %arg7[%mul3A_136] : memref<10000xi32, #tpu.memory_space<vmem>> -> memref<40xi32, #tpu.memory_space<vmem>>
      %dma_wait3A_138 = arith.constant 0 : i32
      %dma_wait3A_139 = arith.constant 0 : i32
      %dma_wait3A_140 = tpu.memref_slice %arg2[%dma_wait3A_138, %dma_wait3A_139] : memref<10000x128xf32, #tpu.memory_space<hbm>> -> memref<10000x128xf32, #tpu.memory_space<hbm>>
      tpu.wait_indirect_dma semaphore(%arg15 : memref<!tpu.dma_semaphore, #tpu.memory_space<semaphore_mem>>) src(%dma_wait3A_140 : memref<10000x128xf32, #tpu.memory_space<hbm>>) dst(%arg11 : memref<40x128xf32, #tpu.memory_space<vmem>>)
      %add3A_141 = arith.constant 2 : i32
      %add3A_142 = arith.addi %mul3A_85, %add3A_141 : i32
      %add3A_143 = arith.constant 4 : i32
      %add3A_144 = arith.addi %add3A_142, %add3A_143 : i32
      %sub3A_145 = arith.constant 1 : i32
      %sub3A_146 = arith.subi %add3A_144, %sub3A_145 : i32
      %mul3A_147 = arith.constant 40 : i32
      %mul3A_148 = arith.muli %sub3A_146, %mul3A_147 : i32
      %dma_start3A_149 = tpu.memref_slice %arg7[%mul3A_148] : memref<10000xi32, #tpu.memory_space<vmem>> -> memref<40xi32, #tpu.memory_space<vmem>>
      %dma_start3A_150 = arith.constant 0 : i32
      %dma_start3A_151 = arith.constant 0 : i32
      %dma_start3A_152 = tpu.memref_slice %arg2[%dma_start3A_150, %dma_start3A_151] : memref<10000x128xf32, #tpu.memory_space<hbm>> -> memref<10000x128xf32, #tpu.memory_space<hbm>>
      tpu.enqueue_indirect_dma source(%dma_start3A_152 : memref<10000x128xf32, #tpu.memory_space<hbm>>) target(%arg10 : memref<40x128xf32, #tpu.memory_space<vmem>>) offsets(%dma_start3A_149 : memref<40xi32, #tpu.memory_space<vmem>>) semaphore(%arg14 : memref<!tpu.dma_semaphore, #tpu.memory_space<semaphore_mem>>)
      %mul3A_153 = arith.constant 2 : i32
      %mul3A_154 = arith.muli %mul3A_153, %scan3A_83 : i32
      %add3A_155 = arith.constant 1 : i32
      %add3A_156 = arith.addi %mul3A_154, %add3A_155 : i32
      "tpu.region"() ({
        %run_scoped3A_181 = tpu.sem_alloc : memref<!tpu.dma_semaphore, #tpu.memory_space<semaphore_mem>>
        %dma_start3A_182 = arith.constant 0 : i32
        %dma_start3A_183 = tpu.memref_slice %arg8[%add3A_156, %dma_start3A_182] : memref<125x80xi32, #tpu.memory_space<vmem>> -> memref<1x40xi32, #tpu.memory_space<vmem>>
        %dma_start3A_184 = tpu.memref_squeeze %dma_start3A_183 : memref<1x40xi32, #tpu.memory_space<vmem>> -> memref<40xi32, #tpu.memory_space<vmem>>
        %dma_start3A_185 = arith.constant 0 : i32
        %dma_start3A_186 = arith.constant 0 : i32
        %dma_start3A_187 = tpu.memref_slice %arg17[%dma_start3A_185, %dma_start3A_186] : memref<10000x128xf32, #tpu.memory_space<vmem_shared>> -> memref<10000x128xf32, #tpu.memory_space<vmem_shared>>
        tpu.enqueue_indirect_dma source(%arg11 : memref<40x128xf32, #tpu.memory_space<vmem>>) target(%dma_start3A_187 : memref<10000x128xf32, #tpu.memory_space<vmem_shared>>) offsets(%dma_start3A_184 : memref<40xi32, #tpu.memory_space<vmem>>) semaphore(%run_scoped3A_181 : memref<!tpu.dma_semaphore, #tpu.memory_space<semaphore_mem>>) {add = true}
        %dma_wait3A_188 = arith.constant 0 : i32
        %dma_wait3A_189 = tpu.memref_slice %arg8[%add3A_156, %dma_wait3A_188] : memref<125x80xi32, #tpu.memory_space<vmem>> -> memref<1x40xi32, #tpu.memory_space<vmem>>
        %dma_wait3A_190 = tpu.memref_squeeze %dma_wait3A_189 : memref<1x40xi32, #tpu.memory_space<vmem>> -> memref<40xi32, #tpu.memory_space<vmem>>
        %dma_wait3A_191 = arith.constant 0 : i32
        %dma_wait3A_192 = arith.constant 0 : i32
        %dma_wait3A_193 = tpu.memref_slice %arg17[%dma_wait3A_191, %dma_wait3A_192] : memref<10000x128xf32, #tpu.memory_space<vmem_shared>> -> memref<10000x128xf32, #tpu.memory_space<vmem_shared>>
        tpu.wait_indirect_dma semaphore(%run_scoped3A_181 : memref<!tpu.dma_semaphore, #tpu.memory_space<semaphore_mem>>) src(%arg11 : memref<40x128xf32, #tpu.memory_space<vmem>>) dst(%dma_wait3A_193 : memref<10000x128xf32, #tpu.memory_space<vmem_shared>>)
        tpu.yield
      }) : () -> ()
      %add3A_157 = arith.constant 3 : i32
      %add3A_158 = arith.addi %mul3A_85, %add3A_157 : i32
      %mul3A_159 = arith.constant 40 : i32
      %mul3A_160 = arith.muli %add3A_158, %mul3A_159 : i32
      %dma_wait3A_161 = tpu.memref_slice %arg7[%mul3A_160] : memref<10000xi32, #tpu.memory_space<vmem>> -> memref<40xi32, #tpu.memory_space<vmem>>
      %dma_wait3A_162 = arith.constant 0 : i32
      %dma_wait3A_163 = arith.constant 0 : i32
      %dma_wait3A_164 = tpu.memref_slice %arg2[%dma_wait3A_162, %dma_wait3A_163] : memref<10000x128xf32, #tpu.memory_space<hbm>> -> memref<10000x128xf32, #tpu.memory_space<hbm>>
      tpu.wait_indirect_dma semaphore(%arg16 : memref<!tpu.dma_semaphore, #tpu.memory_space<semaphore_mem>>) src(%dma_wait3A_164 : memref<10000x128xf32, #tpu.memory_space<hbm>>) dst(%arg12 : memref<40x128xf32, #tpu.memory_space<vmem>>)
      %add3A_165 = arith.constant 3 : i32
      %add3A_166 = arith.addi %mul3A_85, %add3A_165 : i32
      %add3A_167 = arith.constant 4 : i32
      %add3A_168 = arith.addi %add3A_166, %add3A_167 : i32
      %sub3A_169 = arith.constant 1 : i32
      %sub3A_170 = arith.subi %add3A_168, %sub3A_169 : i32
      %mul3A_171 = arith.constant 40 : i32
      %mul3A_172 = arith.muli %sub3A_170, %mul3A_171 : i32
      %dma_start3A_173 = tpu.memref_slice %arg7[%mul3A_172] : memref<10000xi32, #tpu.memory_space<vmem>> -> memref<40xi32, #tpu.memory_space<vmem>>
      %dma_start3A_174 = arith.constant 0 : i32
      %dma_start3A_175 = arith.constant 0 : i32
      %dma_start3A_176 = tpu.memref_slice %arg2[%dma_start3A_174, %dma_start3A_175] : memref<10000x128xf32, #tpu.memory_space<hbm>> -> memref<10000x128xf32, #tpu.memory_space<hbm>>
      tpu.enqueue_indirect_dma source(%dma_start3A_176 : memref<10000x128xf32, #tpu.memory_space<hbm>>) target(%arg11 : memref<40x128xf32, #tpu.memory_space<vmem>>) offsets(%dma_start3A_173 : memref<40xi32, #tpu.memory_space<vmem>>) semaphore(%arg15 : memref<!tpu.dma_semaphore, #tpu.memory_space<semaphore_mem>>)
      %mul3A_177 = arith.constant 2 : i32
      %mul3A_178 = arith.muli %mul3A_177, %scan3A_83 : i32
      %add3A_179 = arith.constant 1 : i32
      %add3A_180 = arith.addi %mul3A_178, %add3A_179 : i32
      "tpu.region"() ({
        %run_scoped3A_181 = tpu.sem_alloc : memref<!tpu.dma_semaphore, #tpu.memory_space<semaphore_mem>>
        %dma_start3A_182 = arith.constant 40 : i32
        %dma_start3A_183 = tpu.memref_slice %arg8[%add3A_180, %dma_start3A_182] : memref<125x80xi32, #tpu.memory_space<vmem>> -> memref<1x40xi32, #tpu.memory_space<vmem>>
        %dma_start3A_184 = tpu.memref_squeeze %dma_start3A_183 : memref<1x40xi32, #tpu.memory_space<vmem>> -> memref<40xi32, #tpu.memory_space<vmem>>
        %dma_start3A_185 = arith.constant 0 : i32
        %dma_start3A_186 = arith.constant 0 : i32
        %dma_start3A_187 = tpu.memref_slice %arg17[%dma_start3A_185, %dma_start3A_186] : memref<10000x128xf32, #tpu.memory_space<vmem_shared>> -> memref<10000x128xf32, #tpu.memory_space<vmem_shared>>
        tpu.enqueue_indirect_dma source(%arg12 : memref<40x128xf32, #tpu.memory_space<vmem>>) target(%dma_start3A_187 : memref<10000x128xf32, #tpu.memory_space<vmem_shared>>) offsets(%dma_start3A_184 : memref<40xi32, #tpu.memory_space<vmem>>) semaphore(%run_scoped3A_181 : memref<!tpu.dma_semaphore, #tpu.memory_space<semaphore_mem>>) {add = true}
        %dma_wait3A_188 = arith.constant 40 : i32
        %dma_wait3A_189 = tpu.memref_slice %arg8[%add3A_180, %dma_wait3A_188] : memref<125x80xi32, #tpu.memory_space<vmem>> -> memref<1x40xi32, #tpu.memory_space<vmem>>
        %dma_wait3A_190 = tpu.memref_squeeze %dma_wait3A_189 : memref<1x40xi32, #tpu.memory_space<vmem>> -> memref<40xi32, #tpu.memory_space<vmem>>
        %dma_wait3A_191 = arith.constant 0 : i32
        %dma_wait3A_192 = arith.constant 0 : i32
        %dma_wait3A_193 = tpu.memref_slice %arg17[%dma_wait3A_191, %dma_wait3A_192] : memref<10000x128xf32, #tpu.memory_space<vmem_shared>> -> memref<10000x128xf32, #tpu.memory_space<vmem_shared>>
        tpu.wait_indirect_dma semaphore(%run_scoped3A_181 : memref<!tpu.dma_semaphore, #tpu.memory_space<semaphore_mem>>) src(%arg12 : memref<40x128xf32, #tpu.memory_space<vmem>>) dst(%dma_wait3A_193 : memref<10000x128xf32, #tpu.memory_space<vmem_shared>>)
        tpu.yield
      }) : () -> ()
    }
    %scan3A_27 = arith.constant 61 : i32
    %dma_wait3A = arith.constant 9760 : i32
    %dma_wait3A_28 = tpu.memref_slice %arg7[%dma_wait3A] : memref<10000xi32, #tpu.memory_space<vmem>> -> memref<40xi32, #tpu.memory_space<vmem>>
    %dma_wait3A_29 = arith.constant 0 : i32
    %dma_wait3A_30 = arith.constant 0 : i32
    %dma_wait3A_31 = tpu.memref_slice %arg2[%dma_wait3A_29, %dma_wait3A_30] : memref<10000x128xf32, #tpu.memory_space<hbm>> -> memref<10000x128xf32, #tpu.memory_space<hbm>>
    tpu.wait_indirect_dma semaphore(%arg13 : memref<!tpu.dma_semaphore, #tpu.memory_space<semaphore_mem>>) src(%dma_wait3A_31 : memref<10000x128xf32, #tpu.memory_space<hbm>>) dst(%arg9 : memref<40x128xf32, #tpu.memory_space<vmem>>)
    %dma_start3A_32 = arith.constant 9880 : i32
    %dma_start3A_33 = tpu.memref_slice %arg7[%dma_start3A_32] : memref<10000xi32, #tpu.memory_space<vmem>> -> memref<40xi32, #tpu.memory_space<vmem>>
    %dma_start3A_34 = arith.constant 0 : i32
    %dma_start3A_35 = arith.constant 0 : i32
    %dma_start3A_36 = tpu.memref_slice %arg2[%dma_start3A_34, %dma_start3A_35] : memref<10000x128xf32, #tpu.memory_space<hbm>> -> memref<10000x128xf32, #tpu.memory_space<hbm>>
    tpu.enqueue_indirect_dma source(%dma_start3A_36 : memref<10000x128xf32, #tpu.memory_space<hbm>>) target(%arg12 : memref<40x128xf32, #tpu.memory_space<vmem>>) offsets(%dma_start3A_33 : memref<40xi32, #tpu.memory_space<vmem>>) semaphore(%arg16 : memref<!tpu.dma_semaphore, #tpu.memory_space<semaphore_mem>>)
    %run_scoped3A = arith.constant 122 : i32
    "tpu.region"() ({
      %run_scoped3A_83 = tpu.sem_alloc : memref<!tpu.dma_semaphore, #tpu.memory_space<semaphore_mem>>
      %dma_start3A_84 = arith.constant 0 : i32
      %dma_start3A_85 = tpu.memref_slice %arg8[%run_scoped3A, %dma_start3A_84] : memref<125x80xi32, #tpu.memory_space<vmem>> -> memref<1x40xi32, #tpu.memory_space<vmem>>
      %dma_start3A_86 = tpu.memref_squeeze %dma_start3A_85 : memref<1x40xi32, #tpu.memory_space<vmem>> -> memref<40xi32, #tpu.memory_space<vmem>>
      %dma_start3A_87 = arith.constant 0 : i32
      %dma_start3A_88 = arith.constant 0 : i32
      %dma_start3A_89 = tpu.memref_slice %arg17[%dma_start3A_87, %dma_start3A_88] : memref<10000x128xf32, #tpu.memory_space<vmem_shared>> -> memref<10000x128xf32, #tpu.memory_space<vmem_shared>>
      tpu.enqueue_indirect_dma source(%arg9 : memref<40x128xf32, #tpu.memory_space<vmem>>) target(%dma_start3A_89 : memref<10000x128xf32, #tpu.memory_space<vmem_shared>>) offsets(%dma_start3A_86 : memref<40xi32, #tpu.memory_space<vmem>>) semaphore(%run_scoped3A_83 : memref<!tpu.dma_semaphore, #tpu.memory_space<semaphore_mem>>) {add = true}
      %dma_wait3A_90 = arith.constant 0 : i32
      %dma_wait3A_91 = tpu.memref_slice %arg8[%run_scoped3A, %dma_wait3A_90] : memref<125x80xi32, #tpu.memory_space<vmem>> -> memref<1x40xi32, #tpu.memory_space<vmem>>
      %dma_wait3A_92 = tpu.memref_squeeze %dma_wait3A_91 : memref<1x40xi32, #tpu.memory_space<vmem>> -> memref<40xi32, #tpu.memory_space<vmem>>
      %dma_wait3A_93 = arith.constant 0 : i32
      %dma_wait3A_94 = arith.constant 0 : i32
      %dma_wait3A_95 = tpu.memref_slice %arg17[%dma_wait3A_93, %dma_wait3A_94] : memref<10000x128xf32, #tpu.memory_space<vmem_shared>> -> memref<10000x128xf32, #tpu.memory_space<vmem_shared>>
      tpu.wait_indirect_dma semaphore(%run_scoped3A_83 : memref<!tpu.dma_semaphore, #tpu.memory_space<semaphore_mem>>) src(%arg9 : memref<40x128xf32, #tpu.memory_space<vmem>>) dst(%dma_wait3A_95 : memref<10000x128xf32, #tpu.memory_space<vmem_shared>>)
      tpu.yield
    }) : () -> ()
    %dma_wait3A_37 = arith.constant 9800 : i32
    %dma_wait3A_38 = tpu.memref_slice %arg7[%dma_wait3A_37] : memref<10000xi32, #tpu.memory_space<vmem>> -> memref<40xi32, #tpu.memory_space<vmem>>
    %dma_wait3A_39 = arith.constant 0 : i32
    %dma_wait3A_40 = arith.constant 0 : i32
    %dma_wait3A_41 = tpu.memref_slice %arg2[%dma_wait3A_39, %dma_wait3A_40] : memref<10000x128xf32, #tpu.memory_space<hbm>> -> memref<10000x128xf32, #tpu.memory_space<hbm>>
    tpu.wait_indirect_dma semaphore(%arg14 : memref<!tpu.dma_semaphore, #tpu.memory_space<semaphore_mem>>) src(%dma_wait3A_41 : memref<10000x128xf32, #tpu.memory_space<hbm>>) dst(%arg10 : memref<40x128xf32, #tpu.memory_space<vmem>>)
    %dma_start3A_42 = arith.constant 9920 : i32
    %dma_start3A_43 = tpu.memref_slice %arg7[%dma_start3A_42] : memref<10000xi32, #tpu.memory_space<vmem>> -> memref<40xi32, #tpu.memory_space<vmem>>
    %dma_start3A_44 = arith.constant 0 : i32
    %dma_start3A_45 = arith.constant 0 : i32
    %dma_start3A_46 = tpu.memref_slice %arg2[%dma_start3A_44, %dma_start3A_45] : memref<10000x128xf32, #tpu.memory_space<hbm>> -> memref<10000x128xf32, #tpu.memory_space<hbm>>
    tpu.enqueue_indirect_dma source(%dma_start3A_46 : memref<10000x128xf32, #tpu.memory_space<hbm>>) target(%arg9 : memref<40x128xf32, #tpu.memory_space<vmem>>) offsets(%dma_start3A_43 : memref<40xi32, #tpu.memory_space<vmem>>) semaphore(%arg13 : memref<!tpu.dma_semaphore, #tpu.memory_space<semaphore_mem>>)
    %run_scoped3A_47 = arith.constant 122 : i32
    "tpu.region"() ({
      %run_scoped3A_83 = tpu.sem_alloc : memref<!tpu.dma_semaphore, #tpu.memory_space<semaphore_mem>>
      %dma_start3A_84 = arith.constant 40 : i32
      %dma_start3A_85 = tpu.memref_slice %arg8[%run_scoped3A_47, %dma_start3A_84] : memref<125x80xi32, #tpu.memory_space<vmem>> -> memref<1x40xi32, #tpu.memory_space<vmem>>
      %dma_start3A_86 = tpu.memref_squeeze %dma_start3A_85 : memref<1x40xi32, #tpu.memory_space<vmem>> -> memref<40xi32, #tpu.memory_space<vmem>>
      %dma_start3A_87 = arith.constant 0 : i32
      %dma_start3A_88 = arith.constant 0 : i32
      %dma_start3A_89 = tpu.memref_slice %arg17[%dma_start3A_87, %dma_start3A_88] : memref<10000x128xf32, #tpu.memory_space<vmem_shared>> -> memref<10000x128xf32, #tpu.memory_space<vmem_shared>>
      tpu.enqueue_indirect_dma source(%arg10 : memref<40x128xf32, #tpu.memory_space<vmem>>) target(%dma_start3A_89 : memref<10000x128xf32, #tpu.memory_space<vmem_shared>>) offsets(%dma_start3A_86 : memref<40xi32, #tpu.memory_space<vmem>>) semaphore(%run_scoped3A_83 : memref<!tpu.dma_semaphore, #tpu.memory_space<semaphore_mem>>) {add = true}
      %dma_wait3A_90 = arith.constant 40 : i32
      %dma_wait3A_91 = tpu.memref_slice %arg8[%run_scoped3A_47, %dma_wait3A_90] : memref<125x80xi32, #tpu.memory_space<vmem>> -> memref<1x40xi32, #tpu.memory_space<vmem>>
      %dma_wait3A_92 = tpu.memref_squeeze %dma_wait3A_91 : memref<1x40xi32, #tpu.memory_space<vmem>> -> memref<40xi32, #tpu.memory_space<vmem>>
      %dma_wait3A_93 = arith.constant 0 : i32
      %dma_wait3A_94 = arith.constant 0 : i32
      %dma_wait3A_95 = tpu.memref_slice %arg17[%dma_wait3A_93, %dma_wait3A_94] : memref<10000x128xf32, #tpu.memory_space<vmem_shared>> -> memref<10000x128xf32, #tpu.memory_space<vmem_shared>>
      tpu.wait_indirect_dma semaphore(%run_scoped3A_83 : memref<!tpu.dma_semaphore, #tpu.memory_space<semaphore_mem>>) src(%arg10 : memref<40x128xf32, #tpu.memory_space<vmem>>) dst(%dma_wait3A_95 : memref<10000x128xf32, #tpu.memory_space<vmem_shared>>)
      tpu.yield
    }) : () -> ()
    %dma_wait3A_48 = arith.constant 9840 : i32
    %dma_wait3A_49 = tpu.memref_slice %arg7[%dma_wait3A_48] : memref<10000xi32, #tpu.memory_space<vmem>> -> memref<40xi32, #tpu.memory_space<vmem>>
    %dma_wait3A_50 = arith.constant 0 : i32
    %dma_wait3A_51 = arith.constant 0 : i32
    %dma_wait3A_52 = tpu.memref_slice %arg2[%dma_wait3A_50, %dma_wait3A_51] : memref<10000x128xf32, #tpu.memory_space<hbm>> -> memref<10000x128xf32, #tpu.memory_space<hbm>>
    tpu.wait_indirect_dma semaphore(%arg15 : memref<!tpu.dma_semaphore, #tpu.memory_space<semaphore_mem>>) src(%dma_wait3A_52 : memref<10000x128xf32, #tpu.memory_space<hbm>>) dst(%arg11 : memref<40x128xf32, #tpu.memory_space<vmem>>)
    %dma_start3A_53 = arith.constant 9960 : i32
    %dma_start3A_54 = tpu.memref_slice %arg7[%dma_start3A_53] : memref<10000xi32, #tpu.memory_space<vmem>> -> memref<40xi32, #tpu.memory_space<vmem>>
    %dma_start3A_55 = arith.constant 0 : i32
    %dma_start3A_56 = arith.constant 0 : i32
    %dma_start3A_57 = tpu.memref_slice %arg2[%dma_start3A_55, %dma_start3A_56] : memref<10000x128xf32, #tpu.memory_space<hbm>> -> memref<10000x128xf32, #tpu.memory_space<hbm>>
    tpu.enqueue_indirect_dma source(%dma_start3A_57 : memref<10000x128xf32, #tpu.memory_space<hbm>>) target(%arg10 : memref<40x128xf32, #tpu.memory_space<vmem>>) offsets(%dma_start3A_54 : memref<40xi32, #tpu.memory_space<vmem>>) semaphore(%arg14 : memref<!tpu.dma_semaphore, #tpu.memory_space<semaphore_mem>>)
    %run_scoped3A_58 = arith.constant 123 : i32
    "tpu.region"() ({
      %run_scoped3A_83 = tpu.sem_alloc : memref<!tpu.dma_semaphore, #tpu.memory_space<semaphore_mem>>
      %dma_start3A_84 = arith.constant 0 : i32
      %dma_start3A_85 = tpu.memref_slice %arg8[%run_scoped3A_58, %dma_start3A_84] : memref<125x80xi32, #tpu.memory_space<vmem>> -> memref<1x40xi32, #tpu.memory_space<vmem>>
      %dma_start3A_86 = tpu.memref_squeeze %dma_start3A_85 : memref<1x40xi32, #tpu.memory_space<vmem>> -> memref<40xi32, #tpu.memory_space<vmem>>
      %dma_start3A_87 = arith.constant 0 : i32
      %dma_start3A_88 = arith.constant 0 : i32
      %dma_start3A_89 = tpu.memref_slice %arg17[%dma_start3A_87, %dma_start3A_88] : memref<10000x128xf32, #tpu.memory_space<vmem_shared>> -> memref<10000x128xf32, #tpu.memory_space<vmem_shared>>
      tpu.enqueue_indirect_dma source(%arg11 : memref<40x128xf32, #tpu.memory_space<vmem>>) target(%dma_start3A_89 : memref<10000x128xf32, #tpu.memory_space<vmem_shared>>) offsets(%dma_start3A_86 : memref<40xi32, #tpu.memory_space<vmem>>) semaphore(%run_scoped3A_83 : memref<!tpu.dma_semaphore, #tpu.memory_space<semaphore_mem>>) {add = true}
      %dma_wait3A_90 = arith.constant 0 : i32
      %dma_wait3A_91 = tpu.memref_slice %arg8[%run_scoped3A_58, %dma_wait3A_90] : memref<125x80xi32, #tpu.memory_space<vmem>> -> memref<1x40xi32, #tpu.memory_space<vmem>>
      %dma_wait3A_92 = tpu.memref_squeeze %dma_wait3A_91 : memref<1x40xi32, #tpu.memory_space<vmem>> -> memref<40xi32, #tpu.memory_space<vmem>>
      %dma_wait3A_93 = arith.constant 0 : i32
      %dma_wait3A_94 = arith.constant 0 : i32
      %dma_wait3A_95 = tpu.memref_slice %arg17[%dma_wait3A_93, %dma_wait3A_94] : memref<10000x128xf32, #tpu.memory_space<vmem_shared>> -> memref<10000x128xf32, #tpu.memory_space<vmem_shared>>
      tpu.wait_indirect_dma semaphore(%run_scoped3A_83 : memref<!tpu.dma_semaphore, #tpu.memory_space<semaphore_mem>>) src(%arg11 : memref<40x128xf32, #tpu.memory_space<vmem>>) dst(%dma_wait3A_95 : memref<10000x128xf32, #tpu.memory_space<vmem_shared>>)
      tpu.yield
    }) : () -> ()
    %dma_wait3A_59 = arith.constant 9880 : i32
    %dma_wait3A_60 = tpu.memref_slice %arg7[%dma_wait3A_59] : memref<10000xi32, #tpu.memory_space<vmem>> -> memref<40xi32, #tpu.memory_space<vmem>>
    %dma_wait3A_61 = arith.constant 0 : i32
    %dma_wait3A_62 = arith.constant 0 : i32
    %dma_wait3A_63 = tpu.memref_slice %arg2[%dma_wait3A_61, %dma_wait3A_62] : memref<10000x128xf32, #tpu.memory_space<hbm>> -> memref<10000x128xf32, #tpu.memory_space<hbm>>
    tpu.wait_indirect_dma semaphore(%arg16 : memref<!tpu.dma_semaphore, #tpu.memory_space<semaphore_mem>>) src(%dma_wait3A_63 : memref<10000x128xf32, #tpu.memory_space<hbm>>) dst(%arg12 : memref<40x128xf32, #tpu.memory_space<vmem>>)
    %run_scoped3A_64 = arith.constant 123 : i32
    "tpu.region"() ({
      %run_scoped3A_83 = tpu.sem_alloc : memref<!tpu.dma_semaphore, #tpu.memory_space<semaphore_mem>>
      %dma_start3A_84 = arith.constant 40 : i32
      %dma_start3A_85 = tpu.memref_slice %arg8[%run_scoped3A_64, %dma_start3A_84] : memref<125x80xi32, #tpu.memory_space<vmem>> -> memref<1x40xi32, #tpu.memory_space<vmem>>
      %dma_start3A_86 = tpu.memref_squeeze %dma_start3A_85 : memref<1x40xi32, #tpu.memory_space<vmem>> -> memref<40xi32, #tpu.memory_space<vmem>>
      %dma_start3A_87 = arith.constant 0 : i32
      %dma_start3A_88 = arith.constant 0 : i32
      %dma_start3A_89 = tpu.memref_slice %arg17[%dma_start3A_87, %dma_start3A_88] : memref<10000x128xf32, #tpu.memory_space<vmem_shared>> -> memref<10000x128xf32, #tpu.memory_space<vmem_shared>>
      tpu.enqueue_indirect_dma source(%arg12 : memref<40x128xf32, #tpu.memory_space<vmem>>) target(%dma_start3A_89 : memref<10000x128xf32, #tpu.memory_space<vmem_shared>>) offsets(%dma_start3A_86 : memref<40xi32, #tpu.memory_space<vmem>>) semaphore(%run_scoped3A_83 : memref<!tpu.dma_semaphore, #tpu.memory_space<semaphore_mem>>) {add = true}
      %dma_wait3A_90 = arith.constant 40 : i32
      %dma_wait3A_91 = tpu.memref_slice %arg8[%run_scoped3A_64, %dma_wait3A_90] : memref<125x80xi32, #tpu.memory_space<vmem>> -> memref<1x40xi32, #tpu.memory_space<vmem>>
      %dma_wait3A_92 = tpu.memref_squeeze %dma_wait3A_91 : memref<1x40xi32, #tpu.memory_space<vmem>> -> memref<40xi32, #tpu.memory_space<vmem>>
      %dma_wait3A_93 = arith.constant 0 : i32
      %dma_wait3A_94 = arith.constant 0 : i32
      %dma_wait3A_95 = tpu.memref_slice %arg17[%dma_wait3A_93, %dma_wait3A_94] : memref<10000x128xf32, #tpu.memory_space<vmem_shared>> -> memref<10000x128xf32, #tpu.memory_space<vmem_shared>>
      tpu.wait_indirect_dma semaphore(%run_scoped3A_83 : memref<!tpu.dma_semaphore, #tpu.memory_space<semaphore_mem>>) src(%arg12 : memref<40x128xf32, #tpu.memory_space<vmem>>) dst(%dma_wait3A_95 : memref<10000x128xf32, #tpu.memory_space<vmem_shared>>)
      tpu.yield
    }) : () -> ()
    %dma_wait3A_65 = arith.constant 9920 : i32
    %dma_wait3A_66 = tpu.memref_slice %arg7[%dma_wait3A_65] : memref<10000xi32, #tpu.memory_space<vmem>> -> memref<40xi32, #tpu.memory_space<vmem>>
    %dma_wait3A_67 = arith.constant 0 : i32
    %dma_wait3A_68 = arith.constant 0 : i32
    %dma_wait3A_69 = tpu.memref_slice %arg2[%dma_wait3A_67, %dma_wait3A_68] : memref<10000x128xf32, #tpu.memory_space<hbm>> -> memref<10000x128xf32, #tpu.memory_space<hbm>>
    tpu.wait_indirect_dma semaphore(%arg13 : memref<!tpu.dma_semaphore, #tpu.memory_space<semaphore_mem>>) src(%dma_wait3A_69 : memref<10000x128xf32, #tpu.memory_space<hbm>>) dst(%arg9 : memref<40x128xf32, #tpu.memory_space<vmem>>)
    %run_scoped3A_70 = arith.constant 124 : i32
    "tpu.region"() ({
      %run_scoped3A_83 = tpu.sem_alloc : memref<!tpu.dma_semaphore, #tpu.memory_space<semaphore_mem>>
      %dma_start3A_84 = arith.constant 0 : i32
      %dma_start3A_85 = tpu.memref_slice %arg8[%run_scoped3A_70, %dma_start3A_84] : memref<125x80xi32, #tpu.memory_space<vmem>> -> memref<1x40xi32, #tpu.memory_space<vmem>>
      %dma_start3A_86 = tpu.memref_squeeze %dma_start3A_85 : memref<1x40xi32, #tpu.memory_space<vmem>> -> memref<40xi32, #tpu.memory_space<vmem>>
      %dma_start3A_87 = arith.constant 0 : i32
      %dma_start3A_88 = arith.constant 0 : i32
      %dma_start3A_89 = tpu.memref_slice %arg17[%dma_start3A_87, %dma_start3A_88] : memref<10000x128xf32, #tpu.memory_space<vmem_shared>> -> memref<10000x128xf32, #tpu.memory_space<vmem_shared>>
      tpu.enqueue_indirect_dma source(%arg9 : memref<40x128xf32, #tpu.memory_space<vmem>>) target(%dma_start3A_89 : memref<10000x128xf32, #tpu.memory_space<vmem_shared>>) offsets(%dma_start3A_86 : memref<40xi32, #tpu.memory_space<vmem>>) semaphore(%run_scoped3A_83 : memref<!tpu.dma_semaphore, #tpu.memory_space<semaphore_mem>>) {add = true}
      %dma_wait3A_90 = arith.constant 0 : i32
      %dma_wait3A_91 = tpu.memref_slice %arg8[%run_scoped3A_70, %dma_wait3A_90] : memref<125x80xi32, #tpu.memory_space<vmem>> -> memref<1x40xi32, #tpu.memory_space<vmem>>
      %dma_wait3A_92 = tpu.memref_squeeze %dma_wait3A_91 : memref<1x40xi32, #tpu.memory_space<vmem>> -> memref<40xi32, #tpu.memory_space<vmem>>
      %dma_wait3A_93 = arith.constant 0 : i32
      %dma_wait3A_94 = arith.constant 0 : i32
      %dma_wait3A_95 = tpu.memref_slice %arg17[%dma_wait3A_93, %dma_wait3A_94] : memref<10000x128xf32, #tpu.memory_space<vmem_shared>> -> memref<10000x128xf32, #tpu.memory_space<vmem_shared>>
      tpu.wait_indirect_dma semaphore(%run_scoped3A_83 : memref<!tpu.dma_semaphore, #tpu.memory_space<semaphore_mem>>) src(%arg9 : memref<40x128xf32, #tpu.memory_space<vmem>>) dst(%dma_wait3A_95 : memref<10000x128xf32, #tpu.memory_space<vmem_shared>>)
      tpu.yield
    }) : () -> ()
    %dma_wait3A_71 = arith.constant 9960 : i32
    %dma_wait3A_72 = tpu.memref_slice %arg7[%dma_wait3A_71] : memref<10000xi32, #tpu.memory_space<vmem>> -> memref<40xi32, #tpu.memory_space<vmem>>
    %dma_wait3A_73 = arith.constant 0 : i32
    %dma_wait3A_74 = arith.constant 0 : i32
    %dma_wait3A_75 = tpu.memref_slice %arg2[%dma_wait3A_73, %dma_wait3A_74] : memref<10000x128xf32, #tpu.memory_space<hbm>> -> memref<10000x128xf32, #tpu.memory_space<hbm>>
    tpu.wait_indirect_dma semaphore(%arg14 : memref<!tpu.dma_semaphore, #tpu.memory_space<semaphore_mem>>) src(%dma_wait3A_75 : memref<10000x128xf32, #tpu.memory_space<hbm>>) dst(%arg10 : memref<40x128xf32, #tpu.memory_space<vmem>>)
    %run_scoped3A_76 = arith.constant 124 : i32
    "tpu.region"() ({
      %run_scoped3A_83 = tpu.sem_alloc : memref<!tpu.dma_semaphore, #tpu.memory_space<semaphore_mem>>
      %dma_start3A_84 = arith.constant 40 : i32
      %dma_start3A_85 = tpu.memref_slice %arg8[%run_scoped3A_76, %dma_start3A_84] : memref<125x80xi32, #tpu.memory_space<vmem>> -> memref<1x40xi32, #tpu.memory_space<vmem>>
      %dma_start3A_86 = tpu.memref_squeeze %dma_start3A_85 : memref<1x40xi32, #tpu.memory_space<vmem>> -> memref<40xi32, #tpu.memory_space<vmem>>
      %dma_start3A_87 = arith.constant 0 : i32
      %dma_start3A_88 = arith.constant 0 : i32
      %dma_start3A_89 = tpu.memref_slice %arg17[%dma_start3A_87, %dma_start3A_88] : memref<10000x128xf32, #tpu.memory_space<vmem_shared>> -> memref<10000x128xf32, #tpu.memory_space<vmem_shared>>
      tpu.enqueue_indirect_dma source(%arg10 : memref<40x128xf32, #tpu.memory_space<vmem>>) target(%dma_start3A_89 : memref<10000x128xf32, #tpu.memory_space<vmem_shared>>) offsets(%dma_start3A_86 : memref<40xi32, #tpu.memory_space<vmem>>) semaphore(%run_scoped3A_83 : memref<!tpu.dma_semaphore, #tpu.memory_space<semaphore_mem>>) {add = true}
      %dma_wait3A_90 = arith.constant 40 : i32
      %dma_wait3A_91 = tpu.memref_slice %arg8[%run_scoped3A_76, %dma_wait3A_90] : memref<125x80xi32, #tpu.memory_space<vmem>> -> memref<1x40xi32, #tpu.memory_space<vmem>>
      %dma_wait3A_92 = tpu.memref_squeeze %dma_wait3A_91 : memref<1x40xi32, #tpu.memory_space<vmem>> -> memref<40xi32, #tpu.memory_space<vmem>>
      %dma_wait3A_93 = arith.constant 0 : i32
      %dma_wait3A_94 = arith.constant 0 : i32
      %dma_wait3A_95 = tpu.memref_slice %arg17[%dma_wait3A_93, %dma_wait3A_94] : memref<10000x128xf32, #tpu.memory_space<vmem_shared>> -> memref<10000x128xf32, #tpu.memory_space<vmem_shared>>
      tpu.wait_indirect_dma semaphore(%run_scoped3A_83 : memref<!tpu.dma_semaphore, #tpu.memory_space<semaphore_mem>>) src(%arg10 : memref<40x128xf32, #tpu.memory_space<vmem>>) dst(%dma_wait3A_95 : memref<10000x128xf32, #tpu.memory_space<vmem_shared>>)
      tpu.yield
    }) : () -> ()
    %barrier3A_77 = arith.constant 0 : index
    tpu.barrier barrier_id(%barrier3A_77)
    "tpu.region"() ({
      %run_scoped3A_83 = tpu.sem_alloc : memref<!tpu.dma_semaphore, #tpu.memory_space<semaphore_mem>>
      %dma_start3A_84 = arith.constant 0 : i32
      %dma_start3A_85 = tpu.memref_slice %arg6[%arg0, %mul3A_0, %dma_start3A_84] : memref<2x10000x128xf32, #tpu.memory_space<hbm>> -> memref<1x624x128xf32, #tpu.memory_space<hbm>>
      %dma_start3A_86 = tpu.memref_squeeze %dma_start3A_85 : memref<1x624x128xf32, #tpu.memory_space<hbm>> -> memref<624x128xf32, #tpu.memory_space<hbm>>
      %dma_start3A_87 = arith.constant 0 : i32
      %dma_start3A_88 = tpu.memref_slice %arg17[%mul3A_0, %dma_start3A_87] : memref<10000x128xf32, #tpu.memory_space<vmem_shared>> -> memref<624x128xf32, #tpu.memory_space<vmem_shared>>
      tpu.enqueue_dma source(%dma_start3A_88 : memref<624x128xf32, #tpu.memory_space<vmem_shared>>) target(%dma_start3A_86 : memref<624x128xf32, #tpu.memory_space<hbm>>) target_semaphore(%run_scoped3A_83 : memref<!tpu.dma_semaphore, #tpu.memory_space<semaphore_mem>>)
      %dma_wait3A_89 = arith.constant 0 : i32
      %dma_wait3A_90 = tpu.memref_slice %arg6[%arg0, %mul3A_0, %dma_wait3A_89] : memref<2x10000x128xf32, #tpu.memory_space<hbm>> -> memref<1x624x128xf32, #tpu.memory_space<hbm>>
      %dma_wait3A_91 = tpu.memref_squeeze %dma_wait3A_90 : memref<1x624x128xf32, #tpu.memory_space<hbm>> -> memref<624x128xf32, #tpu.memory_space<hbm>>
      %dma_wait3A_92 = arith.constant 0 : i32
      %dma_wait3A_93 = tpu.memref_slice %arg17[%mul3A_0, %dma_wait3A_92] : memref<10000x128xf32, #tpu.memory_space<vmem_shared>> -> memref<624x128xf32, #tpu.memory_space<vmem_shared>>
      tpu.wait_dma2 semaphore(%run_scoped3A_83 : memref<!tpu.dma_semaphore, #tpu.memory_space<semaphore_mem>>) src(%dma_wait3A_93 : memref<624x128xf32, #tpu.memory_space<vmem_shared>>) dst(%dma_wait3A_91 : memref<624x128xf32, #tpu.memory_space<hbm>>)
      tpu.yield
    }) : () -> ()
    %eq3A_78 = arith.constant 15 : i32
    %eq3A_79 = arith.cmpi eq, %arg1, %eq3A_78 : i32
    %convert_element_type3A_80 = arith.extui %eq3A_79 : i1 to i32
    %cond3A_81 = arith.constant 0 : i32
    %cond3A_82 = arith.cmpi ne, %convert_element_type3A_80, %cond3A_81 : i32
    scf.if %cond3A_82 {
      "tpu.region"() ({
        %run_scoped3A_83 = tpu.sem_alloc : memref<!tpu.dma_semaphore, #tpu.memory_space<semaphore_mem>>
        %dma_start3A_84 = arith.constant 9984 : i32
        %dma_start3A_85 = arith.constant 0 : i32
        %dma_start3A_86 = tpu.memref_slice %arg6[%arg0, %dma_start3A_84, %dma_start3A_85] : memref<2x10000x128xf32, #tpu.memory_space<hbm>> -> memref<1x16x128xf32, #tpu.memory_space<hbm>>
        %dma_start3A_87 = tpu.memref_squeeze %dma_start3A_86 : memref<1x16x128xf32, #tpu.memory_space<hbm>> -> memref<16x128xf32, #tpu.memory_space<hbm>>
        %dma_start3A_88 = arith.constant 9984 : i32
        %dma_start3A_89 = arith.constant 0 : i32
        %dma_start3A_90 = tpu.memref_slice %arg17[%dma_start3A_88, %dma_start3A_89] : memref<10000x128xf32, #tpu.memory_space<vmem_shared>> -> memref<16x128xf32, #tpu.memory_space<vmem_shared>>
        tpu.enqueue_dma source(%dma_start3A_90 : memref<16x128xf32, #tpu.memory_space<vmem_shared>>) target(%dma_start3A_87 : memref<16x128xf32, #tpu.memory_space<hbm>>) target_semaphore(%run_scoped3A_83 : memref<!tpu.dma_semaphore, #tpu.memory_space<semaphore_mem>>)
        %dma_wait3A_91 = arith.constant 9984 : i32
        %dma_wait3A_92 = arith.constant 0 : i32
        %dma_wait3A_93 = tpu.memref_slice %arg6[%arg0, %dma_wait3A_91, %dma_wait3A_92] : memref<2x10000x128xf32, #tpu.memory_space<hbm>> -> memref<1x16x128xf32, #tpu.memory_space<hbm>>
        %dma_wait3A_94 = tpu.memref_squeeze %dma_wait3A_93 : memref<1x16x128xf32, #tpu.memory_space<hbm>> -> memref<16x128xf32, #tpu.memory_space<hbm>>
        %dma_wait3A_95 = arith.constant 9984 : i32
        %dma_wait3A_96 = arith.constant 0 : i32
        %dma_wait3A_97 = tpu.memref_slice %arg17[%dma_wait3A_95, %dma_wait3A_96] : memref<10000x128xf32, #tpu.memory_space<vmem_shared>> -> memref<16x128xf32, #tpu.memory_space<vmem_shared>>
        tpu.wait_dma2 semaphore(%run_scoped3A_83 : memref<!tpu.dma_semaphore, #tpu.memory_space<semaphore_mem>>) src(%dma_wait3A_97 : memref<16x128xf32, #tpu.memory_space<vmem_shared>>) dst(%dma_wait3A_94 : memref<16x128xf32, #tpu.memory_space<hbm>>)
        tpu.yield
      }) : () -> ()
    } else {
    }
    return
  }
}

#map = affine_map<(d0, d1) -> (0, 0)>
#map1 = affine_map<(d0, d1) -> (0)>
#map2 = affine_map<(d0, d1) -> (0, 0, 0)>
module attributes {stable_mosaic.version = 14 : i64} {
  func.func @agg(%arg0: i32, %arg1: i32, %arg2: memref<10000x128xf32, #tpu.memory_space<hbm>>, %arg3: memref<320000xi32, #tpu.memory_space<hbm>>, %arg4: memref<32x125x80xi32, #tpu.memory_space<hbm>>, %arg5: memref<10000x128xf32, #tpu.memory_space<hbm>>, %arg6: memref<2x10000x128xf32, #tpu.memory_space<hbm>>, %arg7: memref<10000xi32, #tpu.memory_space<vmem>>, %arg8: memref<125x80xi32, #tpu.memory_space<vmem>>, %arg9: memref<40x128xf32, #tpu.memory_space<vmem>>, %arg10: memref<40x128xf32, #tpu.memory_space<vmem>>, %arg11: memref<40x128xf32, #tpu.memory_space<vmem>>, %arg12: memref<40x128xf32, #tpu.memory_space<vmem>>, %arg13: memref<!tpu.dma_semaphore, #tpu.memory_space<semaphore_mem>>, %arg14: memref<!tpu.dma_semaphore, #tpu.memory_space<semaphore_mem>>, %arg15: memref<!tpu.dma_semaphore, #tpu.memory_space<semaphore_mem>>, %arg16: memref<!tpu.dma_semaphore, #tpu.memory_space<semaphore_mem>>, %arg17: memref<10000x128xf32, #tpu.memory_space<vmem_shared>>) attributes {dimension_semantics = [#tpu.dimension_semantics<core_parallel>, #tpu.dimension_semantics<subcore_parallel>], iteration_bounds = array<i64: 2, 16>, scalar_prefetch = 0 : i64, scratch_operands = 11 : i64, tpu.core_type = #tpu.core_type<sc_vector_subcore>, window_params = [{transform_indices = #map}, {transform_indices = #map1}, {transform_indices = #map2}, {transform_indices = #map}, {transform_indices = #map2}]} {
    %mul3A = arith.constant 624 : i32
    %mul3A_0 = arith.muli %arg1, %mul3A : i32
    "tpu.region"() ({
      %run_scoped3A_83 = tpu.sem_alloc : memref<!tpu.dma_semaphore, #tpu.memory_space<semaphore_mem>>
      %dma_start3A_84 = arith.constant 0 : i32
      %dma_start3A_85 = tpu.memref_slice %arg17[%mul3A_0, %dma_start3A_84] : memref<10000x128xf32, #tpu.memory_space<vmem_shared>> -> memref<624x128xf32, #tpu.memory_space<vmem_shared>>
      %dma_start3A_86 = arith.constant 0 : i32
      %dma_start3A_87 = tpu.memref_slice %arg5[%mul3A_0, %dma_start3A_86] : memref<10000x128xf32, #tpu.memory_space<hbm>> -> memref<624x128xf32, #tpu.memory_space<hbm>>
      tpu.enqueue_dma source(%dma_start3A_87 : memref<624x128xf32, #tpu.memory_space<hbm>>) target(%dma_start3A_85 : memref<624x128xf32, #tpu.memory_space<vmem_shared>>) target_semaphore(%run_scoped3A_83 : memref<!tpu.dma_semaphore, #tpu.memory_space<semaphore_mem>>)
      %dma_wait3A_88 = arith.constant 0 : i32
      %dma_wait3A_89 = tpu.memref_slice %arg17[%mul3A_0, %dma_wait3A_88] : memref<10000x128xf32, #tpu.memory_space<vmem_shared>> -> memref<624x128xf32, #tpu.memory_space<vmem_shared>>
      %dma_wait3A_90 = arith.constant 0 : i32
      %dma_wait3A_91 = tpu.memref_slice %arg5[%mul3A_0, %dma_wait3A_90] : memref<10000x128xf32, #tpu.memory_space<hbm>> -> memref<624x128xf32, #tpu.memory_space<hbm>>
      tpu.wait_dma2 semaphore(%run_scoped3A_83 : memref<!tpu.dma_semaphore, #tpu.memory_space<semaphore_mem>>) src(%dma_wait3A_91 : memref<624x128xf32, #tpu.memory_space<hbm>>) dst(%dma_wait3A_89 : memref<624x128xf32, #tpu.memory_space<vmem_shared>>)
      tpu.yield
    }) : () -> ()
    %eq3A = arith.constant 15 : i32
    %eq3A_1 = arith.cmpi eq, %arg1, %eq3A : i32
    %convert_element_type3A = arith.extui %eq3A_1 : i1 to i32
    %cond3A = arith.constant 0 : i32
    %cond3A_2 = arith.cmpi ne, %convert_element_type3A, %cond3A : i32
    scf.if %cond3A_2 {
      "tpu.region"() ({
        %run_scoped3A_83 = tpu.sem_alloc : memref<!tpu.dma_semaphore, #tpu.memory_space<semaphore_mem>>
        %dma_start3A_84 = arith.constant 9984 : i32
        %dma_start3A_85 = arith.constant 0 : i32
        %dma_start3A_86 = tpu.memref_slice %arg17[%dma_start3A_84, %dma_start3A_85] : memref<10000x128xf32, #tpu.memory_space<vmem_shared>> -> memref<16x128xf32, #tpu.memory_space<vmem_shared>>
        %dma_start3A_87 = arith.constant 9984 : i32
        %dma_start3A_88 = arith.constant 0 : i32
        %dma_start3A_89 = tpu.memref_slice %arg5[%dma_start3A_87, %dma_start3A_88] : memref<10000x128xf32, #tpu.memory_space<hbm>> -> memref<16x128xf32, #tpu.memory_space<hbm>>
        tpu.enqueue_dma source(%dma_start3A_89 : memref<16x128xf32, #tpu.memory_space<hbm>>) target(%dma_start3A_86 : memref<16x128xf32, #tpu.memory_space<vmem_shared>>) target_semaphore(%run_scoped3A_83 : memref<!tpu.dma_semaphore, #tpu.memory_space<semaphore_mem>>)
        %dma_wait3A_90 = arith.constant 9984 : i32
        %dma_wait3A_91 = arith.constant 0 : i32
        %dma_wait3A_92 = tpu.memref_slice %arg17[%dma_wait3A_90, %dma_wait3A_91] : memref<10000x128xf32, #tpu.memory_space<vmem_shared>> -> memref<16x128xf32, #tpu.memory_space<vmem_shared>>
        %dma_wait3A_93 = arith.constant 9984 : i32
        %dma_wait3A_94 = arith.constant 0 : i32
        %dma_wait3A_95 = tpu.memref_slice %arg5[%dma_wait3A_93, %dma_wait3A_94] : memref<10000x128xf32, #tpu.memory_space<hbm>> -> memref<16x128xf32, #tpu.memory_space<hbm>>
        tpu.wait_dma2 semaphore(%run_scoped3A_83 : memref<!tpu.dma_semaphore, #tpu.memory_space<semaphore_mem>>) src(%dma_wait3A_95 : memref<16x128xf32, #tpu.memory_space<hbm>>) dst(%dma_wait3A_92 : memref<16x128xf32, #tpu.memory_space<vmem_shared>>)
        tpu.yield
      }) : () -> ()
    } else {
    }
    %mul3A_3 = arith.constant 16 : i32
    %mul3A_4 = arith.muli %arg0, %mul3A_3 : i32
    %add3A = arith.addi %mul3A_4, %arg1 : i32
    %mul3A_5 = arith.constant 250 : i32
    %mul3A_6 = arith.muli %add3A, %mul3A_5 : i32
    %mul3A_7 = arith.constant 40 : i32
    %mul3A_8 = arith.muli %mul3A_6, %mul3A_7 : i32
    "tpu.region"() ({
      %run_scoped3A_83 = tpu.sem_alloc : memref<!tpu.dma_semaphore, #tpu.memory_space<semaphore_mem>>
      %dma_start3A_84 = tpu.memref_slice %arg3[%mul3A_8] : memref<320000xi32, #tpu.memory_space<hbm>> -> memref<10000xi32, #tpu.memory_space<hbm>>
      %dma_start3A_85 = tpu.memref_slice %arg3[%mul3A_8] : memref<320000xi32, #tpu.memory_space<hbm>> -> memref<10000xi32, #tpu.memory_space<hbm>>
      tpu.enqueue_dma source(%dma_start3A_85 : memref<10000xi32, #tpu.memory_space<hbm>>) target(%arg7 : memref<10000xi32, #tpu.memory_space<vmem>>) target_semaphore(%run_scoped3A_83 : memref<!tpu.dma_semaphore, #tpu.memory_space<semaphore_mem>>)
      %dma_wait3A_86 = tpu.memref_slice %arg3[%mul3A_8] : memref<320000xi32, #tpu.memory_space<hbm>> -> memref<10000xi32, #tpu.memory_space<hbm>>
      %dma_wait3A_87 = tpu.memref_slice %arg3[%mul3A_8] : memref<320000xi32, #tpu.memory_space<hbm>> -> memref<10000xi32, #tpu.memory_space<hbm>>
      tpu.wait_dma2 semaphore(%run_scoped3A_83 : memref<!tpu.dma_semaphore, #tpu.memory_space<semaphore_mem>>) src(%dma_wait3A_87 : memref<10000xi32, #tpu.memory_space<hbm>>) dst(%arg7 : memref<10000xi32, #tpu.memory_space<vmem>>)
      tpu.yield
    }) : () -> ()
    "tpu.region"() ({
      %run_scoped3A_83 = tpu.sem_alloc : memref<!tpu.dma_semaphore, #tpu.memory_space<semaphore_mem>>
      %dma_start3A_84 = arith.constant 0 : i32
      %dma_start3A_85 = arith.constant 0 : i32
      %dma_start3A_86 = tpu.memref_slice %arg4[%add3A, %dma_start3A_84, %dma_start3A_85] : memref<32x125x80xi32, #tpu.memory_space<hbm>> -> memref<1x125x80xi32, #tpu.memory_space<hbm>>
      %dma_start3A_87 = tpu.memref_squeeze %dma_start3A_86 : memref<1x125x80xi32, #tpu.memory_space<hbm>> -> memref<125x80xi32, #tpu.memory_space<hbm>>
      %dma_start3A_88 = arith.constant 0 : i32
      %dma_start3A_89 = arith.constant 0 : i32
      %dma_start3A_90 = tpu.memref_slice %arg4[%add3A, %dma_start3A_88, %dma_start3A_89] : memref<32x125x80xi32, #tpu.memory_space<hbm>> -> memref<1x125x80xi32, #tpu.memory_space<hbm>>
      %dma_start3A_91 = tpu.memref_squeeze %dma_start3A_90 : memref<1x125x80xi32, #tpu.memory_space<hbm>> -> memref<125x80xi32, #tpu.memory_space<hbm>>
      tpu.enqueue_dma source(%dma_start3A_91 : memref<125x80xi32, #tpu.memory_space<hbm>>) target(%arg8 : memref<125x80xi32, #tpu.memory_space<vmem>>) target_semaphore(%run_scoped3A_83 : memref<!tpu.dma_semaphore, #tpu.memory_space<semaphore_mem>>)
      %dma_wait3A_92 = arith.constant 0 : i32
      %dma_wait3A_93 = arith.constant 0 : i32
      %dma_wait3A_94 = tpu.memref_slice %arg4[%add3A, %dma_wait3A_92, %dma_wait3A_93] : memref<32x125x80xi32, #tpu.memory_space<hbm>> -> memref<1x125x80xi32, #tpu.memory_space<hbm>>
      %dma_wait3A_95 = tpu.memref_squeeze %dma_wait3A_94 : memref<1x125x80xi32, #tpu.memory_space<hbm>> -> memref<125x80xi32, #tpu.memory_space<hbm>>
      %dma_wait3A_96 = arith.constant 0 : i32
      %dma_wait3A_97 = arith.constant 0 : i32
      %dma_wait3A_98 = tpu.memref_slice %arg4[%add3A, %dma_wait3A_96, %dma_wait3A_97] : memref<32x125x80xi32, #tpu.memory_space<hbm>> -> memref<1x125x80xi32, #tpu.memory_space<hbm>>
      %dma_wait3A_99 = tpu.memref_squeeze %dma_wait3A_98 : memref<1x125x80xi32, #tpu.memory_space<hbm>> -> memref<125x80xi32, #tpu.memory_space<hbm>>
      tpu.wait_dma2 semaphore(%run_scoped3A_83 : memref<!tpu.dma_semaphore, #tpu.memory_space<semaphore_mem>>) src(%dma_wait3A_99 : memref<125x80xi32, #tpu.memory_space<hbm>>) dst(%arg8 : memref<125x80xi32, #tpu.memory_space<vmem>>)
      tpu.yield
    }) : () -> ()
    %barrier3A = arith.constant 0 : index
    tpu.barrier barrier_id(%barrier3A)
    %dma_start3A = arith.constant 0 : i32
    %dma_start3A_9 = tpu.memref_slice %arg7[%dma_start3A] : memref<10000xi32, #tpu.memory_space<vmem>> -> memref<40xi32, #tpu.memory_space<vmem>>
    %dma_start3A_10 = arith.constant 0 : i32
    %dma_start3A_11 = arith.constant 0 : i32
    %dma_start3A_12 = tpu.memref_slice %arg2[%dma_start3A_10, %dma_start3A_11] : memref<10000x128xf32, #tpu.memory_space<hbm>> -> memref<10000x128xf32, #tpu.memory_space<hbm>>
    tpu.enqueue_indirect_dma source(%dma_start3A_12 : memref<10000x128xf32, #tpu.memory_space<hbm>>) target(%arg9 : memref<40x128xf32, #tpu.memory_space<vmem>>) offsets(%dma_start3A_9 : memref<40xi32, #tpu.memory_space<vmem>>) semaphore(%arg13 : memref<!tpu.dma_semaphore, #tpu.memory_space<semaphore_mem>>)
    %dma_start3A_13 = arith.constant 40 : i32
    %dma_start3A_14 = tpu.memref_slice %arg7[%dma_start3A_13] : memref<10000xi32, #tpu.memory_space<vmem>> -> memref<40xi32, #tpu.memory_space<vmem>>
    %dma_start3A_15 = arith.constant 0 : i32
    %dma_start3A_16 = arith.constant 0 : i32
    %dma_start3A_17 = tpu.memref_slice %arg2[%dma_start3A_15, %dma_start3A_16] : memref<10000x128xf32, #tpu.memory_space<hbm>> -> memref<10000x128xf32, #tpu.memory_space<hbm>>
    tpu.enqueue_indirect_dma source(%dma_start3A_17 : memref<10000x128xf32, #tpu.memory_space<hbm>>) target(%arg10 : memref<40x128xf32, #tpu.memory_space<vmem>>) offsets(%dma_start3A_14 : memref<40xi32, #tpu.memory_space<vmem>>) semaphore(%arg14 : memref<!tpu.dma_semaphore, #tpu.memory_space<semaphore_mem>>)
    %dma_start3A_18 = arith.constant 80 : i32
    %dma_start3A_19 = tpu.memref_slice %arg7[%dma_start3A_18] : memref<10000xi32, #tpu.memory_space<vmem>> -> memref<40xi32, #tpu.memory_space<vmem>>
    %dma_start3A_20 = arith.constant 0 : i32
    %dma_start3A_21 = arith.constant 0 : i32
    %dma_start3A_22 = tpu.memref_slice %arg2[%dma_start3A_20, %dma_start3A_21] : memref<10000x128xf32, #tpu.memory_space<hbm>> -> memref<10000x128xf32, #tpu.memory_space<hbm>>
    tpu.enqueue_indirect_dma source(%dma_start3A_22 : memref<10000x128xf32, #tpu.memory_space<hbm>>) target(%arg11 : memref<40x128xf32, #tpu.memory_space<vmem>>) offsets(%dma_start3A_19 : memref<40xi32, #tpu.memory_space<vmem>>) semaphore(%arg15 : memref<!tpu.dma_semaphore, #tpu.memory_space<semaphore_mem>>)
    %scan3A = arith.constant 0 : i32
    %scan3A_23 = arith.constant 0 : i32
    %scan3A_24 = arith.constant 61 : i32
    %scan3A_25 = arith.addi %scan3A_23, %scan3A_24 : i32
    %scan3A_26 = arith.constant 1 : i32
    scf.for %scan3A_83 = %scan3A_23 to %scan3A_25 step %scan3A_26  : i32 {
      %mul3A_84 = arith.constant 4 : i32
      %mul3A_85 = arith.muli %mul3A_84, %scan3A_83 : i32
      %add3A_86 = arith.constant 0 : i32
      %add3A_87 = arith.addi %mul3A_85, %add3A_86 : i32
      %mul3A_88 = arith.constant 40 : i32
      %mul3A_89 = arith.muli %add3A_87, %mul3A_88 : i32
      %dma_wait3A_90 = tpu.memref_slice %arg7[%mul3A_89] : memref<10000xi32, #tpu.memory_space<vmem>> -> memref<40xi32, #tpu.memory_space<vmem>>
      %dma_wait3A_91 = arith.constant 0 : i32
      %dma_wait3A_92 = arith.constant 0 : i32
      %dma_wait3A_93 = tpu.memref_slice %arg2[%dma_wait3A_91, %dma_wait3A_92] : memref<10000x128xf32, #tpu.memory_space<hbm>> -> memref<10000x128xf32, #tpu.memory_space<hbm>>
      tpu.wait_indirect_dma semaphore(%arg13 : memref<!tpu.dma_semaphore, #tpu.memory_space<semaphore_mem>>) src(%dma_wait3A_93 : memref<10000x128xf32, #tpu.memory_space<hbm>>) dst(%arg9 : memref<40x128xf32, #tpu.memory_space<vmem>>)
      %add3A_94 = arith.constant 0 : i32
      %add3A_95 = arith.addi %mul3A_85, %add3A_94 : i32
      %add3A_96 = arith.constant 4 : i32
      %add3A_97 = arith.addi %add3A_95, %add3A_96 : i32
      %sub3A = arith.constant 1 : i32
      %sub3A_98 = arith.subi %add3A_97, %sub3A : i32
      %mul3A_99 = arith.constant 40 : i32
      %mul3A_100 = arith.muli %sub3A_98, %mul3A_99 : i32
      %dma_start3A_101 = tpu.memref_slice %arg7[%mul3A_100] : memref<10000xi32, #tpu.memory_space<vmem>> -> memref<40xi32, #tpu.memory_space<vmem>>
      %dma_start3A_102 = arith.constant 0 : i32
      %dma_start3A_103 = arith.constant 0 : i32
      %dma_start3A_104 = tpu.memref_slice %arg2[%dma_start3A_102, %dma_start3A_103] : memref<10000x128xf32, #tpu.memory_space<hbm>> -> memref<10000x128xf32, #tpu.memory_space<hbm>>
      tpu.enqueue_indirect_dma source(%dma_start3A_104 : memref<10000x128xf32, #tpu.memory_space<hbm>>) target(%arg12 : memref<40x128xf32, #tpu.memory_space<vmem>>) offsets(%dma_start3A_101 : memref<40xi32, #tpu.memory_space<vmem>>) semaphore(%arg16 : memref<!tpu.dma_semaphore, #tpu.memory_space<semaphore_mem>>)
      %mul3A_105 = arith.constant 2 : i32
      %mul3A_106 = arith.muli %mul3A_105, %scan3A_83 : i32
      %add3A_107 = arith.constant 0 : i32
      %add3A_108 = arith.addi %mul3A_106, %add3A_107 : i32
      "tpu.region"() ({
        %run_scoped3A_181 = tpu.sem_alloc : memref<!tpu.dma_semaphore, #tpu.memory_space<semaphore_mem>>
        %dma_start3A_182 = arith.constant 0 : i32
        %dma_start3A_183 = tpu.memref_slice %arg8[%add3A_108, %dma_start3A_182] : memref<125x80xi32, #tpu.memory_space<vmem>> -> memref<1x40xi32, #tpu.memory_space<vmem>>
        %dma_start3A_184 = tpu.memref_squeeze %dma_start3A_183 : memref<1x40xi32, #tpu.memory_space<vmem>> -> memref<40xi32, #tpu.memory_space<vmem>>
        %dma_start3A_185 = arith.constant 0 : i32
        %dma_start3A_186 = arith.constant 0 : i32
        %dma_start3A_187 = tpu.memref_slice %arg17[%dma_start3A_185, %dma_start3A_186] : memref<10000x128xf32, #tpu.memory_space<vmem_shared>> -> memref<10000x128xf32, #tpu.memory_space<vmem_shared>>
        tpu.enqueue_indirect_dma source(%arg9 : memref<40x128xf32, #tpu.memory_space<vmem>>) target(%dma_start3A_187 : memref<10000x128xf32, #tpu.memory_space<vmem_shared>>) offsets(%dma_start3A_184 : memref<40xi32, #tpu.memory_space<vmem>>) semaphore(%run_scoped3A_181 : memref<!tpu.dma_semaphore, #tpu.memory_space<semaphore_mem>>) {add = true}
        %dma_wait3A_188 = arith.constant 0 : i32
        %dma_wait3A_189 = tpu.memref_slice %arg8[%add3A_108, %dma_wait3A_188] : memref<125x80xi32, #tpu.memory_space<vmem>> -> memref<1x40xi32, #tpu.memory_space<vmem>>
        %dma_wait3A_190 = tpu.memref_squeeze %dma_wait3A_189 : memref<1x40xi32, #tpu.memory_space<vmem>> -> memref<40xi32, #tpu.memory_space<vmem>>
        %dma_wait3A_191 = arith.constant 0 : i32
        %dma_wait3A_192 = arith.constant 0 : i32
        %dma_wait3A_193 = tpu.memref_slice %arg17[%dma_wait3A_191, %dma_wait3A_192] : memref<10000x128xf32, #tpu.memory_space<vmem_shared>> -> memref<10000x128xf32, #tpu.memory_space<vmem_shared>>
        tpu.wait_indirect_dma semaphore(%run_scoped3A_181 : memref<!tpu.dma_semaphore, #tpu.memory_space<semaphore_mem>>) src(%arg9 : memref<40x128xf32, #tpu.memory_space<vmem>>) dst(%dma_wait3A_193 : memref<10000x128xf32, #tpu.memory_space<vmem_shared>>)
        tpu.yield
      }) : () -> ()
      %add3A_109 = arith.constant 1 : i32
      %add3A_110 = arith.addi %mul3A_85, %add3A_109 : i32
      %mul3A_111 = arith.constant 40 : i32
      %mul3A_112 = arith.muli %add3A_110, %mul3A_111 : i32
      %dma_wait3A_113 = tpu.memref_slice %arg7[%mul3A_112] : memref<10000xi32, #tpu.memory_space<vmem>> -> memref<40xi32, #tpu.memory_space<vmem>>
      %dma_wait3A_114 = arith.constant 0 : i32
      %dma_wait3A_115 = arith.constant 0 : i32
      %dma_wait3A_116 = tpu.memref_slice %arg2[%dma_wait3A_114, %dma_wait3A_115] : memref<10000x128xf32, #tpu.memory_space<hbm>> -> memref<10000x128xf32, #tpu.memory_space<hbm>>
      tpu.wait_indirect_dma semaphore(%arg14 : memref<!tpu.dma_semaphore, #tpu.memory_space<semaphore_mem>>) src(%dma_wait3A_116 : memref<10000x128xf32, #tpu.memory_space<hbm>>) dst(%arg10 : memref<40x128xf32, #tpu.memory_space<vmem>>)
      %add3A_117 = arith.constant 1 : i32
      %add3A_118 = arith.addi %mul3A_85, %add3A_117 : i32
      %add3A_119 = arith.constant 4 : i32
      %add3A_120 = arith.addi %add3A_118, %add3A_119 : i32
      %sub3A_121 = arith.constant 1 : i32
      %sub3A_122 = arith.subi %add3A_120, %sub3A_121 : i32
      %mul3A_123 = arith.constant 40 : i32
      %mul3A_124 = arith.muli %sub3A_122, %mul3A_123 : i32
      %dma_start3A_125 = tpu.memref_slice %arg7[%mul3A_124] : memref<10000xi32, #tpu.memory_space<vmem>> -> memref<40xi32, #tpu.memory_space<vmem>>
      %dma_start3A_126 = arith.constant 0 : i32
      %dma_start3A_127 = arith.constant 0 : i32
      %dma_start3A_128 = tpu.memref_slice %arg2[%dma_start3A_126, %dma_start3A_127] : memref<10000x128xf32, #tpu.memory_space<hbm>> -> memref<10000x128xf32, #tpu.memory_space<hbm>>
      tpu.enqueue_indirect_dma source(%dma_start3A_128 : memref<10000x128xf32, #tpu.memory_space<hbm>>) target(%arg9 : memref<40x128xf32, #tpu.memory_space<vmem>>) offsets(%dma_start3A_125 : memref<40xi32, #tpu.memory_space<vmem>>) semaphore(%arg13 : memref<!tpu.dma_semaphore, #tpu.memory_space<semaphore_mem>>)
      %mul3A_129 = arith.constant 2 : i32
      %mul3A_130 = arith.muli %mul3A_129, %scan3A_83 : i32
      %add3A_131 = arith.constant 0 : i32
      %add3A_132 = arith.addi %mul3A_130, %add3A_131 : i32
      "tpu.region"() ({
        %run_scoped3A_181 = tpu.sem_alloc : memref<!tpu.dma_semaphore, #tpu.memory_space<semaphore_mem>>
        %dma_start3A_182 = arith.constant 40 : i32
        %dma_start3A_183 = tpu.memref_slice %arg8[%add3A_132, %dma_start3A_182] : memref<125x80xi32, #tpu.memory_space<vmem>> -> memref<1x40xi32, #tpu.memory_space<vmem>>
        %dma_start3A_184 = tpu.memref_squeeze %dma_start3A_183 : memref<1x40xi32, #tpu.memory_space<vmem>> -> memref<40xi32, #tpu.memory_space<vmem>>
        %dma_start3A_185 = arith.constant 0 : i32
        %dma_start3A_186 = arith.constant 0 : i32
        %dma_start3A_187 = tpu.memref_slice %arg17[%dma_start3A_185, %dma_start3A_186] : memref<10000x128xf32, #tpu.memory_space<vmem_shared>> -> memref<10000x128xf32, #tpu.memory_space<vmem_shared>>
        tpu.enqueue_indirect_dma source(%arg10 : memref<40x128xf32, #tpu.memory_space<vmem>>) target(%dma_start3A_187 : memref<10000x128xf32, #tpu.memory_space<vmem_shared>>) offsets(%dma_start3A_184 : memref<40xi32, #tpu.memory_space<vmem>>) semaphore(%run_scoped3A_181 : memref<!tpu.dma_semaphore, #tpu.memory_space<semaphore_mem>>) {add = true}
        %dma_wait3A_188 = arith.constant 40 : i32
        %dma_wait3A_189 = tpu.memref_slice %arg8[%add3A_132, %dma_wait3A_188] : memref<125x80xi32, #tpu.memory_space<vmem>> -> memref<1x40xi32, #tpu.memory_space<vmem>>
        %dma_wait3A_190 = tpu.memref_squeeze %dma_wait3A_189 : memref<1x40xi32, #tpu.memory_space<vmem>> -> memref<40xi32, #tpu.memory_space<vmem>>
        %dma_wait3A_191 = arith.constant 0 : i32
        %dma_wait3A_192 = arith.constant 0 : i32
        %dma_wait3A_193 = tpu.memref_slice %arg17[%dma_wait3A_191, %dma_wait3A_192] : memref<10000x128xf32, #tpu.memory_space<vmem_shared>> -> memref<10000x128xf32, #tpu.memory_space<vmem_shared>>
        tpu.wait_indirect_dma semaphore(%run_scoped3A_181 : memref<!tpu.dma_semaphore, #tpu.memory_space<semaphore_mem>>) src(%arg10 : memref<40x128xf32, #tpu.memory_space<vmem>>) dst(%dma_wait3A_193 : memref<10000x128xf32, #tpu.memory_space<vmem_shared>>)
        tpu.yield
      }) : () -> ()
      %add3A_133 = arith.constant 2 : i32
      %add3A_134 = arith.addi %mul3A_85, %add3A_133 : i32
      %mul3A_135 = arith.constant 40 : i32
      %mul3A_136 = arith.muli %add3A_134, %mul3A_135 : i32
      %dma_wait3A_137 = tpu.memref_slice %arg7[%mul3A_136] : memref<10000xi32, #tpu.memory_space<vmem>> -> memref<40xi32, #tpu.memory_space<vmem>>
      %dma_wait3A_138 = arith.constant 0 : i32
      %dma_wait3A_139 = arith.constant 0 : i32
      %dma_wait3A_140 = tpu.memref_slice %arg2[%dma_wait3A_138, %dma_wait3A_139] : memref<10000x128xf32, #tpu.memory_space<hbm>> -> memref<10000x128xf32, #tpu.memory_space<hbm>>
      tpu.wait_indirect_dma semaphore(%arg15 : memref<!tpu.dma_semaphore, #tpu.memory_space<semaphore_mem>>) src(%dma_wait3A_140 : memref<10000x128xf32, #tpu.memory_space<hbm>>) dst(%arg11 : memref<40x128xf32, #tpu.memory_space<vmem>>)
      %add3A_141 = arith.constant 2 : i32
      %add3A_142 = arith.addi %mul3A_85, %add3A_141 : i32
      %add3A_143 = arith.constant 4 : i32
      %add3A_144 = arith.addi %add3A_142, %add3A_143 : i32
      %sub3A_145 = arith.constant 1 : i32
      %sub3A_146 = arith.subi %add3A_144, %sub3A_145 : i32
      %mul3A_147 = arith.constant 40 : i32
      %mul3A_148 = arith.muli %sub3A_146, %mul3A_147 : i32
      %dma_start3A_149 = tpu.memref_slice %arg7[%mul3A_148] : memref<10000xi32, #tpu.memory_space<vmem>> -> memref<40xi32, #tpu.memory_space<vmem>>
      %dma_start3A_150 = arith.constant 0 : i32
      %dma_start3A_151 = arith.constant 0 : i32
      %dma_start3A_152 = tpu.memref_slice %arg2[%dma_start3A_150, %dma_start3A_151] : memref<10000x128xf32, #tpu.memory_space<hbm>> -> memref<10000x128xf32, #tpu.memory_space<hbm>>
      tpu.enqueue_indirect_dma source(%dma_start3A_152 : memref<10000x128xf32, #tpu.memory_space<hbm>>) target(%arg10 : memref<40x128xf32, #tpu.memory_space<vmem>>) offsets(%dma_start3A_149 : memref<40xi32, #tpu.memory_space<vmem>>) semaphore(%arg14 : memref<!tpu.dma_semaphore, #tpu.memory_space<semaphore_mem>>)
      %mul3A_153 = arith.constant 2 : i32
      %mul3A_154 = arith.muli %mul3A_153, %scan3A_83 : i32
      %add3A_155 = arith.constant 1 : i32
      %add3A_156 = arith.addi %mul3A_154, %add3A_155 : i32
      "tpu.region"() ({
        %run_scoped3A_181 = tpu.sem_alloc : memref<!tpu.dma_semaphore, #tpu.memory_space<semaphore_mem>>
        %dma_start3A_182 = arith.constant 0 : i32
        %dma_start3A_183 = tpu.memref_slice %arg8[%add3A_156, %dma_start3A_182] : memref<125x80xi32, #tpu.memory_space<vmem>> -> memref<1x40xi32, #tpu.memory_space<vmem>>
        %dma_start3A_184 = tpu.memref_squeeze %dma_start3A_183 : memref<1x40xi32, #tpu.memory_space<vmem>> -> memref<40xi32, #tpu.memory_space<vmem>>
        %dma_start3A_185 = arith.constant 0 : i32
        %dma_start3A_186 = arith.constant 0 : i32
        %dma_start3A_187 = tpu.memref_slice %arg17[%dma_start3A_185, %dma_start3A_186] : memref<10000x128xf32, #tpu.memory_space<vmem_shared>> -> memref<10000x128xf32, #tpu.memory_space<vmem_shared>>
        tpu.enqueue_indirect_dma source(%arg11 : memref<40x128xf32, #tpu.memory_space<vmem>>) target(%dma_start3A_187 : memref<10000x128xf32, #tpu.memory_space<vmem_shared>>) offsets(%dma_start3A_184 : memref<40xi32, #tpu.memory_space<vmem>>) semaphore(%run_scoped3A_181 : memref<!tpu.dma_semaphore, #tpu.memory_space<semaphore_mem>>) {add = true}
        %dma_wait3A_188 = arith.constant 0 : i32
        %dma_wait3A_189 = tpu.memref_slice %arg8[%add3A_156, %dma_wait3A_188] : memref<125x80xi32, #tpu.memory_space<vmem>> -> memref<1x40xi32, #tpu.memory_space<vmem>>
        %dma_wait3A_190 = tpu.memref_squeeze %dma_wait3A_189 : memref<1x40xi32, #tpu.memory_space<vmem>> -> memref<40xi32, #tpu.memory_space<vmem>>
        %dma_wait3A_191 = arith.constant 0 : i32
        %dma_wait3A_192 = arith.constant 0 : i32
        %dma_wait3A_193 = tpu.memref_slice %arg17[%dma_wait3A_191, %dma_wait3A_192] : memref<10000x128xf32, #tpu.memory_space<vmem_shared>> -> memref<10000x128xf32, #tpu.memory_space<vmem_shared>>
        tpu.wait_indirect_dma semaphore(%run_scoped3A_181 : memref<!tpu.dma_semaphore, #tpu.memory_space<semaphore_mem>>) src(%arg11 : memref<40x128xf32, #tpu.memory_space<vmem>>) dst(%dma_wait3A_193 : memref<10000x128xf32, #tpu.memory_space<vmem_shared>>)
        tpu.yield
      }) : () -> ()
      %add3A_157 = arith.constant 3 : i32
      %add3A_158 = arith.addi %mul3A_85, %add3A_157 : i32
      %mul3A_159 = arith.constant 40 : i32
      %mul3A_160 = arith.muli %add3A_158, %mul3A_159 : i32
      %dma_wait3A_161 = tpu.memref_slice %arg7[%mul3A_160] : memref<10000xi32, #tpu.memory_space<vmem>> -> memref<40xi32, #tpu.memory_space<vmem>>
      %dma_wait3A_162 = arith.constant 0 : i32
      %dma_wait3A_163 = arith.constant 0 : i32
      %dma_wait3A_164 = tpu.memref_slice %arg2[%dma_wait3A_162, %dma_wait3A_163] : memref<10000x128xf32, #tpu.memory_space<hbm>> -> memref<10000x128xf32, #tpu.memory_space<hbm>>
      tpu.wait_indirect_dma semaphore(%arg16 : memref<!tpu.dma_semaphore, #tpu.memory_space<semaphore_mem>>) src(%dma_wait3A_164 : memref<10000x128xf32, #tpu.memory_space<hbm>>) dst(%arg12 : memref<40x128xf32, #tpu.memory_space<vmem>>)
      %add3A_165 = arith.constant 3 : i32
      %add3A_166 = arith.addi %mul3A_85, %add3A_165 : i32
      %add3A_167 = arith.constant 4 : i32
      %add3A_168 = arith.addi %add3A_166, %add3A_167 : i32
      %sub3A_169 = arith.constant 1 : i32
      %sub3A_170 = arith.subi %add3A_168, %sub3A_169 : i32
      %mul3A_171 = arith.constant 40 : i32
      %mul3A_172 = arith.muli %sub3A_170, %mul3A_171 : i32
      %dma_start3A_173 = tpu.memref_slice %arg7[%mul3A_172] : memref<10000xi32, #tpu.memory_space<vmem>> -> memref<40xi32, #tpu.memory_space<vmem>>
      %dma_start3A_174 = arith.constant 0 : i32
      %dma_start3A_175 = arith.constant 0 : i32
      %dma_start3A_176 = tpu.memref_slice %arg2[%dma_start3A_174, %dma_start3A_175] : memref<10000x128xf32, #tpu.memory_space<hbm>> -> memref<10000x128xf32, #tpu.memory_space<hbm>>
      tpu.enqueue_indirect_dma source(%dma_start3A_176 : memref<10000x128xf32, #tpu.memory_space<hbm>>) target(%arg11 : memref<40x128xf32, #tpu.memory_space<vmem>>) offsets(%dma_start3A_173 : memref<40xi32, #tpu.memory_space<vmem>>) semaphore(%arg15 : memref<!tpu.dma_semaphore, #tpu.memory_space<semaphore_mem>>)
      %mul3A_177 = arith.constant 2 : i32
      %mul3A_178 = arith.muli %mul3A_177, %scan3A_83 : i32
      %add3A_179 = arith.constant 1 : i32
      %add3A_180 = arith.addi %mul3A_178, %add3A_179 : i32
      "tpu.region"() ({
        %run_scoped3A_181 = tpu.sem_alloc : memref<!tpu.dma_semaphore, #tpu.memory_space<semaphore_mem>>
        %dma_start3A_182 = arith.constant 40 : i32
        %dma_start3A_183 = tpu.memref_slice %arg8[%add3A_180, %dma_start3A_182] : memref<125x80xi32, #tpu.memory_space<vmem>> -> memref<1x40xi32, #tpu.memory_space<vmem>>
        %dma_start3A_184 = tpu.memref_squeeze %dma_start3A_183 : memref<1x40xi32, #tpu.memory_space<vmem>> -> memref<40xi32, #tpu.memory_space<vmem>>
        %dma_start3A_185 = arith.constant 0 : i32
        %dma_start3A_186 = arith.constant 0 : i32
        %dma_start3A_187 = tpu.memref_slice %arg17[%dma_start3A_185, %dma_start3A_186] : memref<10000x128xf32, #tpu.memory_space<vmem_shared>> -> memref<10000x128xf32, #tpu.memory_space<vmem_shared>>
        tpu.enqueue_indirect_dma source(%arg12 : memref<40x128xf32, #tpu.memory_space<vmem>>) target(%dma_start3A_187 : memref<10000x128xf32, #tpu.memory_space<vmem_shared>>) offsets(%dma_start3A_184 : memref<40xi32, #tpu.memory_space<vmem>>) semaphore(%run_scoped3A_181 : memref<!tpu.dma_semaphore, #tpu.memory_space<semaphore_mem>>) {add = true}
        %dma_wait3A_188 = arith.constant 40 : i32
        %dma_wait3A_189 = tpu.memref_slice %arg8[%add3A_180, %dma_wait3A_188] : memref<125x80xi32, #tpu.memory_space<vmem>> -> memref<1x40xi32, #tpu.memory_space<vmem>>
        %dma_wait3A_190 = tpu.memref_squeeze %dma_wait3A_189 : memref<1x40xi32, #tpu.memory_space<vmem>> -> memref<40xi32, #tpu.memory_space<vmem>>
        %dma_wait3A_191 = arith.constant 0 : i32
        %dma_wait3A_192 = arith.constant 0 : i32
        %dma_wait3A_193 = tpu.memref_slice %arg17[%dma_wait3A_191, %dma_wait3A_192] : memref<10000x128xf32, #tpu.memory_space<vmem_shared>> -> memref<10000x128xf32, #tpu.memory_space<vmem_shared>>
        tpu.wait_indirect_dma semaphore(%run_scoped3A_181 : memref<!tpu.dma_semaphore, #tpu.memory_space<semaphore_mem>>) src(%arg12 : memref<40x128xf32, #tpu.memory_space<vmem>>) dst(%dma_wait3A_193 : memref<10000x128xf32, #tpu.memory_space<vmem_shared>>)
        tpu.yield
      }) : () -> ()
    }
    %scan3A_27 = arith.constant 61 : i32
    %dma_wait3A = arith.constant 9760 : i32
    %dma_wait3A_28 = tpu.memref_slice %arg7[%dma_wait3A] : memref<10000xi32, #tpu.memory_space<vmem>> -> memref<40xi32, #tpu.memory_space<vmem>>
    %dma_wait3A_29 = arith.constant 0 : i32
    %dma_wait3A_30 = arith.constant 0 : i32
    %dma_wait3A_31 = tpu.memref_slice %arg2[%dma_wait3A_29, %dma_wait3A_30] : memref<10000x128xf32, #tpu.memory_space<hbm>> -> memref<10000x128xf32, #tpu.memory_space<hbm>>
    tpu.wait_indirect_dma semaphore(%arg13 : memref<!tpu.dma_semaphore, #tpu.memory_space<semaphore_mem>>) src(%dma_wait3A_31 : memref<10000x128xf32, #tpu.memory_space<hbm>>) dst(%arg9 : memref<40x128xf32, #tpu.memory_space<vmem>>)
    %dma_start3A_32 = arith.constant 9880 : i32
    %dma_start3A_33 = tpu.memref_slice %arg7[%dma_start3A_32] : memref<10000xi32, #tpu.memory_space<vmem>> -> memref<40xi32, #tpu.memory_space<vmem>>
    %dma_start3A_34 = arith.constant 0 : i32
    %dma_start3A_35 = arith.constant 0 : i32
    %dma_start3A_36 = tpu.memref_slice %arg2[%dma_start3A_34, %dma_start3A_35] : memref<10000x128xf32, #tpu.memory_space<hbm>> -> memref<10000x128xf32, #tpu.memory_space<hbm>>
    tpu.enqueue_indirect_dma source(%dma_start3A_36 : memref<10000x128xf32, #tpu.memory_space<hbm>>) target(%arg12 : memref<40x128xf32, #tpu.memory_space<vmem>>) offsets(%dma_start3A_33 : memref<40xi32, #tpu.memory_space<vmem>>) semaphore(%arg16 : memref<!tpu.dma_semaphore, #tpu.memory_space<semaphore_mem>>)
    %run_scoped3A = arith.constant 122 : i32
    "tpu.region"() ({
      %run_scoped3A_83 = tpu.sem_alloc : memref<!tpu.dma_semaphore, #tpu.memory_space<semaphore_mem>>
      %dma_start3A_84 = arith.constant 0 : i32
      %dma_start3A_85 = tpu.memref_slice %arg8[%run_scoped3A, %dma_start3A_84] : memref<125x80xi32, #tpu.memory_space<vmem>> -> memref<1x40xi32, #tpu.memory_space<vmem>>
      %dma_start3A_86 = tpu.memref_squeeze %dma_start3A_85 : memref<1x40xi32, #tpu.memory_space<vmem>> -> memref<40xi32, #tpu.memory_space<vmem>>
      %dma_start3A_87 = arith.constant 0 : i32
      %dma_start3A_88 = arith.constant 0 : i32
      %dma_start3A_89 = tpu.memref_slice %arg17[%dma_start3A_87, %dma_start3A_88] : memref<10000x128xf32, #tpu.memory_space<vmem_shared>> -> memref<10000x128xf32, #tpu.memory_space<vmem_shared>>
      tpu.enqueue_indirect_dma source(%arg9 : memref<40x128xf32, #tpu.memory_space<vmem>>) target(%dma_start3A_89 : memref<10000x128xf32, #tpu.memory_space<vmem_shared>>) offsets(%dma_start3A_86 : memref<40xi32, #tpu.memory_space<vmem>>) semaphore(%run_scoped3A_83 : memref<!tpu.dma_semaphore, #tpu.memory_space<semaphore_mem>>) {add = true}
      %dma_wait3A_90 = arith.constant 0 : i32
      %dma_wait3A_91 = tpu.memref_slice %arg8[%run_scoped3A, %dma_wait3A_90] : memref<125x80xi32, #tpu.memory_space<vmem>> -> memref<1x40xi32, #tpu.memory_space<vmem>>
      %dma_wait3A_92 = tpu.memref_squeeze %dma_wait3A_91 : memref<1x40xi32, #tpu.memory_space<vmem>> -> memref<40xi32, #tpu.memory_space<vmem>>
      %dma_wait3A_93 = arith.constant 0 : i32
      %dma_wait3A_94 = arith.constant 0 : i32
      %dma_wait3A_95 = tpu.memref_slice %arg17[%dma_wait3A_93, %dma_wait3A_94] : memref<10000x128xf32, #tpu.memory_space<vmem_shared>> -> memref<10000x128xf32, #tpu.memory_space<vmem_shared>>
      tpu.wait_indirect_dma semaphore(%run_scoped3A_83 : memref<!tpu.dma_semaphore, #tpu.memory_space<semaphore_mem>>) src(%arg9 : memref<40x128xf32, #tpu.memory_space<vmem>>) dst(%dma_wait3A_95 : memref<10000x128xf32, #tpu.memory_space<vmem_shared>>)
      tpu.yield
    }) : () -> ()
    %dma_wait3A_37 = arith.constant 9800 : i32
    %dma_wait3A_38 = tpu.memref_slice %arg7[%dma_wait3A_37] : memref<10000xi32, #tpu.memory_space<vmem>> -> memref<40xi32, #tpu.memory_space<vmem>>
    %dma_wait3A_39 = arith.constant 0 : i32
    %dma_wait3A_40 = arith.constant 0 : i32
    %dma_wait3A_41 = tpu.memref_slice %arg2[%dma_wait3A_39, %dma_wait3A_40] : memref<10000x128xf32, #tpu.memory_space<hbm>> -> memref<10000x128xf32, #tpu.memory_space<hbm>>
    tpu.wait_indirect_dma semaphore(%arg14 : memref<!tpu.dma_semaphore, #tpu.memory_space<semaphore_mem>>) src(%dma_wait3A_41 : memref<10000x128xf32, #tpu.memory_space<hbm>>) dst(%arg10 : memref<40x128xf32, #tpu.memory_space<vmem>>)
    %dma_start3A_42 = arith.constant 9920 : i32
    %dma_start3A_43 = tpu.memref_slice %arg7[%dma_start3A_42] : memref<10000xi32, #tpu.memory_space<vmem>> -> memref<40xi32, #tpu.memory_space<vmem>>
    %dma_start3A_44 = arith.constant 0 : i32
    %dma_start3A_45 = arith.constant 0 : i32
    %dma_start3A_46 = tpu.memref_slice %arg2[%dma_start3A_44, %dma_start3A_45] : memref<10000x128xf32, #tpu.memory_space<hbm>> -> memref<10000x128xf32, #tpu.memory_space<hbm>>
    tpu.enqueue_indirect_dma source(%dma_start3A_46 : memref<10000x128xf32, #tpu.memory_space<hbm>>) target(%arg9 : memref<40x128xf32, #tpu.memory_space<vmem>>) offsets(%dma_start3A_43 : memref<40xi32, #tpu.memory_space<vmem>>) semaphore(%arg13 : memref<!tpu.dma_semaphore, #tpu.memory_space<semaphore_mem>>)
    %run_scoped3A_47 = arith.constant 122 : i32
    "tpu.region"() ({
      %run_scoped3A_83 = tpu.sem_alloc : memref<!tpu.dma_semaphore, #tpu.memory_space<semaphore_mem>>
      %dma_start3A_84 = arith.constant 40 : i32
      %dma_start3A_85 = tpu.memref_slice %arg8[%run_scoped3A_47, %dma_start3A_84] : memref<125x80xi32, #tpu.memory_space<vmem>> -> memref<1x40xi32, #tpu.memory_space<vmem>>
      %dma_start3A_86 = tpu.memref_squeeze %dma_start3A_85 : memref<1x40xi32, #tpu.memory_space<vmem>> -> memref<40xi32, #tpu.memory_space<vmem>>
      %dma_start3A_87 = arith.constant 0 : i32
      %dma_start3A_88 = arith.constant 0 : i32
      %dma_start3A_89 = tpu.memref_slice %arg17[%dma_start3A_87, %dma_start3A_88] : memref<10000x128xf32, #tpu.memory_space<vmem_shared>> -> memref<10000x128xf32, #tpu.memory_space<vmem_shared>>
      tpu.enqueue_indirect_dma source(%arg10 : memref<40x128xf32, #tpu.memory_space<vmem>>) target(%dma_start3A_89 : memref<10000x128xf32, #tpu.memory_space<vmem_shared>>) offsets(%dma_start3A_86 : memref<40xi32, #tpu.memory_space<vmem>>) semaphore(%run_scoped3A_83 : memref<!tpu.dma_semaphore, #tpu.memory_space<semaphore_mem>>) {add = true}
      %dma_wait3A_90 = arith.constant 40 : i32
      %dma_wait3A_91 = tpu.memref_slice %arg8[%run_scoped3A_47, %dma_wait3A_90] : memref<125x80xi32, #tpu.memory_space<vmem>> -> memref<1x40xi32, #tpu.memory_space<vmem>>
      %dma_wait3A_92 = tpu.memref_squeeze %dma_wait3A_91 : memref<1x40xi32, #tpu.memory_space<vmem>> -> memref<40xi32, #tpu.memory_space<vmem>>
      %dma_wait3A_93 = arith.constant 0 : i32
      %dma_wait3A_94 = arith.constant 0 : i32
      %dma_wait3A_95 = tpu.memref_slice %arg17[%dma_wait3A_93, %dma_wait3A_94] : memref<10000x128xf32, #tpu.memory_space<vmem_shared>> -> memref<10000x128xf32, #tpu.memory_space<vmem_shared>>
      tpu.wait_indirect_dma semaphore(%run_scoped3A_83 : memref<!tpu.dma_semaphore, #tpu.memory_space<semaphore_mem>>) src(%arg10 : memref<40x128xf32, #tpu.memory_space<vmem>>) dst(%dma_wait3A_95 : memref<10000x128xf32, #tpu.memory_space<vmem_shared>>)
      tpu.yield
    }) : () -> ()
    %dma_wait3A_48 = arith.constant 9840 : i32
    %dma_wait3A_49 = tpu.memref_slice %arg7[%dma_wait3A_48] : memref<10000xi32, #tpu.memory_space<vmem>> -> memref<40xi32, #tpu.memory_space<vmem>>
    %dma_wait3A_50 = arith.constant 0 : i32
    %dma_wait3A_51 = arith.constant 0 : i32
    %dma_wait3A_52 = tpu.memref_slice %arg2[%dma_wait3A_50, %dma_wait3A_51] : memref<10000x128xf32, #tpu.memory_space<hbm>> -> memref<10000x128xf32, #tpu.memory_space<hbm>>
    tpu.wait_indirect_dma semaphore(%arg15 : memref<!tpu.dma_semaphore, #tpu.memory_space<semaphore_mem>>) src(%dma_wait3A_52 : memref<10000x128xf32, #tpu.memory_space<hbm>>) dst(%arg11 : memref<40x128xf32, #tpu.memory_space<vmem>>)
    %dma_start3A_53 = arith.constant 9960 : i32
    %dma_start3A_54 = tpu.memref_slice %arg7[%dma_start3A_53] : memref<10000xi32, #tpu.memory_space<vmem>> -> memref<40xi32, #tpu.memory_space<vmem>>
    %dma_start3A_55 = arith.constant 0 : i32
    %dma_start3A_56 = arith.constant 0 : i32
    %dma_start3A_57 = tpu.memref_slice %arg2[%dma_start3A_55, %dma_start3A_56] : memref<10000x128xf32, #tpu.memory_space<hbm>> -> memref<10000x128xf32, #tpu.memory_space<hbm>>
    tpu.enqueue_indirect_dma source(%dma_start3A_57 : memref<10000x128xf32, #tpu.memory_space<hbm>>) target(%arg10 : memref<40x128xf32, #tpu.memory_space<vmem>>) offsets(%dma_start3A_54 : memref<40xi32, #tpu.memory_space<vmem>>) semaphore(%arg14 : memref<!tpu.dma_semaphore, #tpu.memory_space<semaphore_mem>>)
    %run_scoped3A_58 = arith.constant 123 : i32
    "tpu.region"() ({
      %run_scoped3A_83 = tpu.sem_alloc : memref<!tpu.dma_semaphore, #tpu.memory_space<semaphore_mem>>
      %dma_start3A_84 = arith.constant 0 : i32
      %dma_start3A_85 = tpu.memref_slice %arg8[%run_scoped3A_58, %dma_start3A_84] : memref<125x80xi32, #tpu.memory_space<vmem>> -> memref<1x40xi32, #tpu.memory_space<vmem>>
      %dma_start3A_86 = tpu.memref_squeeze %dma_start3A_85 : memref<1x40xi32, #tpu.memory_space<vmem>> -> memref<40xi32, #tpu.memory_space<vmem>>
      %dma_start3A_87 = arith.constant 0 : i32
      %dma_start3A_88 = arith.constant 0 : i32
      %dma_start3A_89 = tpu.memref_slice %arg17[%dma_start3A_87, %dma_start3A_88] : memref<10000x128xf32, #tpu.memory_space<vmem_shared>> -> memref<10000x128xf32, #tpu.memory_space<vmem_shared>>
      tpu.enqueue_indirect_dma source(%arg11 : memref<40x128xf32, #tpu.memory_space<vmem>>) target(%dma_start3A_89 : memref<10000x128xf32, #tpu.memory_space<vmem_shared>>) offsets(%dma_start3A_86 : memref<40xi32, #tpu.memory_space<vmem>>) semaphore(%run_scoped3A_83 : memref<!tpu.dma_semaphore, #tpu.memory_space<semaphore_mem>>) {add = true}
      %dma_wait3A_90 = arith.constant 0 : i32
      %dma_wait3A_91 = tpu.memref_slice %arg8[%run_scoped3A_58, %dma_wait3A_90] : memref<125x80xi32, #tpu.memory_space<vmem>> -> memref<1x40xi32, #tpu.memory_space<vmem>>
      %dma_wait3A_92 = tpu.memref_squeeze %dma_wait3A_91 : memref<1x40xi32, #tpu.memory_space<vmem>> -> memref<40xi32, #tpu.memory_space<vmem>>
      %dma_wait3A_93 = arith.constant 0 : i32
      %dma_wait3A_94 = arith.constant 0 : i32
      %dma_wait3A_95 = tpu.memref_slice %arg17[%dma_wait3A_93, %dma_wait3A_94] : memref<10000x128xf32, #tpu.memory_space<vmem_shared>> -> memref<10000x128xf32, #tpu.memory_space<vmem_shared>>
      tpu.wait_indirect_dma semaphore(%run_scoped3A_83 : memref<!tpu.dma_semaphore, #tpu.memory_space<semaphore_mem>>) src(%arg11 : memref<40x128xf32, #tpu.memory_space<vmem>>) dst(%dma_wait3A_95 : memref<10000x128xf32, #tpu.memory_space<vmem_shared>>)
      tpu.yield
    }) : () -> ()
    %dma_wait3A_59 = arith.constant 9880 : i32
    %dma_wait3A_60 = tpu.memref_slice %arg7[%dma_wait3A_59] : memref<10000xi32, #tpu.memory_space<vmem>> -> memref<40xi32, #tpu.memory_space<vmem>>
    %dma_wait3A_61 = arith.constant 0 : i32
    %dma_wait3A_62 = arith.constant 0 : i32
    %dma_wait3A_63 = tpu.memref_slice %arg2[%dma_wait3A_61, %dma_wait3A_62] : memref<10000x128xf32, #tpu.memory_space<hbm>> -> memref<10000x128xf32, #tpu.memory_space<hbm>>
    tpu.wait_indirect_dma semaphore(%arg16 : memref<!tpu.dma_semaphore, #tpu.memory_space<semaphore_mem>>) src(%dma_wait3A_63 : memref<10000x128xf32, #tpu.memory_space<hbm>>) dst(%arg12 : memref<40x128xf32, #tpu.memory_space<vmem>>)
    %run_scoped3A_64 = arith.constant 123 : i32
    "tpu.region"() ({
      %run_scoped3A_83 = tpu.sem_alloc : memref<!tpu.dma_semaphore, #tpu.memory_space<semaphore_mem>>
      %dma_start3A_84 = arith.constant 40 : i32
      %dma_start3A_85 = tpu.memref_slice %arg8[%run_scoped3A_64, %dma_start3A_84] : memref<125x80xi32, #tpu.memory_space<vmem>> -> memref<1x40xi32, #tpu.memory_space<vmem>>
      %dma_start3A_86 = tpu.memref_squeeze %dma_start3A_85 : memref<1x40xi32, #tpu.memory_space<vmem>> -> memref<40xi32, #tpu.memory_space<vmem>>
      %dma_start3A_87 = arith.constant 0 : i32
      %dma_start3A_88 = arith.constant 0 : i32
      %dma_start3A_89 = tpu.memref_slice %arg17[%dma_start3A_87, %dma_start3A_88] : memref<10000x128xf32, #tpu.memory_space<vmem_shared>> -> memref<10000x128xf32, #tpu.memory_space<vmem_shared>>
      tpu.enqueue_indirect_dma source(%arg12 : memref<40x128xf32, #tpu.memory_space<vmem>>) target(%dma_start3A_89 : memref<10000x128xf32, #tpu.memory_space<vmem_shared>>) offsets(%dma_start3A_86 : memref<40xi32, #tpu.memory_space<vmem>>) semaphore(%run_scoped3A_83 : memref<!tpu.dma_semaphore, #tpu.memory_space<semaphore_mem>>) {add = true}
      %dma_wait3A_90 = arith.constant 40 : i32
      %dma_wait3A_91 = tpu.memref_slice %arg8[%run_scoped3A_64, %dma_wait3A_90] : memref<125x80xi32, #tpu.memory_space<vmem>> -> memref<1x40xi32, #tpu.memory_space<vmem>>
      %dma_wait3A_92 = tpu.memref_squeeze %dma_wait3A_91 : memref<1x40xi32, #tpu.memory_space<vmem>> -> memref<40xi32, #tpu.memory_space<vmem>>
      %dma_wait3A_93 = arith.constant 0 : i32
      %dma_wait3A_94 = arith.constant 0 : i32
      %dma_wait3A_95 = tpu.memref_slice %arg17[%dma_wait3A_93, %dma_wait3A_94] : memref<10000x128xf32, #tpu.memory_space<vmem_shared>> -> memref<10000x128xf32, #tpu.memory_space<vmem_shared>>
      tpu.wait_indirect_dma semaphore(%run_scoped3A_83 : memref<!tpu.dma_semaphore, #tpu.memory_space<semaphore_mem>>) src(%arg12 : memref<40x128xf32, #tpu.memory_space<vmem>>) dst(%dma_wait3A_95 : memref<10000x128xf32, #tpu.memory_space<vmem_shared>>)
      tpu.yield
    }) : () -> ()
    %dma_wait3A_65 = arith.constant 9920 : i32
    %dma_wait3A_66 = tpu.memref_slice %arg7[%dma_wait3A_65] : memref<10000xi32, #tpu.memory_space<vmem>> -> memref<40xi32, #tpu.memory_space<vmem>>
    %dma_wait3A_67 = arith.constant 0 : i32
    %dma_wait3A_68 = arith.constant 0 : i32
    %dma_wait3A_69 = tpu.memref_slice %arg2[%dma_wait3A_67, %dma_wait3A_68] : memref<10000x128xf32, #tpu.memory_space<hbm>> -> memref<10000x128xf32, #tpu.memory_space<hbm>>
    tpu.wait_indirect_dma semaphore(%arg13 : memref<!tpu.dma_semaphore, #tpu.memory_space<semaphore_mem>>) src(%dma_wait3A_69 : memref<10000x128xf32, #tpu.memory_space<hbm>>) dst(%arg9 : memref<40x128xf32, #tpu.memory_space<vmem>>)
    %run_scoped3A_70 = arith.constant 124 : i32
    "tpu.region"() ({
      %run_scoped3A_83 = tpu.sem_alloc : memref<!tpu.dma_semaphore, #tpu.memory_space<semaphore_mem>>
      %dma_start3A_84 = arith.constant 0 : i32
      %dma_start3A_85 = tpu.memref_slice %arg8[%run_scoped3A_70, %dma_start3A_84] : memref<125x80xi32, #tpu.memory_space<vmem>> -> memref<1x40xi32, #tpu.memory_space<vmem>>
      %dma_start3A_86 = tpu.memref_squeeze %dma_start3A_85 : memref<1x40xi32, #tpu.memory_space<vmem>> -> memref<40xi32, #tpu.memory_space<vmem>>
      %dma_start3A_87 = arith.constant 0 : i32
      %dma_start3A_88 = arith.constant 0 : i32
      %dma_start3A_89 = tpu.memref_slice %arg17[%dma_start3A_87, %dma_start3A_88] : memref<10000x128xf32, #tpu.memory_space<vmem_shared>> -> memref<10000x128xf32, #tpu.memory_space<vmem_shared>>
      tpu.enqueue_indirect_dma source(%arg9 : memref<40x128xf32, #tpu.memory_space<vmem>>) target(%dma_start3A_89 : memref<10000x128xf32, #tpu.memory_space<vmem_shared>>) offsets(%dma_start3A_86 : memref<40xi32, #tpu.memory_space<vmem>>) semaphore(%run_scoped3A_83 : memref<!tpu.dma_semaphore, #tpu.memory_space<semaphore_mem>>) {add = true}
      %dma_wait3A_90 = arith.constant 0 : i32
      %dma_wait3A_91 = tpu.memref_slice %arg8[%run_scoped3A_70, %dma_wait3A_90] : memref<125x80xi32, #tpu.memory_space<vmem>> -> memref<1x40xi32, #tpu.memory_space<vmem>>
      %dma_wait3A_92 = tpu.memref_squeeze %dma_wait3A_91 : memref<1x40xi32, #tpu.memory_space<vmem>> -> memref<40xi32, #tpu.memory_space<vmem>>
      %dma_wait3A_93 = arith.constant 0 : i32
      %dma_wait3A_94 = arith.constant 0 : i32
      %dma_wait3A_95 = tpu.memref_slice %arg17[%dma_wait3A_93, %dma_wait3A_94] : memref<10000x128xf32, #tpu.memory_space<vmem_shared>> -> memref<10000x128xf32, #tpu.memory_space<vmem_shared>>
      tpu.wait_indirect_dma semaphore(%run_scoped3A_83 : memref<!tpu.dma_semaphore, #tpu.memory_space<semaphore_mem>>) src(%arg9 : memref<40x128xf32, #tpu.memory_space<vmem>>) dst(%dma_wait3A_95 : memref<10000x128xf32, #tpu.memory_space<vmem_shared>>)
      tpu.yield
    }) : () -> ()
    %dma_wait3A_71 = arith.constant 9960 : i32
    %dma_wait3A_72 = tpu.memref_slice %arg7[%dma_wait3A_71] : memref<10000xi32, #tpu.memory_space<vmem>> -> memref<40xi32, #tpu.memory_space<vmem>>
    %dma_wait3A_73 = arith.constant 0 : i32
    %dma_wait3A_74 = arith.constant 0 : i32
    %dma_wait3A_75 = tpu.memref_slice %arg2[%dma_wait3A_73, %dma_wait3A_74] : memref<10000x128xf32, #tpu.memory_space<hbm>> -> memref<10000x128xf32, #tpu.memory_space<hbm>>
    tpu.wait_indirect_dma semaphore(%arg14 : memref<!tpu.dma_semaphore, #tpu.memory_space<semaphore_mem>>) src(%dma_wait3A_75 : memref<10000x128xf32, #tpu.memory_space<hbm>>) dst(%arg10 : memref<40x128xf32, #tpu.memory_space<vmem>>)
    %run_scoped3A_76 = arith.constant 124 : i32
    "tpu.region"() ({
      %run_scoped3A_83 = tpu.sem_alloc : memref<!tpu.dma_semaphore, #tpu.memory_space<semaphore_mem>>
      %dma_start3A_84 = arith.constant 40 : i32
      %dma_start3A_85 = tpu.memref_slice %arg8[%run_scoped3A_76, %dma_start3A_84] : memref<125x80xi32, #tpu.memory_space<vmem>> -> memref<1x40xi32, #tpu.memory_space<vmem>>
      %dma_start3A_86 = tpu.memref_squeeze %dma_start3A_85 : memref<1x40xi32, #tpu.memory_space<vmem>> -> memref<40xi32, #tpu.memory_space<vmem>>
      %dma_start3A_87 = arith.constant 0 : i32
      %dma_start3A_88 = arith.constant 0 : i32
      %dma_start3A_89 = tpu.memref_slice %arg17[%dma_start3A_87, %dma_start3A_88] : memref<10000x128xf32, #tpu.memory_space<vmem_shared>> -> memref<10000x128xf32, #tpu.memory_space<vmem_shared>>
      tpu.enqueue_indirect_dma source(%arg10 : memref<40x128xf32, #tpu.memory_space<vmem>>) target(%dma_start3A_89 : memref<10000x128xf32, #tpu.memory_space<vmem_shared>>) offsets(%dma_start3A_86 : memref<40xi32, #tpu.memory_space<vmem>>) semaphore(%run_scoped3A_83 : memref<!tpu.dma_semaphore, #tpu.memory_space<semaphore_mem>>) {add = true}
      %dma_wait3A_90 = arith.constant 40 : i32
      %dma_wait3A_91 = tpu.memref_slice %arg8[%run_scoped3A_76, %dma_wait3A_90] : memref<125x80xi32, #tpu.memory_space<vmem>> -> memref<1x40xi32, #tpu.memory_space<vmem>>
      %dma_wait3A_92 = tpu.memref_squeeze %dma_wait3A_91 : memref<1x40xi32, #tpu.memory_space<vmem>> -> memref<40xi32, #tpu.memory_space<vmem>>
      %dma_wait3A_93 = arith.constant 0 : i32
      %dma_wait3A_94 = arith.constant 0 : i32
      %dma_wait3A_95 = tpu.memref_slice %arg17[%dma_wait3A_93, %dma_wait3A_94] : memref<10000x128xf32, #tpu.memory_space<vmem_shared>> -> memref<10000x128xf32, #tpu.memory_space<vmem_shared>>
      tpu.wait_indirect_dma semaphore(%run_scoped3A_83 : memref<!tpu.dma_semaphore, #tpu.memory_space<semaphore_mem>>) src(%arg10 : memref<40x128xf32, #tpu.memory_space<vmem>>) dst(%dma_wait3A_95 : memref<10000x128xf32, #tpu.memory_space<vmem_shared>>)
      tpu.yield
    }) : () -> ()
    %barrier3A_77 = arith.constant 0 : index
    tpu.barrier barrier_id(%barrier3A_77)
    "tpu.region"() ({
      %run_scoped3A_83 = tpu.sem_alloc : memref<!tpu.dma_semaphore, #tpu.memory_space<semaphore_mem>>
      %dma_start3A_84 = arith.constant 0 : i32
      %dma_start3A_85 = tpu.memref_slice %arg6[%arg0, %mul3A_0, %dma_start3A_84] : memref<2x10000x128xf32, #tpu.memory_space<hbm>> -> memref<1x624x128xf32, #tpu.memory_space<hbm>>
      %dma_start3A_86 = tpu.memref_squeeze %dma_start3A_85 : memref<1x624x128xf32, #tpu.memory_space<hbm>> -> memref<624x128xf32, #tpu.memory_space<hbm>>
      %dma_start3A_87 = arith.constant 0 : i32
      %dma_start3A_88 = tpu.memref_slice %arg17[%mul3A_0, %dma_start3A_87] : memref<10000x128xf32, #tpu.memory_space<vmem_shared>> -> memref<624x128xf32, #tpu.memory_space<vmem_shared>>
      tpu.enqueue_dma source(%dma_start3A_88 : memref<624x128xf32, #tpu.memory_space<vmem_shared>>) target(%dma_start3A_86 : memref<624x128xf32, #tpu.memory_space<hbm>>) target_semaphore(%run_scoped3A_83 : memref<!tpu.dma_semaphore, #tpu.memory_space<semaphore_mem>>)
      %dma_wait3A_89 = arith.constant 0 : i32
      %dma_wait3A_90 = tpu.memref_slice %arg6[%arg0, %mul3A_0, %dma_wait3A_89] : memref<2x10000x128xf32, #tpu.memory_space<hbm>> -> memref<1x624x128xf32, #tpu.memory_space<hbm>>
      %dma_wait3A_91 = tpu.memref_squeeze %dma_wait3A_90 : memref<1x624x128xf32, #tpu.memory_space<hbm>> -> memref<624x128xf32, #tpu.memory_space<hbm>>
      %dma_wait3A_92 = arith.constant 0 : i32
      %dma_wait3A_93 = tpu.memref_slice %arg17[%mul3A_0, %dma_wait3A_92] : memref<10000x128xf32, #tpu.memory_space<vmem_shared>> -> memref<624x128xf32, #tpu.memory_space<vmem_shared>>
      tpu.wait_dma2 semaphore(%run_scoped3A_83 : memref<!tpu.dma_semaphore, #tpu.memory_space<semaphore_mem>>) src(%dma_wait3A_93 : memref<624x128xf32, #tpu.memory_space<vmem_shared>>) dst(%dma_wait3A_91 : memref<624x128xf32, #tpu.memory_space<hbm>>)
      tpu.yield
    }) : () -> ()
    %eq3A_78 = arith.constant 15 : i32
    %eq3A_79 = arith.cmpi eq, %arg1, %eq3A_78 : i32
    %convert_element_type3A_80 = arith.extui %eq3A_79 : i1 to i32
    %cond3A_81 = arith.constant 0 : i32
    %cond3A_82 = arith.cmpi ne, %convert_element_type3A_80, %cond3A_81 : i32
    scf.if %cond3A_82 {
      "tpu.region"() ({
        %run_scoped3A_83 = tpu.sem_alloc : memref<!tpu.dma_semaphore, #tpu.memory_space<semaphore_mem>>
        %dma_start3A_84 = arith.constant 9984 : i32
        %dma_start3A_85 = arith.constant 0 : i32
        %dma_start3A_86 = tpu.memref_slice %arg6[%arg0, %dma_start3A_84, %dma_start3A_85] : memref<2x10000x128xf32, #tpu.memory_space<hbm>> -> memref<1x16x128xf32, #tpu.memory_space<hbm>>
        %dma_start3A_87 = tpu.memref_squeeze %dma_start3A_86 : memref<1x16x128xf32, #tpu.memory_space<hbm>> -> memref<16x128xf32, #tpu.memory_space<hbm>>
        %dma_start3A_88 = arith.constant 9984 : i32
        %dma_start3A_89 = arith.constant 0 : i32
        %dma_start3A_90 = tpu.memref_slice %arg17[%dma_start3A_88, %dma_start3A_89] : memref<10000x128xf32, #tpu.memory_space<vmem_shared>> -> memref<16x128xf32, #tpu.memory_space<vmem_shared>>
        tpu.enqueue_dma source(%dma_start3A_90 : memref<16x128xf32, #tpu.memory_space<vmem_shared>>) target(%dma_start3A_87 : memref<16x128xf32, #tpu.memory_space<hbm>>) target_semaphore(%run_scoped3A_83 : memref<!tpu.dma_semaphore, #tpu.memory_space<semaphore_mem>>)
        %dma_wait3A_91 = arith.constant 9984 : i32
        %dma_wait3A_92 = arith.constant 0 : i32
        %dma_wait3A_93 = tpu.memref_slice %arg6[%arg0, %dma_wait3A_91, %dma_wait3A_92] : memref<2x10000x128xf32, #tpu.memory_space<hbm>> -> memref<1x16x128xf32, #tpu.memory_space<hbm>>
        %dma_wait3A_94 = tpu.memref_squeeze %dma_wait3A_93 : memref<1x16x128xf32, #tpu.memory_space<hbm>> -> memref<16x128xf32, #tpu.memory_space<hbm>>
        %dma_wait3A_95 = arith.constant 9984 : i32
        %dma_wait3A_96 = arith.constant 0 : i32
        %dma_wait3A_97 = tpu.memref_slice %arg17[%dma_wait3A_95, %dma_wait3A_96] : memref<10000x128xf32, #tpu.memory_space<vmem_shared>> -> memref<16x128xf32, #tpu.memory_space<vmem_shared>>
        tpu.wait_dma2 semaphore(%run_scoped3A_83 : memref<!tpu.dma_semaphore, #tpu.memory_space<semaphore_mem>>) src(%dma_wait3A_97 : memref<16x128xf32, #tpu.memory_space<vmem_shared>>) dst(%dma_wait3A_94 : memref<16x128xf32, #tpu.memory_space<hbm>>)
        tpu.yield
      }) : () -> ()
    } else {
    }
    return
  }
}

#map = affine_map<(d0, d1) -> (0, 0)>
#map1 = affine_map<(d0, d1) -> (0)>
#map2 = affine_map<(d0, d1) -> (0, 0, 0)>
module attributes {stable_mosaic.version = 14 : i64} {
  func.func @agg(%arg0: i32, %arg1: i32, %arg2: memref<10000x128xf32, #tpu.memory_space<hbm>>, %arg3: memref<320000xi32, #tpu.memory_space<hbm>>, %arg4: memref<32x125x80xi32, #tpu.memory_space<hbm>>, %arg5: memref<10000x128xf32, #tpu.memory_space<hbm>>, %arg6: memref<2x10000x128xf32, #tpu.memory_space<hbm>>, %arg7: memref<10000xi32, #tpu.memory_space<vmem>>, %arg8: memref<125x80xi32, #tpu.memory_space<vmem>>, %arg9: memref<40x128xf32, #tpu.memory_space<vmem>>, %arg10: memref<40x128xf32, #tpu.memory_space<vmem>>, %arg11: memref<40x128xf32, #tpu.memory_space<vmem>>, %arg12: memref<40x128xf32, #tpu.memory_space<vmem>>, %arg13: memref<!tpu.dma_semaphore, #tpu.memory_space<semaphore_mem>>, %arg14: memref<!tpu.dma_semaphore, #tpu.memory_space<semaphore_mem>>, %arg15: memref<!tpu.dma_semaphore, #tpu.memory_space<semaphore_mem>>, %arg16: memref<!tpu.dma_semaphore, #tpu.memory_space<semaphore_mem>>, %arg17: memref<10000x128xf32, #tpu.memory_space<vmem_shared>>) attributes {dimension_semantics = [#tpu.dimension_semantics<core_parallel>, #tpu.dimension_semantics<subcore_parallel>], iteration_bounds = array<i64: 2, 16>, scalar_prefetch = 0 : i64, scratch_operands = 11 : i64, tpu.core_type = #tpu.core_type<sc_vector_subcore>, window_params = [{transform_indices = #map}, {transform_indices = #map1}, {transform_indices = #map2}, {transform_indices = #map}, {transform_indices = #map2}]} {
    %mul3A = arith.constant 624 : i32
    %mul3A_0 = arith.muli %arg1, %mul3A : i32
    "tpu.region"() ({
      %run_scoped3A_83 = tpu.sem_alloc : memref<!tpu.dma_semaphore, #tpu.memory_space<semaphore_mem>>
      %dma_start3A_84 = arith.constant 0 : i32
      %dma_start3A_85 = tpu.memref_slice %arg17[%mul3A_0, %dma_start3A_84] : memref<10000x128xf32, #tpu.memory_space<vmem_shared>> -> memref<624x128xf32, #tpu.memory_space<vmem_shared>>
      %dma_start3A_86 = arith.constant 0 : i32
      %dma_start3A_87 = tpu.memref_slice %arg5[%mul3A_0, %dma_start3A_86] : memref<10000x128xf32, #tpu.memory_space<hbm>> -> memref<624x128xf32, #tpu.memory_space<hbm>>
      tpu.enqueue_dma source(%dma_start3A_87 : memref<624x128xf32, #tpu.memory_space<hbm>>) target(%dma_start3A_85 : memref<624x128xf32, #tpu.memory_space<vmem_shared>>) target_semaphore(%run_scoped3A_83 : memref<!tpu.dma_semaphore, #tpu.memory_space<semaphore_mem>>)
      %dma_wait3A_88 = arith.constant 0 : i32
      %dma_wait3A_89 = tpu.memref_slice %arg17[%mul3A_0, %dma_wait3A_88] : memref<10000x128xf32, #tpu.memory_space<vmem_shared>> -> memref<624x128xf32, #tpu.memory_space<vmem_shared>>
      %dma_wait3A_90 = arith.constant 0 : i32
      %dma_wait3A_91 = tpu.memref_slice %arg5[%mul3A_0, %dma_wait3A_90] : memref<10000x128xf32, #tpu.memory_space<hbm>> -> memref<624x128xf32, #tpu.memory_space<hbm>>
      tpu.wait_dma2 semaphore(%run_scoped3A_83 : memref<!tpu.dma_semaphore, #tpu.memory_space<semaphore_mem>>) src(%dma_wait3A_91 : memref<624x128xf32, #tpu.memory_space<hbm>>) dst(%dma_wait3A_89 : memref<624x128xf32, #tpu.memory_space<vmem_shared>>)
      tpu.yield
    }) : () -> ()
    %eq3A = arith.constant 15 : i32
    %eq3A_1 = arith.cmpi eq, %arg1, %eq3A : i32
    %convert_element_type3A = arith.extui %eq3A_1 : i1 to i32
    %cond3A = arith.constant 0 : i32
    %cond3A_2 = arith.cmpi ne, %convert_element_type3A, %cond3A : i32
    scf.if %cond3A_2 {
      "tpu.region"() ({
        %run_scoped3A_83 = tpu.sem_alloc : memref<!tpu.dma_semaphore, #tpu.memory_space<semaphore_mem>>
        %dma_start3A_84 = arith.constant 9984 : i32
        %dma_start3A_85 = arith.constant 0 : i32
        %dma_start3A_86 = tpu.memref_slice %arg17[%dma_start3A_84, %dma_start3A_85] : memref<10000x128xf32, #tpu.memory_space<vmem_shared>> -> memref<16x128xf32, #tpu.memory_space<vmem_shared>>
        %dma_start3A_87 = arith.constant 9984 : i32
        %dma_start3A_88 = arith.constant 0 : i32
        %dma_start3A_89 = tpu.memref_slice %arg5[%dma_start3A_87, %dma_start3A_88] : memref<10000x128xf32, #tpu.memory_space<hbm>> -> memref<16x128xf32, #tpu.memory_space<hbm>>
        tpu.enqueue_dma source(%dma_start3A_89 : memref<16x128xf32, #tpu.memory_space<hbm>>) target(%dma_start3A_86 : memref<16x128xf32, #tpu.memory_space<vmem_shared>>) target_semaphore(%run_scoped3A_83 : memref<!tpu.dma_semaphore, #tpu.memory_space<semaphore_mem>>)
        %dma_wait3A_90 = arith.constant 9984 : i32
        %dma_wait3A_91 = arith.constant 0 : i32
        %dma_wait3A_92 = tpu.memref_slice %arg17[%dma_wait3A_90, %dma_wait3A_91] : memref<10000x128xf32, #tpu.memory_space<vmem_shared>> -> memref<16x128xf32, #tpu.memory_space<vmem_shared>>
        %dma_wait3A_93 = arith.constant 9984 : i32
        %dma_wait3A_94 = arith.constant 0 : i32
        %dma_wait3A_95 = tpu.memref_slice %arg5[%dma_wait3A_93, %dma_wait3A_94] : memref<10000x128xf32, #tpu.memory_space<hbm>> -> memref<16x128xf32, #tpu.memory_space<hbm>>
        tpu.wait_dma2 semaphore(%run_scoped3A_83 : memref<!tpu.dma_semaphore, #tpu.memory_space<semaphore_mem>>) src(%dma_wait3A_95 : memref<16x128xf32, #tpu.memory_space<hbm>>) dst(%dma_wait3A_92 : memref<16x128xf32, #tpu.memory_space<vmem_shared>>)
        tpu.yield
      }) : () -> ()
    } else {
    }
    %mul3A_3 = arith.constant 16 : i32
    %mul3A_4 = arith.muli %arg0, %mul3A_3 : i32
    %add3A = arith.addi %mul3A_4, %arg1 : i32
    %mul3A_5 = arith.constant 250 : i32
    %mul3A_6 = arith.muli %add3A, %mul3A_5 : i32
    %mul3A_7 = arith.constant 40 : i32
    %mul3A_8 = arith.muli %mul3A_6, %mul3A_7 : i32
    "tpu.region"() ({
      %run_scoped3A_83 = tpu.sem_alloc : memref<!tpu.dma_semaphore, #tpu.memory_space<semaphore_mem>>
      %dma_start3A_84 = tpu.memref_slice %arg3[%mul3A_8] : memref<320000xi32, #tpu.memory_space<hbm>> -> memref<10000xi32, #tpu.memory_space<hbm>>
      %dma_start3A_85 = tpu.memref_slice %arg3[%mul3A_8] : memref<320000xi32, #tpu.memory_space<hbm>> -> memref<10000xi32, #tpu.memory_space<hbm>>
      tpu.enqueue_dma source(%dma_start3A_85 : memref<10000xi32, #tpu.memory_space<hbm>>) target(%arg7 : memref<10000xi32, #tpu.memory_space<vmem>>) target_semaphore(%run_scoped3A_83 : memref<!tpu.dma_semaphore, #tpu.memory_space<semaphore_mem>>)
      %dma_wait3A_86 = tpu.memref_slice %arg3[%mul3A_8] : memref<320000xi32, #tpu.memory_space<hbm>> -> memref<10000xi32, #tpu.memory_space<hbm>>
      %dma_wait3A_87 = tpu.memref_slice %arg3[%mul3A_8] : memref<320000xi32, #tpu.memory_space<hbm>> -> memref<10000xi32, #tpu.memory_space<hbm>>
      tpu.wait_dma2 semaphore(%run_scoped3A_83 : memref<!tpu.dma_semaphore, #tpu.memory_space<semaphore_mem>>) src(%dma_wait3A_87 : memref<10000xi32, #tpu.memory_space<hbm>>) dst(%arg7 : memref<10000xi32, #tpu.memory_space<vmem>>)
      tpu.yield
    }) : () -> ()
    "tpu.region"() ({
      %run_scoped3A_83 = tpu.sem_alloc : memref<!tpu.dma_semaphore, #tpu.memory_space<semaphore_mem>>
      %dma_start3A_84 = arith.constant 0 : i32
      %dma_start3A_85 = arith.constant 0 : i32
      %dma_start3A_86 = tpu.memref_slice %arg4[%add3A, %dma_start3A_84, %dma_start3A_85] : memref<32x125x80xi32, #tpu.memory_space<hbm>> -> memref<1x125x80xi32, #tpu.memory_space<hbm>>
      %dma_start3A_87 = tpu.memref_squeeze %dma_start3A_86 : memref<1x125x80xi32, #tpu.memory_space<hbm>> -> memref<125x80xi32, #tpu.memory_space<hbm>>
      %dma_start3A_88 = arith.constant 0 : i32
      %dma_start3A_89 = arith.constant 0 : i32
      %dma_start3A_90 = tpu.memref_slice %arg4[%add3A, %dma_start3A_88, %dma_start3A_89] : memref<32x125x80xi32, #tpu.memory_space<hbm>> -> memref<1x125x80xi32, #tpu.memory_space<hbm>>
      %dma_start3A_91 = tpu.memref_squeeze %dma_start3A_90 : memref<1x125x80xi32, #tpu.memory_space<hbm>> -> memref<125x80xi32, #tpu.memory_space<hbm>>
      tpu.enqueue_dma source(%dma_start3A_91 : memref<125x80xi32, #tpu.memory_space<hbm>>) target(%arg8 : memref<125x80xi32, #tpu.memory_space<vmem>>) target_semaphore(%run_scoped3A_83 : memref<!tpu.dma_semaphore, #tpu.memory_space<semaphore_mem>>)
      %dma_wait3A_92 = arith.constant 0 : i32
      %dma_wait3A_93 = arith.constant 0 : i32
      %dma_wait3A_94 = tpu.memref_slice %arg4[%add3A, %dma_wait3A_92, %dma_wait3A_93] : memref<32x125x80xi32, #tpu.memory_space<hbm>> -> memref<1x125x80xi32, #tpu.memory_space<hbm>>
      %dma_wait3A_95 = tpu.memref_squeeze %dma_wait3A_94 : memref<1x125x80xi32, #tpu.memory_space<hbm>> -> memref<125x80xi32, #tpu.memory_space<hbm>>
      %dma_wait3A_96 = arith.constant 0 : i32
      %dma_wait3A_97 = arith.constant 0 : i32
      %dma_wait3A_98 = tpu.memref_slice %arg4[%add3A, %dma_wait3A_96, %dma_wait3A_97] : memref<32x125x80xi32, #tpu.memory_space<hbm>> -> memref<1x125x80xi32, #tpu.memory_space<hbm>>
      %dma_wait3A_99 = tpu.memref_squeeze %dma_wait3A_98 : memref<1x125x80xi32, #tpu.memory_space<hbm>> -> memref<125x80xi32, #tpu.memory_space<hbm>>
      tpu.wait_dma2 semaphore(%run_scoped3A_83 : memref<!tpu.dma_semaphore, #tpu.memory_space<semaphore_mem>>) src(%dma_wait3A_99 : memref<125x80xi32, #tpu.memory_space<hbm>>) dst(%arg8 : memref<125x80xi32, #tpu.memory_space<vmem>>)
      tpu.yield
    }) : () -> ()
    %barrier3A = arith.constant 0 : index
    tpu.barrier barrier_id(%barrier3A)
    %dma_start3A = arith.constant 0 : i32
    %dma_start3A_9 = tpu.memref_slice %arg7[%dma_start3A] : memref<10000xi32, #tpu.memory_space<vmem>> -> memref<40xi32, #tpu.memory_space<vmem>>
    %dma_start3A_10 = arith.constant 0 : i32
    %dma_start3A_11 = arith.constant 0 : i32
    %dma_start3A_12 = tpu.memref_slice %arg2[%dma_start3A_10, %dma_start3A_11] : memref<10000x128xf32, #tpu.memory_space<hbm>> -> memref<10000x128xf32, #tpu.memory_space<hbm>>
    tpu.enqueue_indirect_dma source(%dma_start3A_12 : memref<10000x128xf32, #tpu.memory_space<hbm>>) target(%arg9 : memref<40x128xf32, #tpu.memory_space<vmem>>) offsets(%dma_start3A_9 : memref<40xi32, #tpu.memory_space<vmem>>) semaphore(%arg13 : memref<!tpu.dma_semaphore, #tpu.memory_space<semaphore_mem>>)
    %dma_start3A_13 = arith.constant 40 : i32
    %dma_start3A_14 = tpu.memref_slice %arg7[%dma_start3A_13] : memref<10000xi32, #tpu.memory_space<vmem>> -> memref<40xi32, #tpu.memory_space<vmem>>
    %dma_start3A_15 = arith.constant 0 : i32
    %dma_start3A_16 = arith.constant 0 : i32
    %dma_start3A_17 = tpu.memref_slice %arg2[%dma_start3A_15, %dma_start3A_16] : memref<10000x128xf32, #tpu.memory_space<hbm>> -> memref<10000x128xf32, #tpu.memory_space<hbm>>
    tpu.enqueue_indirect_dma source(%dma_start3A_17 : memref<10000x128xf32, #tpu.memory_space<hbm>>) target(%arg10 : memref<40x128xf32, #tpu.memory_space<vmem>>) offsets(%dma_start3A_14 : memref<40xi32, #tpu.memory_space<vmem>>) semaphore(%arg14 : memref<!tpu.dma_semaphore, #tpu.memory_space<semaphore_mem>>)
    %dma_start3A_18 = arith.constant 80 : i32
    %dma_start3A_19 = tpu.memref_slice %arg7[%dma_start3A_18] : memref<10000xi32, #tpu.memory_space<vmem>> -> memref<40xi32, #tpu.memory_space<vmem>>
    %dma_start3A_20 = arith.constant 0 : i32
    %dma_start3A_21 = arith.constant 0 : i32
    %dma_start3A_22 = tpu.memref_slice %arg2[%dma_start3A_20, %dma_start3A_21] : memref<10000x128xf32, #tpu.memory_space<hbm>> -> memref<10000x128xf32, #tpu.memory_space<hbm>>
    tpu.enqueue_indirect_dma source(%dma_start3A_22 : memref<10000x128xf32, #tpu.memory_space<hbm>>) target(%arg11 : memref<40x128xf32, #tpu.memory_space<vmem>>) offsets(%dma_start3A_19 : memref<40xi32, #tpu.memory_space<vmem>>) semaphore(%arg15 : memref<!tpu.dma_semaphore, #tpu.memory_space<semaphore_mem>>)
    %scan3A = arith.constant 0 : i32
    %scan3A_23 = arith.constant 0 : i32
    %scan3A_24 = arith.constant 61 : i32
    %scan3A_25 = arith.addi %scan3A_23, %scan3A_24 : i32
    %scan3A_26 = arith.constant 1 : i32
    scf.for %scan3A_83 = %scan3A_23 to %scan3A_25 step %scan3A_26  : i32 {
      %mul3A_84 = arith.constant 4 : i32
      %mul3A_85 = arith.muli %mul3A_84, %scan3A_83 : i32
      %add3A_86 = arith.constant 0 : i32
      %add3A_87 = arith.addi %mul3A_85, %add3A_86 : i32
      %mul3A_88 = arith.constant 40 : i32
      %mul3A_89 = arith.muli %add3A_87, %mul3A_88 : i32
      %dma_wait3A_90 = tpu.memref_slice %arg7[%mul3A_89] : memref<10000xi32, #tpu.memory_space<vmem>> -> memref<40xi32, #tpu.memory_space<vmem>>
      %dma_wait3A_91 = arith.constant 0 : i32
      %dma_wait3A_92 = arith.constant 0 : i32
      %dma_wait3A_93 = tpu.memref_slice %arg2[%dma_wait3A_91, %dma_wait3A_92] : memref<10000x128xf32, #tpu.memory_space<hbm>> -> memref<10000x128xf32, #tpu.memory_space<hbm>>
      tpu.wait_indirect_dma semaphore(%arg13 : memref<!tpu.dma_semaphore, #tpu.memory_space<semaphore_mem>>) src(%dma_wait3A_93 : memref<10000x128xf32, #tpu.memory_space<hbm>>) dst(%arg9 : memref<40x128xf32, #tpu.memory_space<vmem>>)
      %add3A_94 = arith.constant 0 : i32
      %add3A_95 = arith.addi %mul3A_85, %add3A_94 : i32
      %add3A_96 = arith.constant 4 : i32
      %add3A_97 = arith.addi %add3A_95, %add3A_96 : i32
      %sub3A = arith.constant 1 : i32
      %sub3A_98 = arith.subi %add3A_97, %sub3A : i32
      %mul3A_99 = arith.constant 40 : i32
      %mul3A_100 = arith.muli %sub3A_98, %mul3A_99 : i32
      %dma_start3A_101 = tpu.memref_slice %arg7[%mul3A_100] : memref<10000xi32, #tpu.memory_space<vmem>> -> memref<40xi32, #tpu.memory_space<vmem>>
      %dma_start3A_102 = arith.constant 0 : i32
      %dma_start3A_103 = arith.constant 0 : i32
      %dma_start3A_104 = tpu.memref_slice %arg2[%dma_start3A_102, %dma_start3A_103] : memref<10000x128xf32, #tpu.memory_space<hbm>> -> memref<10000x128xf32, #tpu.memory_space<hbm>>
      tpu.enqueue_indirect_dma source(%dma_start3A_104 : memref<10000x128xf32, #tpu.memory_space<hbm>>) target(%arg12 : memref<40x128xf32, #tpu.memory_space<vmem>>) offsets(%dma_start3A_101 : memref<40xi32, #tpu.memory_space<vmem>>) semaphore(%arg16 : memref<!tpu.dma_semaphore, #tpu.memory_space<semaphore_mem>>)
      %mul3A_105 = arith.constant 2 : i32
      %mul3A_106 = arith.muli %mul3A_105, %scan3A_83 : i32
      %add3A_107 = arith.constant 0 : i32
      %add3A_108 = arith.addi %mul3A_106, %add3A_107 : i32
      "tpu.region"() ({
        %run_scoped3A_181 = tpu.sem_alloc : memref<!tpu.dma_semaphore, #tpu.memory_space<semaphore_mem>>
        %dma_start3A_182 = arith.constant 0 : i32
        %dma_start3A_183 = tpu.memref_slice %arg8[%add3A_108, %dma_start3A_182] : memref<125x80xi32, #tpu.memory_space<vmem>> -> memref<1x40xi32, #tpu.memory_space<vmem>>
        %dma_start3A_184 = tpu.memref_squeeze %dma_start3A_183 : memref<1x40xi32, #tpu.memory_space<vmem>> -> memref<40xi32, #tpu.memory_space<vmem>>
        %dma_start3A_185 = arith.constant 0 : i32
        %dma_start3A_186 = arith.constant 0 : i32
        %dma_start3A_187 = tpu.memref_slice %arg17[%dma_start3A_185, %dma_start3A_186] : memref<10000x128xf32, #tpu.memory_space<vmem_shared>> -> memref<10000x128xf32, #tpu.memory_space<vmem_shared>>
        tpu.enqueue_indirect_dma source(%arg9 : memref<40x128xf32, #tpu.memory_space<vmem>>) target(%dma_start3A_187 : memref<10000x128xf32, #tpu.memory_space<vmem_shared>>) offsets(%dma_start3A_184 : memref<40xi32, #tpu.memory_space<vmem>>) semaphore(%run_scoped3A_181 : memref<!tpu.dma_semaphore, #tpu.memory_space<semaphore_mem>>) {add = true}
        %dma_wait3A_188 = arith.constant 0 : i32
        %dma_wait3A_189 = tpu.memref_slice %arg8[%add3A_108, %dma_wait3A_188] : memref<125x80xi32, #tpu.memory_space<vmem>> -> memref<1x40xi32, #tpu.memory_space<vmem>>
        %dma_wait3A_190 = tpu.memref_squeeze %dma_wait3A_189 : memref<1x40xi32, #tpu.memory_space<vmem>> -> memref<40xi32, #tpu.memory_space<vmem>>
        %dma_wait3A_191 = arith.constant 0 : i32
        %dma_wait3A_192 = arith.constant 0 : i32
        %dma_wait3A_193 = tpu.memref_slice %arg17[%dma_wait3A_191, %dma_wait3A_192] : memref<10000x128xf32, #tpu.memory_space<vmem_shared>> -> memref<10000x128xf32, #tpu.memory_space<vmem_shared>>
        tpu.wait_indirect_dma semaphore(%run_scoped3A_181 : memref<!tpu.dma_semaphore, #tpu.memory_space<semaphore_mem>>) src(%arg9 : memref<40x128xf32, #tpu.memory_space<vmem>>) dst(%dma_wait3A_193 : memref<10000x128xf32, #tpu.memory_space<vmem_shared>>)
        tpu.yield
      }) : () -> ()
      %add3A_109 = arith.constant 1 : i32
      %add3A_110 = arith.addi %mul3A_85, %add3A_109 : i32
      %mul3A_111 = arith.constant 40 : i32
      %mul3A_112 = arith.muli %add3A_110, %mul3A_111 : i32
      %dma_wait3A_113 = tpu.memref_slice %arg7[%mul3A_112] : memref<10000xi32, #tpu.memory_space<vmem>> -> memref<40xi32, #tpu.memory_space<vmem>>
      %dma_wait3A_114 = arith.constant 0 : i32
      %dma_wait3A_115 = arith.constant 0 : i32
      %dma_wait3A_116 = tpu.memref_slice %arg2[%dma_wait3A_114, %dma_wait3A_115] : memref<10000x128xf32, #tpu.memory_space<hbm>> -> memref<10000x128xf32, #tpu.memory_space<hbm>>
      tpu.wait_indirect_dma semaphore(%arg14 : memref<!tpu.dma_semaphore, #tpu.memory_space<semaphore_mem>>) src(%dma_wait3A_116 : memref<10000x128xf32, #tpu.memory_space<hbm>>) dst(%arg10 : memref<40x128xf32, #tpu.memory_space<vmem>>)
      %add3A_117 = arith.constant 1 : i32
      %add3A_118 = arith.addi %mul3A_85, %add3A_117 : i32
      %add3A_119 = arith.constant 4 : i32
      %add3A_120 = arith.addi %add3A_118, %add3A_119 : i32
      %sub3A_121 = arith.constant 1 : i32
      %sub3A_122 = arith.subi %add3A_120, %sub3A_121 : i32
      %mul3A_123 = arith.constant 40 : i32
      %mul3A_124 = arith.muli %sub3A_122, %mul3A_123 : i32
      %dma_start3A_125 = tpu.memref_slice %arg7[%mul3A_124] : memref<10000xi32, #tpu.memory_space<vmem>> -> memref<40xi32, #tpu.memory_space<vmem>>
      %dma_start3A_126 = arith.constant 0 : i32
      %dma_start3A_127 = arith.constant 0 : i32
      %dma_start3A_128 = tpu.memref_slice %arg2[%dma_start3A_126, %dma_start3A_127] : memref<10000x128xf32, #tpu.memory_space<hbm>> -> memref<10000x128xf32, #tpu.memory_space<hbm>>
      tpu.enqueue_indirect_dma source(%dma_start3A_128 : memref<10000x128xf32, #tpu.memory_space<hbm>>) target(%arg9 : memref<40x128xf32, #tpu.memory_space<vmem>>) offsets(%dma_start3A_125 : memref<40xi32, #tpu.memory_space<vmem>>) semaphore(%arg13 : memref<!tpu.dma_semaphore, #tpu.memory_space<semaphore_mem>>)
      %mul3A_129 = arith.constant 2 : i32
      %mul3A_130 = arith.muli %mul3A_129, %scan3A_83 : i32
      %add3A_131 = arith.constant 0 : i32
      %add3A_132 = arith.addi %mul3A_130, %add3A_131 : i32
      "tpu.region"() ({
        %run_scoped3A_181 = tpu.sem_alloc : memref<!tpu.dma_semaphore, #tpu.memory_space<semaphore_mem>>
        %dma_start3A_182 = arith.constant 40 : i32
        %dma_start3A_183 = tpu.memref_slice %arg8[%add3A_132, %dma_start3A_182] : memref<125x80xi32, #tpu.memory_space<vmem>> -> memref<1x40xi32, #tpu.memory_space<vmem>>
        %dma_start3A_184 = tpu.memref_squeeze %dma_start3A_183 : memref<1x40xi32, #tpu.memory_space<vmem>> -> memref<40xi32, #tpu.memory_space<vmem>>
        %dma_start3A_185 = arith.constant 0 : i32
        %dma_start3A_186 = arith.constant 0 : i32
        %dma_start3A_187 = tpu.memref_slice %arg17[%dma_start3A_185, %dma_start3A_186] : memref<10000x128xf32, #tpu.memory_space<vmem_shared>> -> memref<10000x128xf32, #tpu.memory_space<vmem_shared>>
        tpu.enqueue_indirect_dma source(%arg10 : memref<40x128xf32, #tpu.memory_space<vmem>>) target(%dma_start3A_187 : memref<10000x128xf32, #tpu.memory_space<vmem_shared>>) offsets(%dma_start3A_184 : memref<40xi32, #tpu.memory_space<vmem>>) semaphore(%run_scoped3A_181 : memref<!tpu.dma_semaphore, #tpu.memory_space<semaphore_mem>>) {add = true}
        %dma_wait3A_188 = arith.constant 40 : i32
        %dma_wait3A_189 = tpu.memref_slice %arg8[%add3A_132, %dma_wait3A_188] : memref<125x80xi32, #tpu.memory_space<vmem>> -> memref<1x40xi32, #tpu.memory_space<vmem>>
        %dma_wait3A_190 = tpu.memref_squeeze %dma_wait3A_189 : memref<1x40xi32, #tpu.memory_space<vmem>> -> memref<40xi32, #tpu.memory_space<vmem>>
        %dma_wait3A_191 = arith.constant 0 : i32
        %dma_wait3A_192 = arith.constant 0 : i32
        %dma_wait3A_193 = tpu.memref_slice %arg17[%dma_wait3A_191, %dma_wait3A_192] : memref<10000x128xf32, #tpu.memory_space<vmem_shared>> -> memref<10000x128xf32, #tpu.memory_space<vmem_shared>>
        tpu.wait_indirect_dma semaphore(%run_scoped3A_181 : memref<!tpu.dma_semaphore, #tpu.memory_space<semaphore_mem>>) src(%arg10 : memref<40x128xf32, #tpu.memory_space<vmem>>) dst(%dma_wait3A_193 : memref<10000x128xf32, #tpu.memory_space<vmem_shared>>)
        tpu.yield
      }) : () -> ()
      %add3A_133 = arith.constant 2 : i32
      %add3A_134 = arith.addi %mul3A_85, %add3A_133 : i32
      %mul3A_135 = arith.constant 40 : i32
      %mul3A_136 = arith.muli %add3A_134, %mul3A_135 : i32
      %dma_wait3A_137 = tpu.memref_slice %arg7[%mul3A_136] : memref<10000xi32, #tpu.memory_space<vmem>> -> memref<40xi32, #tpu.memory_space<vmem>>
      %dma_wait3A_138 = arith.constant 0 : i32
      %dma_wait3A_139 = arith.constant 0 : i32
      %dma_wait3A_140 = tpu.memref_slice %arg2[%dma_wait3A_138, %dma_wait3A_139] : memref<10000x128xf32, #tpu.memory_space<hbm>> -> memref<10000x128xf32, #tpu.memory_space<hbm>>
      tpu.wait_indirect_dma semaphore(%arg15 : memref<!tpu.dma_semaphore, #tpu.memory_space<semaphore_mem>>) src(%dma_wait3A_140 : memref<10000x128xf32, #tpu.memory_space<hbm>>) dst(%arg11 : memref<40x128xf32, #tpu.memory_space<vmem>>)
      %add3A_141 = arith.constant 2 : i32
      %add3A_142 = arith.addi %mul3A_85, %add3A_141 : i32
      %add3A_143 = arith.constant 4 : i32
      %add3A_144 = arith.addi %add3A_142, %add3A_143 : i32
      %sub3A_145 = arith.constant 1 : i32
      %sub3A_146 = arith.subi %add3A_144, %sub3A_145 : i32
      %mul3A_147 = arith.constant 40 : i32
      %mul3A_148 = arith.muli %sub3A_146, %mul3A_147 : i32
      %dma_start3A_149 = tpu.memref_slice %arg7[%mul3A_148] : memref<10000xi32, #tpu.memory_space<vmem>> -> memref<40xi32, #tpu.memory_space<vmem>>
      %dma_start3A_150 = arith.constant 0 : i32
      %dma_start3A_151 = arith.constant 0 : i32
      %dma_start3A_152 = tpu.memref_slice %arg2[%dma_start3A_150, %dma_start3A_151] : memref<10000x128xf32, #tpu.memory_space<hbm>> -> memref<10000x128xf32, #tpu.memory_space<hbm>>
      tpu.enqueue_indirect_dma source(%dma_start3A_152 : memref<10000x128xf32, #tpu.memory_space<hbm>>) target(%arg10 : memref<40x128xf32, #tpu.memory_space<vmem>>) offsets(%dma_start3A_149 : memref<40xi32, #tpu.memory_space<vmem>>) semaphore(%arg14 : memref<!tpu.dma_semaphore, #tpu.memory_space<semaphore_mem>>)
      %mul3A_153 = arith.constant 2 : i32
      %mul3A_154 = arith.muli %mul3A_153, %scan3A_83 : i32
      %add3A_155 = arith.constant 1 : i32
      %add3A_156 = arith.addi %mul3A_154, %add3A_155 : i32
      "tpu.region"() ({
        %run_scoped3A_181 = tpu.sem_alloc : memref<!tpu.dma_semaphore, #tpu.memory_space<semaphore_mem>>
        %dma_start3A_182 = arith.constant 0 : i32
        %dma_start3A_183 = tpu.memref_slice %arg8[%add3A_156, %dma_start3A_182] : memref<125x80xi32, #tpu.memory_space<vmem>> -> memref<1x40xi32, #tpu.memory_space<vmem>>
        %dma_start3A_184 = tpu.memref_squeeze %dma_start3A_183 : memref<1x40xi32, #tpu.memory_space<vmem>> -> memref<40xi32, #tpu.memory_space<vmem>>
        %dma_start3A_185 = arith.constant 0 : i32
        %dma_start3A_186 = arith.constant 0 : i32
        %dma_start3A_187 = tpu.memref_slice %arg17[%dma_start3A_185, %dma_start3A_186] : memref<10000x128xf32, #tpu.memory_space<vmem_shared>> -> memref<10000x128xf32, #tpu.memory_space<vmem_shared>>
        tpu.enqueue_indirect_dma source(%arg11 : memref<40x128xf32, #tpu.memory_space<vmem>>) target(%dma_start3A_187 : memref<10000x128xf32, #tpu.memory_space<vmem_shared>>) offsets(%dma_start3A_184 : memref<40xi32, #tpu.memory_space<vmem>>) semaphore(%run_scoped3A_181 : memref<!tpu.dma_semaphore, #tpu.memory_space<semaphore_mem>>) {add = true}
        %dma_wait3A_188 = arith.constant 0 : i32
        %dma_wait3A_189 = tpu.memref_slice %arg8[%add3A_156, %dma_wait3A_188] : memref<125x80xi32, #tpu.memory_space<vmem>> -> memref<1x40xi32, #tpu.memory_space<vmem>>
        %dma_wait3A_190 = tpu.memref_squeeze %dma_wait3A_189 : memref<1x40xi32, #tpu.memory_space<vmem>> -> memref<40xi32, #tpu.memory_space<vmem>>
        %dma_wait3A_191 = arith.constant 0 : i32
        %dma_wait3A_192 = arith.constant 0 : i32
        %dma_wait3A_193 = tpu.memref_slice %arg17[%dma_wait3A_191, %dma_wait3A_192] : memref<10000x128xf32, #tpu.memory_space<vmem_shared>> -> memref<10000x128xf32, #tpu.memory_space<vmem_shared>>
        tpu.wait_indirect_dma semaphore(%run_scoped3A_181 : memref<!tpu.dma_semaphore, #tpu.memory_space<semaphore_mem>>) src(%arg11 : memref<40x128xf32, #tpu.memory_space<vmem>>) dst(%dma_wait3A_193 : memref<10000x128xf32, #tpu.memory_space<vmem_shared>>)
        tpu.yield
      }) : () -> ()
      %add3A_157 = arith.constant 3 : i32
      %add3A_158 = arith.addi %mul3A_85, %add3A_157 : i32
      %mul3A_159 = arith.constant 40 : i32
      %mul3A_160 = arith.muli %add3A_158, %mul3A_159 : i32
      %dma_wait3A_161 = tpu.memref_slice %arg7[%mul3A_160] : memref<10000xi32, #tpu.memory_space<vmem>> -> memref<40xi32, #tpu.memory_space<vmem>>
      %dma_wait3A_162 = arith.constant 0 : i32
      %dma_wait3A_163 = arith.constant 0 : i32
      %dma_wait3A_164 = tpu.memref_slice %arg2[%dma_wait3A_162, %dma_wait3A_163] : memref<10000x128xf32, #tpu.memory_space<hbm>> -> memref<10000x128xf32, #tpu.memory_space<hbm>>
      tpu.wait_indirect_dma semaphore(%arg16 : memref<!tpu.dma_semaphore, #tpu.memory_space<semaphore_mem>>) src(%dma_wait3A_164 : memref<10000x128xf32, #tpu.memory_space<hbm>>) dst(%arg12 : memref<40x128xf32, #tpu.memory_space<vmem>>)
      %add3A_165 = arith.constant 3 : i32
      %add3A_166 = arith.addi %mul3A_85, %add3A_165 : i32
      %add3A_167 = arith.constant 4 : i32
      %add3A_168 = arith.addi %add3A_166, %add3A_167 : i32
      %sub3A_169 = arith.constant 1 : i32
      %sub3A_170 = arith.subi %add3A_168, %sub3A_169 : i32
      %mul3A_171 = arith.constant 40 : i32
      %mul3A_172 = arith.muli %sub3A_170, %mul3A_171 : i32
      %dma_start3A_173 = tpu.memref_slice %arg7[%mul3A_172] : memref<10000xi32, #tpu.memory_space<vmem>> -> memref<40xi32, #tpu.memory_space<vmem>>
      %dma_start3A_174 = arith.constant 0 : i32
      %dma_start3A_175 = arith.constant 0 : i32
      %dma_start3A_176 = tpu.memref_slice %arg2[%dma_start3A_174, %dma_start3A_175] : memref<10000x128xf32, #tpu.memory_space<hbm>> -> memref<10000x128xf32, #tpu.memory_space<hbm>>
      tpu.enqueue_indirect_dma source(%dma_start3A_176 : memref<10000x128xf32, #tpu.memory_space<hbm>>) target(%arg11 : memref<40x128xf32, #tpu.memory_space<vmem>>) offsets(%dma_start3A_173 : memref<40xi32, #tpu.memory_space<vmem>>) semaphore(%arg15 : memref<!tpu.dma_semaphore, #tpu.memory_space<semaphore_mem>>)
      %mul3A_177 = arith.constant 2 : i32
      %mul3A_178 = arith.muli %mul3A_177, %scan3A_83 : i32
      %add3A_179 = arith.constant 1 : i32
      %add3A_180 = arith.addi %mul3A_178, %add3A_179 : i32
      "tpu.region"() ({
        %run_scoped3A_181 = tpu.sem_alloc : memref<!tpu.dma_semaphore, #tpu.memory_space<semaphore_mem>>
        %dma_start3A_182 = arith.constant 40 : i32
        %dma_start3A_183 = tpu.memref_slice %arg8[%add3A_180, %dma_start3A_182] : memref<125x80xi32, #tpu.memory_space<vmem>> -> memref<1x40xi32, #tpu.memory_space<vmem>>
        %dma_start3A_184 = tpu.memref_squeeze %dma_start3A_183 : memref<1x40xi32, #tpu.memory_space<vmem>> -> memref<40xi32, #tpu.memory_space<vmem>>
        %dma_start3A_185 = arith.constant 0 : i32
        %dma_start3A_186 = arith.constant 0 : i32
        %dma_start3A_187 = tpu.memref_slice %arg17[%dma_start3A_185, %dma_start3A_186] : memref<10000x128xf32, #tpu.memory_space<vmem_shared>> -> memref<10000x128xf32, #tpu.memory_space<vmem_shared>>
        tpu.enqueue_indirect_dma source(%arg12 : memref<40x128xf32, #tpu.memory_space<vmem>>) target(%dma_start3A_187 : memref<10000x128xf32, #tpu.memory_space<vmem_shared>>) offsets(%dma_start3A_184 : memref<40xi32, #tpu.memory_space<vmem>>) semaphore(%run_scoped3A_181 : memref<!tpu.dma_semaphore, #tpu.memory_space<semaphore_mem>>) {add = true}
        %dma_wait3A_188 = arith.constant 40 : i32
        %dma_wait3A_189 = tpu.memref_slice %arg8[%add3A_180, %dma_wait3A_188] : memref<125x80xi32, #tpu.memory_space<vmem>> -> memref<1x40xi32, #tpu.memory_space<vmem>>
        %dma_wait3A_190 = tpu.memref_squeeze %dma_wait3A_189 : memref<1x40xi32, #tpu.memory_space<vmem>> -> memref<40xi32, #tpu.memory_space<vmem>>
        %dma_wait3A_191 = arith.constant 0 : i32
        %dma_wait3A_192 = arith.constant 0 : i32
        %dma_wait3A_193 = tpu.memref_slice %arg17[%dma_wait3A_191, %dma_wait3A_192] : memref<10000x128xf32, #tpu.memory_space<vmem_shared>> -> memref<10000x128xf32, #tpu.memory_space<vmem_shared>>
        tpu.wait_indirect_dma semaphore(%run_scoped3A_181 : memref<!tpu.dma_semaphore, #tpu.memory_space<semaphore_mem>>) src(%arg12 : memref<40x128xf32, #tpu.memory_space<vmem>>) dst(%dma_wait3A_193 : memref<10000x128xf32, #tpu.memory_space<vmem_shared>>)
        tpu.yield
      }) : () -> ()
    }
    %scan3A_27 = arith.constant 61 : i32
    %dma_wait3A = arith.constant 9760 : i32
    %dma_wait3A_28 = tpu.memref_slice %arg7[%dma_wait3A] : memref<10000xi32, #tpu.memory_space<vmem>> -> memref<40xi32, #tpu.memory_space<vmem>>
    %dma_wait3A_29 = arith.constant 0 : i32
    %dma_wait3A_30 = arith.constant 0 : i32
    %dma_wait3A_31 = tpu.memref_slice %arg2[%dma_wait3A_29, %dma_wait3A_30] : memref<10000x128xf32, #tpu.memory_space<hbm>> -> memref<10000x128xf32, #tpu.memory_space<hbm>>
    tpu.wait_indirect_dma semaphore(%arg13 : memref<!tpu.dma_semaphore, #tpu.memory_space<semaphore_mem>>) src(%dma_wait3A_31 : memref<10000x128xf32, #tpu.memory_space<hbm>>) dst(%arg9 : memref<40x128xf32, #tpu.memory_space<vmem>>)
    %dma_start3A_32 = arith.constant 9880 : i32
    %dma_start3A_33 = tpu.memref_slice %arg7[%dma_start3A_32] : memref<10000xi32, #tpu.memory_space<vmem>> -> memref<40xi32, #tpu.memory_space<vmem>>
    %dma_start3A_34 = arith.constant 0 : i32
    %dma_start3A_35 = arith.constant 0 : i32
    %dma_start3A_36 = tpu.memref_slice %arg2[%dma_start3A_34, %dma_start3A_35] : memref<10000x128xf32, #tpu.memory_space<hbm>> -> memref<10000x128xf32, #tpu.memory_space<hbm>>
    tpu.enqueue_indirect_dma source(%dma_start3A_36 : memref<10000x128xf32, #tpu.memory_space<hbm>>) target(%arg12 : memref<40x128xf32, #tpu.memory_space<vmem>>) offsets(%dma_start3A_33 : memref<40xi32, #tpu.memory_space<vmem>>) semaphore(%arg16 : memref<!tpu.dma_semaphore, #tpu.memory_space<semaphore_mem>>)
    %run_scoped3A = arith.constant 122 : i32
    "tpu.region"() ({
      %run_scoped3A_83 = tpu.sem_alloc : memref<!tpu.dma_semaphore, #tpu.memory_space<semaphore_mem>>
      %dma_start3A_84 = arith.constant 0 : i32
      %dma_start3A_85 = tpu.memref_slice %arg8[%run_scoped3A, %dma_start3A_84] : memref<125x80xi32, #tpu.memory_space<vmem>> -> memref<1x40xi32, #tpu.memory_space<vmem>>
      %dma_start3A_86 = tpu.memref_squeeze %dma_start3A_85 : memref<1x40xi32, #tpu.memory_space<vmem>> -> memref<40xi32, #tpu.memory_space<vmem>>
      %dma_start3A_87 = arith.constant 0 : i32
      %dma_start3A_88 = arith.constant 0 : i32
      %dma_start3A_89 = tpu.memref_slice %arg17[%dma_start3A_87, %dma_start3A_88] : memref<10000x128xf32, #tpu.memory_space<vmem_shared>> -> memref<10000x128xf32, #tpu.memory_space<vmem_shared>>
      tpu.enqueue_indirect_dma source(%arg9 : memref<40x128xf32, #tpu.memory_space<vmem>>) target(%dma_start3A_89 : memref<10000x128xf32, #tpu.memory_space<vmem_shared>>) offsets(%dma_start3A_86 : memref<40xi32, #tpu.memory_space<vmem>>) semaphore(%run_scoped3A_83 : memref<!tpu.dma_semaphore, #tpu.memory_space<semaphore_mem>>) {add = true}
      %dma_wait3A_90 = arith.constant 0 : i32
      %dma_wait3A_91 = tpu.memref_slice %arg8[%run_scoped3A, %dma_wait3A_90] : memref<125x80xi32, #tpu.memory_space<vmem>> -> memref<1x40xi32, #tpu.memory_space<vmem>>
      %dma_wait3A_92 = tpu.memref_squeeze %dma_wait3A_91 : memref<1x40xi32, #tpu.memory_space<vmem>> -> memref<40xi32, #tpu.memory_space<vmem>>
      %dma_wait3A_93 = arith.constant 0 : i32
      %dma_wait3A_94 = arith.constant 0 : i32
      %dma_wait3A_95 = tpu.memref_slice %arg17[%dma_wait3A_93, %dma_wait3A_94] : memref<10000x128xf32, #tpu.memory_space<vmem_shared>> -> memref<10000x128xf32, #tpu.memory_space<vmem_shared>>
      tpu.wait_indirect_dma semaphore(%run_scoped3A_83 : memref<!tpu.dma_semaphore, #tpu.memory_space<semaphore_mem>>) src(%arg9 : memref<40x128xf32, #tpu.memory_space<vmem>>) dst(%dma_wait3A_95 : memref<10000x128xf32, #tpu.memory_space<vmem_shared>>)
      tpu.yield
    }) : () -> ()
    %dma_wait3A_37 = arith.constant 9800 : i32
    %dma_wait3A_38 = tpu.memref_slice %arg7[%dma_wait3A_37] : memref<10000xi32, #tpu.memory_space<vmem>> -> memref<40xi32, #tpu.memory_space<vmem>>
    %dma_wait3A_39 = arith.constant 0 : i32
    %dma_wait3A_40 = arith.constant 0 : i32
    %dma_wait3A_41 = tpu.memref_slice %arg2[%dma_wait3A_39, %dma_wait3A_40] : memref<10000x128xf32, #tpu.memory_space<hbm>> -> memref<10000x128xf32, #tpu.memory_space<hbm>>
    tpu.wait_indirect_dma semaphore(%arg14 : memref<!tpu.dma_semaphore, #tpu.memory_space<semaphore_mem>>) src(%dma_wait3A_41 : memref<10000x128xf32, #tpu.memory_space<hbm>>) dst(%arg10 : memref<40x128xf32, #tpu.memory_space<vmem>>)
    %dma_start3A_42 = arith.constant 9920 : i32
    %dma_start3A_43 = tpu.memref_slice %arg7[%dma_start3A_42] : memref<10000xi32, #tpu.memory_space<vmem>> -> memref<40xi32, #tpu.memory_space<vmem>>
    %dma_start3A_44 = arith.constant 0 : i32
    %dma_start3A_45 = arith.constant 0 : i32
    %dma_start3A_46 = tpu.memref_slice %arg2[%dma_start3A_44, %dma_start3A_45] : memref<10000x128xf32, #tpu.memory_space<hbm>> -> memref<10000x128xf32, #tpu.memory_space<hbm>>
    tpu.enqueue_indirect_dma source(%dma_start3A_46 : memref<10000x128xf32, #tpu.memory_space<hbm>>) target(%arg9 : memref<40x128xf32, #tpu.memory_space<vmem>>) offsets(%dma_start3A_43 : memref<40xi32, #tpu.memory_space<vmem>>) semaphore(%arg13 : memref<!tpu.dma_semaphore, #tpu.memory_space<semaphore_mem>>)
    %run_scoped3A_47 = arith.constant 122 : i32
    "tpu.region"() ({
      %run_scoped3A_83 = tpu.sem_alloc : memref<!tpu.dma_semaphore, #tpu.memory_space<semaphore_mem>>
      %dma_start3A_84 = arith.constant 40 : i32
      %dma_start3A_85 = tpu.memref_slice %arg8[%run_scoped3A_47, %dma_start3A_84] : memref<125x80xi32, #tpu.memory_space<vmem>> -> memref<1x40xi32, #tpu.memory_space<vmem>>
      %dma_start3A_86 = tpu.memref_squeeze %dma_start3A_85 : memref<1x40xi32, #tpu.memory_space<vmem>> -> memref<40xi32, #tpu.memory_space<vmem>>
      %dma_start3A_87 = arith.constant 0 : i32
      %dma_start3A_88 = arith.constant 0 : i32
      %dma_start3A_89 = tpu.memref_slice %arg17[%dma_start3A_87, %dma_start3A_88] : memref<10000x128xf32, #tpu.memory_space<vmem_shared>> -> memref<10000x128xf32, #tpu.memory_space<vmem_shared>>
      tpu.enqueue_indirect_dma source(%arg10 : memref<40x128xf32, #tpu.memory_space<vmem>>) target(%dma_start3A_89 : memref<10000x128xf32, #tpu.memory_space<vmem_shared>>) offsets(%dma_start3A_86 : memref<40xi32, #tpu.memory_space<vmem>>) semaphore(%run_scoped3A_83 : memref<!tpu.dma_semaphore, #tpu.memory_space<semaphore_mem>>) {add = true}
      %dma_wait3A_90 = arith.constant 40 : i32
      %dma_wait3A_91 = tpu.memref_slice %arg8[%run_scoped3A_47, %dma_wait3A_90] : memref<125x80xi32, #tpu.memory_space<vmem>> -> memref<1x40xi32, #tpu.memory_space<vmem>>
      %dma_wait3A_92 = tpu.memref_squeeze %dma_wait3A_91 : memref<1x40xi32, #tpu.memory_space<vmem>> -> memref<40xi32, #tpu.memory_space<vmem>>
      %dma_wait3A_93 = arith.constant 0 : i32
      %dma_wait3A_94 = arith.constant 0 : i32
      %dma_wait3A_95 = tpu.memref_slice %arg17[%dma_wait3A_93, %dma_wait3A_94] : memref<10000x128xf32, #tpu.memory_space<vmem_shared>> -> memref<10000x128xf32, #tpu.memory_space<vmem_shared>>
      tpu.wait_indirect_dma semaphore(%run_scoped3A_83 : memref<!tpu.dma_semaphore, #tpu.memory_space<semaphore_mem>>) src(%arg10 : memref<40x128xf32, #tpu.memory_space<vmem>>) dst(%dma_wait3A_95 : memref<10000x128xf32, #tpu.memory_space<vmem_shared>>)
      tpu.yield
    }) : () -> ()
    %dma_wait3A_48 = arith.constant 9840 : i32
    %dma_wait3A_49 = tpu.memref_slice %arg7[%dma_wait3A_48] : memref<10000xi32, #tpu.memory_space<vmem>> -> memref<40xi32, #tpu.memory_space<vmem>>
    %dma_wait3A_50 = arith.constant 0 : i32
    %dma_wait3A_51 = arith.constant 0 : i32
    %dma_wait3A_52 = tpu.memref_slice %arg2[%dma_wait3A_50, %dma_wait3A_51] : memref<10000x128xf32, #tpu.memory_space<hbm>> -> memref<10000x128xf32, #tpu.memory_space<hbm>>
    tpu.wait_indirect_dma semaphore(%arg15 : memref<!tpu.dma_semaphore, #tpu.memory_space<semaphore_mem>>) src(%dma_wait3A_52 : memref<10000x128xf32, #tpu.memory_space<hbm>>) dst(%arg11 : memref<40x128xf32, #tpu.memory_space<vmem>>)
    %dma_start3A_53 = arith.constant 9960 : i32
    %dma_start3A_54 = tpu.memref_slice %arg7[%dma_start3A_53] : memref<10000xi32, #tpu.memory_space<vmem>> -> memref<40xi32, #tpu.memory_space<vmem>>
    %dma_start3A_55 = arith.constant 0 : i32
    %dma_start3A_56 = arith.constant 0 : i32
    %dma_start3A_57 = tpu.memref_slice %arg2[%dma_start3A_55, %dma_start3A_56] : memref<10000x128xf32, #tpu.memory_space<hbm>> -> memref<10000x128xf32, #tpu.memory_space<hbm>>
    tpu.enqueue_indirect_dma source(%dma_start3A_57 : memref<10000x128xf32, #tpu.memory_space<hbm>>) target(%arg10 : memref<40x128xf32, #tpu.memory_space<vmem>>) offsets(%dma_start3A_54 : memref<40xi32, #tpu.memory_space<vmem>>) semaphore(%arg14 : memref<!tpu.dma_semaphore, #tpu.memory_space<semaphore_mem>>)
    %run_scoped3A_58 = arith.constant 123 : i32
    "tpu.region"() ({
      %run_scoped3A_83 = tpu.sem_alloc : memref<!tpu.dma_semaphore, #tpu.memory_space<semaphore_mem>>
      %dma_start3A_84 = arith.constant 0 : i32
      %dma_start3A_85 = tpu.memref_slice %arg8[%run_scoped3A_58, %dma_start3A_84] : memref<125x80xi32, #tpu.memory_space<vmem>> -> memref<1x40xi32, #tpu.memory_space<vmem>>
      %dma_start3A_86 = tpu.memref_squeeze %dma_start3A_85 : memref<1x40xi32, #tpu.memory_space<vmem>> -> memref<40xi32, #tpu.memory_space<vmem>>
      %dma_start3A_87 = arith.constant 0 : i32
      %dma_start3A_88 = arith.constant 0 : i32
      %dma_start3A_89 = tpu.memref_slice %arg17[%dma_start3A_87, %dma_start3A_88] : memref<10000x128xf32, #tpu.memory_space<vmem_shared>> -> memref<10000x128xf32, #tpu.memory_space<vmem_shared>>
      tpu.enqueue_indirect_dma source(%arg11 : memref<40x128xf32, #tpu.memory_space<vmem>>) target(%dma_start3A_89 : memref<10000x128xf32, #tpu.memory_space<vmem_shared>>) offsets(%dma_start3A_86 : memref<40xi32, #tpu.memory_space<vmem>>) semaphore(%run_scoped3A_83 : memref<!tpu.dma_semaphore, #tpu.memory_space<semaphore_mem>>) {add = true}
      %dma_wait3A_90 = arith.constant 0 : i32
      %dma_wait3A_91 = tpu.memref_slice %arg8[%run_scoped3A_58, %dma_wait3A_90] : memref<125x80xi32, #tpu.memory_space<vmem>> -> memref<1x40xi32, #tpu.memory_space<vmem>>
      %dma_wait3A_92 = tpu.memref_squeeze %dma_wait3A_91 : memref<1x40xi32, #tpu.memory_space<vmem>> -> memref<40xi32, #tpu.memory_space<vmem>>
      %dma_wait3A_93 = arith.constant 0 : i32
      %dma_wait3A_94 = arith.constant 0 : i32
      %dma_wait3A_95 = tpu.memref_slice %arg17[%dma_wait3A_93, %dma_wait3A_94] : memref<10000x128xf32, #tpu.memory_space<vmem_shared>> -> memref<10000x128xf32, #tpu.memory_space<vmem_shared>>
      tpu.wait_indirect_dma semaphore(%run_scoped3A_83 : memref<!tpu.dma_semaphore, #tpu.memory_space<semaphore_mem>>) src(%arg11 : memref<40x128xf32, #tpu.memory_space<vmem>>) dst(%dma_wait3A_95 : memref<10000x128xf32, #tpu.memory_space<vmem_shared>>)
      tpu.yield
    }) : () -> ()
    %dma_wait3A_59 = arith.constant 9880 : i32
    %dma_wait3A_60 = tpu.memref_slice %arg7[%dma_wait3A_59] : memref<10000xi32, #tpu.memory_space<vmem>> -> memref<40xi32, #tpu.memory_space<vmem>>
    %dma_wait3A_61 = arith.constant 0 : i32
    %dma_wait3A_62 = arith.constant 0 : i32
    %dma_wait3A_63 = tpu.memref_slice %arg2[%dma_wait3A_61, %dma_wait3A_62] : memref<10000x128xf32, #tpu.memory_space<hbm>> -> memref<10000x128xf32, #tpu.memory_space<hbm>>
    tpu.wait_indirect_dma semaphore(%arg16 : memref<!tpu.dma_semaphore, #tpu.memory_space<semaphore_mem>>) src(%dma_wait3A_63 : memref<10000x128xf32, #tpu.memory_space<hbm>>) dst(%arg12 : memref<40x128xf32, #tpu.memory_space<vmem>>)
    %run_scoped3A_64 = arith.constant 123 : i32
    "tpu.region"() ({
      %run_scoped3A_83 = tpu.sem_alloc : memref<!tpu.dma_semaphore, #tpu.memory_space<semaphore_mem>>
      %dma_start3A_84 = arith.constant 40 : i32
      %dma_start3A_85 = tpu.memref_slice %arg8[%run_scoped3A_64, %dma_start3A_84] : memref<125x80xi32, #tpu.memory_space<vmem>> -> memref<1x40xi32, #tpu.memory_space<vmem>>
      %dma_start3A_86 = tpu.memref_squeeze %dma_start3A_85 : memref<1x40xi32, #tpu.memory_space<vmem>> -> memref<40xi32, #tpu.memory_space<vmem>>
      %dma_start3A_87 = arith.constant 0 : i32
      %dma_start3A_88 = arith.constant 0 : i32
      %dma_start3A_89 = tpu.memref_slice %arg17[%dma_start3A_87, %dma_start3A_88] : memref<10000x128xf32, #tpu.memory_space<vmem_shared>> -> memref<10000x128xf32, #tpu.memory_space<vmem_shared>>
      tpu.enqueue_indirect_dma source(%arg12 : memref<40x128xf32, #tpu.memory_space<vmem>>) target(%dma_start3A_89 : memref<10000x128xf32, #tpu.memory_space<vmem_shared>>) offsets(%dma_start3A_86 : memref<40xi32, #tpu.memory_space<vmem>>) semaphore(%run_scoped3A_83 : memref<!tpu.dma_semaphore, #tpu.memory_space<semaphore_mem>>) {add = true}
      %dma_wait3A_90 = arith.constant 40 : i32
      %dma_wait3A_91 = tpu.memref_slice %arg8[%run_scoped3A_64, %dma_wait3A_90] : memref<125x80xi32, #tpu.memory_space<vmem>> -> memref<1x40xi32, #tpu.memory_space<vmem>>
      %dma_wait3A_92 = tpu.memref_squeeze %dma_wait3A_91 : memref<1x40xi32, #tpu.memory_space<vmem>> -> memref<40xi32, #tpu.memory_space<vmem>>
      %dma_wait3A_93 = arith.constant 0 : i32
      %dma_wait3A_94 = arith.constant 0 : i32
      %dma_wait3A_95 = tpu.memref_slice %arg17[%dma_wait3A_93, %dma_wait3A_94] : memref<10000x128xf32, #tpu.memory_space<vmem_shared>> -> memref<10000x128xf32, #tpu.memory_space<vmem_shared>>
      tpu.wait_indirect_dma semaphore(%run_scoped3A_83 : memref<!tpu.dma_semaphore, #tpu.memory_space<semaphore_mem>>) src(%arg12 : memref<40x128xf32, #tpu.memory_space<vmem>>) dst(%dma_wait3A_95 : memref<10000x128xf32, #tpu.memory_space<vmem_shared>>)
      tpu.yield
    }) : () -> ()
    %dma_wait3A_65 = arith.constant 9920 : i32
    %dma_wait3A_66 = tpu.memref_slice %arg7[%dma_wait3A_65] : memref<10000xi32, #tpu.memory_space<vmem>> -> memref<40xi32, #tpu.memory_space<vmem>>
    %dma_wait3A_67 = arith.constant 0 : i32
    %dma_wait3A_68 = arith.constant 0 : i32
    %dma_wait3A_69 = tpu.memref_slice %arg2[%dma_wait3A_67, %dma_wait3A_68] : memref<10000x128xf32, #tpu.memory_space<hbm>> -> memref<10000x128xf32, #tpu.memory_space<hbm>>
    tpu.wait_indirect_dma semaphore(%arg13 : memref<!tpu.dma_semaphore, #tpu.memory_space<semaphore_mem>>) src(%dma_wait3A_69 : memref<10000x128xf32, #tpu.memory_space<hbm>>) dst(%arg9 : memref<40x128xf32, #tpu.memory_space<vmem>>)
    %run_scoped3A_70 = arith.constant 124 : i32
    "tpu.region"() ({
      %run_scoped3A_83 = tpu.sem_alloc : memref<!tpu.dma_semaphore, #tpu.memory_space<semaphore_mem>>
      %dma_start3A_84 = arith.constant 0 : i32
      %dma_start3A_85 = tpu.memref_slice %arg8[%run_scoped3A_70, %dma_start3A_84] : memref<125x80xi32, #tpu.memory_space<vmem>> -> memref<1x40xi32, #tpu.memory_space<vmem>>
      %dma_start3A_86 = tpu.memref_squeeze %dma_start3A_85 : memref<1x40xi32, #tpu.memory_space<vmem>> -> memref<40xi32, #tpu.memory_space<vmem>>
      %dma_start3A_87 = arith.constant 0 : i32
      %dma_start3A_88 = arith.constant 0 : i32
      %dma_start3A_89 = tpu.memref_slice %arg17[%dma_start3A_87, %dma_start3A_88] : memref<10000x128xf32, #tpu.memory_space<vmem_shared>> -> memref<10000x128xf32, #tpu.memory_space<vmem_shared>>
      tpu.enqueue_indirect_dma source(%arg9 : memref<40x128xf32, #tpu.memory_space<vmem>>) target(%dma_start3A_89 : memref<10000x128xf32, #tpu.memory_space<vmem_shared>>) offsets(%dma_start3A_86 : memref<40xi32, #tpu.memory_space<vmem>>) semaphore(%run_scoped3A_83 : memref<!tpu.dma_semaphore, #tpu.memory_space<semaphore_mem>>) {add = true}
      %dma_wait3A_90 = arith.constant 0 : i32
      %dma_wait3A_91 = tpu.memref_slice %arg8[%run_scoped3A_70, %dma_wait3A_90] : memref<125x80xi32, #tpu.memory_space<vmem>> -> memref<1x40xi32, #tpu.memory_space<vmem>>
      %dma_wait3A_92 = tpu.memref_squeeze %dma_wait3A_91 : memref<1x40xi32, #tpu.memory_space<vmem>> -> memref<40xi32, #tpu.memory_space<vmem>>
      %dma_wait3A_93 = arith.constant 0 : i32
      %dma_wait3A_94 = arith.constant 0 : i32
      %dma_wait3A_95 = tpu.memref_slice %arg17[%dma_wait3A_93, %dma_wait3A_94] : memref<10000x128xf32, #tpu.memory_space<vmem_shared>> -> memref<10000x128xf32, #tpu.memory_space<vmem_shared>>
      tpu.wait_indirect_dma semaphore(%run_scoped3A_83 : memref<!tpu.dma_semaphore, #tpu.memory_space<semaphore_mem>>) src(%arg9 : memref<40x128xf32, #tpu.memory_space<vmem>>) dst(%dma_wait3A_95 : memref<10000x128xf32, #tpu.memory_space<vmem_shared>>)
      tpu.yield
    }) : () -> ()
    %dma_wait3A_71 = arith.constant 9960 : i32
    %dma_wait3A_72 = tpu.memref_slice %arg7[%dma_wait3A_71] : memref<10000xi32, #tpu.memory_space<vmem>> -> memref<40xi32, #tpu.memory_space<vmem>>
    %dma_wait3A_73 = arith.constant 0 : i32
    %dma_wait3A_74 = arith.constant 0 : i32
    %dma_wait3A_75 = tpu.memref_slice %arg2[%dma_wait3A_73, %dma_wait3A_74] : memref<10000x128xf32, #tpu.memory_space<hbm>> -> memref<10000x128xf32, #tpu.memory_space<hbm>>
    tpu.wait_indirect_dma semaphore(%arg14 : memref<!tpu.dma_semaphore, #tpu.memory_space<semaphore_mem>>) src(%dma_wait3A_75 : memref<10000x128xf32, #tpu.memory_space<hbm>>) dst(%arg10 : memref<40x128xf32, #tpu.memory_space<vmem>>)
    %run_scoped3A_76 = arith.constant 124 : i32
    "tpu.region"() ({
      %run_scoped3A_83 = tpu.sem_alloc : memref<!tpu.dma_semaphore, #tpu.memory_space<semaphore_mem>>
      %dma_start3A_84 = arith.constant 40 : i32
      %dma_start3A_85 = tpu.memref_slice %arg8[%run_scoped3A_76, %dma_start3A_84] : memref<125x80xi32, #tpu.memory_space<vmem>> -> memref<1x40xi32, #tpu.memory_space<vmem>>
      %dma_start3A_86 = tpu.memref_squeeze %dma_start3A_85 : memref<1x40xi32, #tpu.memory_space<vmem>> -> memref<40xi32, #tpu.memory_space<vmem>>
      %dma_start3A_87 = arith.constant 0 : i32
      %dma_start3A_88 = arith.constant 0 : i32
      %dma_start3A_89 = tpu.memref_slice %arg17[%dma_start3A_87, %dma_start3A_88] : memref<10000x128xf32, #tpu.memory_space<vmem_shared>> -> memref<10000x128xf32, #tpu.memory_space<vmem_shared>>
      tpu.enqueue_indirect_dma source(%arg10 : memref<40x128xf32, #tpu.memory_space<vmem>>) target(%dma_start3A_89 : memref<10000x128xf32, #tpu.memory_space<vmem_shared>>) offsets(%dma_start3A_86 : memref<40xi32, #tpu.memory_space<vmem>>) semaphore(%run_scoped3A_83 : memref<!tpu.dma_semaphore, #tpu.memory_space<semaphore_mem>>) {add = true}
      %dma_wait3A_90 = arith.constant 40 : i32
      %dma_wait3A_91 = tpu.memref_slice %arg8[%run_scoped3A_76, %dma_wait3A_90] : memref<125x80xi32, #tpu.memory_space<vmem>> -> memref<1x40xi32, #tpu.memory_space<vmem>>
      %dma_wait3A_92 = tpu.memref_squeeze %dma_wait3A_91 : memref<1x40xi32, #tpu.memory_space<vmem>> -> memref<40xi32, #tpu.memory_space<vmem>>
      %dma_wait3A_93 = arith.constant 0 : i32
      %dma_wait3A_94 = arith.constant 0 : i32
      %dma_wait3A_95 = tpu.memref_slice %arg17[%dma_wait3A_93, %dma_wait3A_94] : memref<10000x128xf32, #tpu.memory_space<vmem_shared>> -> memref<10000x128xf32, #tpu.memory_space<vmem_shared>>
      tpu.wait_indirect_dma semaphore(%run_scoped3A_83 : memref<!tpu.dma_semaphore, #tpu.memory_space<semaphore_mem>>) src(%arg10 : memref<40x128xf32, #tpu.memory_space<vmem>>) dst(%dma_wait3A_95 : memref<10000x128xf32, #tpu.memory_space<vmem_shared>>)
      tpu.yield
    }) : () -> ()
    %barrier3A_77 = arith.constant 0 : index
    tpu.barrier barrier_id(%barrier3A_77)
    "tpu.region"() ({
      %run_scoped3A_83 = tpu.sem_alloc : memref<!tpu.dma_semaphore, #tpu.memory_space<semaphore_mem>>
      %dma_start3A_84 = arith.constant 0 : i32
      %dma_start3A_85 = tpu.memref_slice %arg6[%arg0, %mul3A_0, %dma_start3A_84] : memref<2x10000x128xf32, #tpu.memory_space<hbm>> -> memref<1x624x128xf32, #tpu.memory_space<hbm>>
      %dma_start3A_86 = tpu.memref_squeeze %dma_start3A_85 : memref<1x624x128xf32, #tpu.memory_space<hbm>> -> memref<624x128xf32, #tpu.memory_space<hbm>>
      %dma_start3A_87 = arith.constant 0 : i32
      %dma_start3A_88 = tpu.memref_slice %arg17[%mul3A_0, %dma_start3A_87] : memref<10000x128xf32, #tpu.memory_space<vmem_shared>> -> memref<624x128xf32, #tpu.memory_space<vmem_shared>>
      tpu.enqueue_dma source(%dma_start3A_88 : memref<624x128xf32, #tpu.memory_space<vmem_shared>>) target(%dma_start3A_86 : memref<624x128xf32, #tpu.memory_space<hbm>>) target_semaphore(%run_scoped3A_83 : memref<!tpu.dma_semaphore, #tpu.memory_space<semaphore_mem>>)
      %dma_wait3A_89 = arith.constant 0 : i32
      %dma_wait3A_90 = tpu.memref_slice %arg6[%arg0, %mul3A_0, %dma_wait3A_89] : memref<2x10000x128xf32, #tpu.memory_space<hbm>> -> memref<1x624x128xf32, #tpu.memory_space<hbm>>
      %dma_wait3A_91 = tpu.memref_squeeze %dma_wait3A_90 : memref<1x624x128xf32, #tpu.memory_space<hbm>> -> memref<624x128xf32, #tpu.memory_space<hbm>>
      %dma_wait3A_92 = arith.constant 0 : i32
      %dma_wait3A_93 = tpu.memref_slice %arg17[%mul3A_0, %dma_wait3A_92] : memref<10000x128xf32, #tpu.memory_space<vmem_shared>> -> memref<624x128xf32, #tpu.memory_space<vmem_shared>>
      tpu.wait_dma2 semaphore(%run_scoped3A_83 : memref<!tpu.dma_semaphore, #tpu.memory_space<semaphore_mem>>) src(%dma_wait3A_93 : memref<624x128xf32, #tpu.memory_space<vmem_shared>>) dst(%dma_wait3A_91 : memref<624x128xf32, #tpu.memory_space<hbm>>)
      tpu.yield
    }) : () -> ()
    %eq3A_78 = arith.constant 15 : i32
    %eq3A_79 = arith.cmpi eq, %arg1, %eq3A_78 : i32
    %convert_element_type3A_80 = arith.extui %eq3A_79 : i1 to i32
    %cond3A_81 = arith.constant 0 : i32
    %cond3A_82 = arith.cmpi ne, %convert_element_type3A_80, %cond3A_81 : i32
    scf.if %cond3A_82 {
      "tpu.region"() ({
        %run_scoped3A_83 = tpu.sem_alloc : memref<!tpu.dma_semaphore, #tpu.memory_space<semaphore_mem>>
        %dma_start3A_84 = arith.constant 9984 : i32
        %dma_start3A_85 = arith.constant 0 : i32
        %dma_start3A_86 = tpu.memref_slice %arg6[%arg0, %dma_start3A_84, %dma_start3A_85] : memref<2x10000x128xf32, #tpu.memory_space<hbm>> -> memref<1x16x128xf32, #tpu.memory_space<hbm>>
        %dma_start3A_87 = tpu.memref_squeeze %dma_start3A_86 : memref<1x16x128xf32, #tpu.memory_space<hbm>> -> memref<16x128xf32, #tpu.memory_space<hbm>>
        %dma_start3A_88 = arith.constant 9984 : i32
        %dma_start3A_89 = arith.constant 0 : i32
        %dma_start3A_90 = tpu.memref_slice %arg17[%dma_start3A_88, %dma_start3A_89] : memref<10000x128xf32, #tpu.memory_space<vmem_shared>> -> memref<16x128xf32, #tpu.memory_space<vmem_shared>>
        tpu.enqueue_dma source(%dma_start3A_90 : memref<16x128xf32, #tpu.memory_space<vmem_shared>>) target(%dma_start3A_87 : memref<16x128xf32, #tpu.memory_space<hbm>>) target_semaphore(%run_scoped3A_83 : memref<!tpu.dma_semaphore, #tpu.memory_space<semaphore_mem>>)
        %dma_wait3A_91 = arith.constant 9984 : i32
        %dma_wait3A_92 = arith.constant 0 : i32
        %dma_wait3A_93 = tpu.memref_slice %arg6[%arg0, %dma_wait3A_91, %dma_wait3A_92] : memref<2x10000x128xf32, #tpu.memory_space<hbm>> -> memref<1x16x128xf32, #tpu.memory_space<hbm>>
        %dma_wait3A_94 = tpu.memref_squeeze %dma_wait3A_93 : memref<1x16x128xf32, #tpu.memory_space<hbm>> -> memref<16x128xf32, #tpu.memory_space<hbm>>
        %dma_wait3A_95 = arith.constant 9984 : i32
        %dma_wait3A_96 = arith.constant 0 : i32
        %dma_wait3A_97 = tpu.memref_slice %arg17[%dma_wait3A_95, %dma_wait3A_96] : memref<10000x128xf32, #tpu.memory_space<vmem_shared>> -> memref<16x128xf32, #tpu.memory_space<vmem_shared>>
        tpu.wait_dma2 semaphore(%run_scoped3A_83 : memref<!tpu.dma_semaphore, #tpu.memory_space<semaphore_mem>>) src(%dma_wait3A_97 : memref<16x128xf32, #tpu.memory_space<vmem_shared>>) dst(%dma_wait3A_94 : memref<16x128xf32, #tpu.memory_space<hbm>>)
        tpu.yield
      }) : () -> ()
    } else {
    }
    return
  }
}

module attributes {stable_mosaic.version = 14 : i64} {
  func.func @body(%arg0: i32, %arg1: memref<1000x128xf32, #tpu.memory_space<vmem>>, %arg2: memref<2x1000x128xf32, #tpu.memory_space<vmem>>, %arg3: memref<128x128xf32, #tpu.memory_space<vmem>>, %arg4: memref<1x128xf32, #tpu.memory_space<vmem>>, %arg5: memref<128x128xf32, #tpu.memory_space<vmem>>, %arg6: memref<1x128xf32, #tpu.memory_space<vmem>>, %arg7: memref<1000x128xf32, #tpu.memory_space<vmem>>) attributes {dimension_semantics = [#tpu.dimension_semantics<arbitrary>], iteration_bounds = array<i64: 10>, scalar_prefetch = 0 : i64, scratch_operands = 0 : i64, tpu.core_type = #tpu.core_type<tc>, window_params = [{transform_indices = @transform_0, window_bounds = array<i64: 1000, 128>}, {transform_indices = @transform_1, window_bounds = array<i64: 2, 1000, 128>}, {pipeline_mode = #tpu.pipeline_mode<synchronous>, transform_indices = @transform_2, window_bounds = array<i64: 128, 128>}, {pipeline_mode = #tpu.pipeline_mode<synchronous>, transform_indices = @transform_3, window_bounds = array<i64: 1, 128>}, {pipeline_mode = #tpu.pipeline_mode<synchronous>, transform_indices = @transform_4, window_bounds = array<i64: 128, 128>}, {pipeline_mode = #tpu.pipeline_mode<synchronous>, transform_indices = @transform_5, window_bounds = array<i64: 1, 128>}, {transform_indices = @transform_6, window_bounds = array<i64: 1000, 128>}]} {
    %get3A = arith.constant 0 : index
    %get3A_0 = arith.constant 0 : index
    %get3A_1 = vector.load %arg1[%get3A, %get3A_0] : memref<1000x128xf32, #tpu.memory_space<vmem>>, vector<1000x128xf32>
    %get3A_2 = arith.constant 0 : index
    %get3A_3 = arith.constant 0 : index
    %get3A_4 = arith.constant 0 : index
    %get3A_5 = vector.load %arg2[%get3A_2, %get3A_3, %get3A_4] : memref<2x1000x128xf32, #tpu.memory_space<vmem>>, vector<1x1000x128xf32>
    %get3A_6 = vector.shape_cast %get3A_5 : vector<1x1000x128xf32> to vector<1000x128xf32>
    %add3A = arith.addf %get3A_1, %get3A_6 : vector<1000x128xf32>
    %get3A_7 = arith.constant 1 : index
    %get3A_8 = arith.constant 0 : index
    %get3A_9 = arith.constant 0 : index
    %get3A_10 = vector.load %arg2[%get3A_7, %get3A_8, %get3A_9] : memref<2x1000x128xf32, #tpu.memory_space<vmem>>, vector<1x1000x128xf32>
    %get3A_11 = vector.shape_cast %get3A_10 : vector<1x1000x128xf32> to vector<1000x128xf32>
    %add3A_12 = arith.addf %add3A, %get3A_11 : vector<1000x128xf32>
    %get3A_13 = arith.constant 0 : index
    %get3A_14 = arith.constant 0 : index
    %get3A_15 = vector.load %arg3[%get3A_13, %get3A_14] : memref<128x128xf32, #tpu.memory_space<vmem>>, vector<128x128xf32>
    %dot_general3A = arith.constant dense<0.000000e+00> : vector<1000x128xf32>
    %dot_general3A_16 = tpu.matmul %add3A_12, %get3A_15, %dot_general3A {dimension_numbers = #tpu.dot_dimension_numbers<[1], [0], [0], [1], [0, 0, 1, 1], [], []>, transpose_lhs_hint = false} : vector<1000x128xf32>, vector<128x128xf32>, vector<1000x128xf32> -> vector<1000x128xf32>
    %get3A_17 = arith.constant 0 : index
    %get3A_18 = arith.constant 0 : index
    %get3A_19 = vector.load %arg4[%get3A_17, %get3A_18] : memref<1x128xf32, #tpu.memory_space<vmem>>, vector<1x128xf32>
    %add3A_20 = vector.broadcast %get3A_19 : vector<1x128xf32> to vector<1000x128xf32>
    %add3A_21 = arith.addf %dot_general3A_16, %add3A_20 : vector<1000x128xf32>
    %max3A = arith.constant 0.000000e+00 : f32
    %max3A_22 = vector.broadcast %max3A : f32 to vector<1000x128xf32>
    %max3A_23 = arith.maximumf %add3A_21, %max3A_22 : vector<1000x128xf32>
    %get3A_24 = arith.constant 0 : index
    %get3A_25 = arith.constant 0 : index
    %get3A_26 = vector.load %arg5[%get3A_24, %get3A_25] : memref<128x128xf32, #tpu.memory_space<vmem>>, vector<128x128xf32>
    %dot_general3A_27 = arith.constant dense<0.000000e+00> : vector<1000x128xf32>
    %dot_general3A_28 = tpu.matmul %max3A_23, %get3A_26, %dot_general3A_27 {dimension_numbers = #tpu.dot_dimension_numbers<[1], [0], [0], [1], [0, 0, 1, 1], [], []>, transpose_lhs_hint = false} : vector<1000x128xf32>, vector<128x128xf32>, vector<1000x128xf32> -> vector<1000x128xf32>
    %get3A_29 = arith.constant 0 : index
    %get3A_30 = arith.constant 0 : index
    %get3A_31 = vector.load %arg6[%get3A_29, %get3A_30] : memref<1x128xf32, #tpu.memory_space<vmem>>, vector<1x128xf32>
    %add3A_32 = vector.broadcast %get3A_31 : vector<1x128xf32> to vector<1000x128xf32>
    %add3A_33 = arith.addf %dot_general3A_28, %add3A_32 : vector<1000x128xf32>
    %max3A_34 = arith.constant 0.000000e+00 : f32
    %max3A_35 = vector.broadcast %max3A_34 : f32 to vector<1000x128xf32>
    %max3A_36 = arith.maximumf %add3A_33, %max3A_35 : vector<1000x128xf32>
    %swap3A = arith.constant 0 : index
    %swap3A_37 = arith.constant 0 : index
    %swap3A_38 = vector.load %arg7[%swap3A, %swap3A_37] : memref<1000x128xf32, #tpu.memory_space<vmem>>, vector<1000x128xf32>
    tpu.vector_store %arg7[%swap3A, %swap3A_37], %max3A_36 {strides = array<i32>} : memref<1000x128xf32, #tpu.memory_space<vmem>>, vector<1000x128xf32>,
    return
  }
  func.func @transform_0(%arg0: i32) -> (i32, i32) {
    %c0_i32 = arith.constant 0 : i32
    %c0_i32_0 = arith.constant 0 : i32
    return %arg0, %c0_i32 : i32, i32
  }
  func.func @transform_1(%arg0: i32) -> (i32, i32, i32) {
    %c0_i32 = arith.constant 0 : i32
    %c0_i32_0 = arith.constant 0 : i32
    %c0_i32_1 = arith.constant 0 : i32
    return %c0_i32, %arg0, %c0_i32_0 : i32, i32, i32
  }
  func.func @transform_2(%arg0: i32) -> (i32, i32) {
    %c0_i32 = arith.constant 0 : i32
    %c0_i32_0 = arith.constant 0 : i32
    %c0_i32_1 = arith.constant 0 : i32
    return %c0_i32, %c0_i32_0 : i32, i32
  }
  func.func @transform_3(%arg0: i32) -> (i32, i32) {
    %c0_i32 = arith.constant 0 : i32
    %c0_i32_0 = arith.constant 0 : i32
    %c0_i32_1 = arith.constant 0 : i32
    return %c0_i32, %c0_i32_0 : i32, i32
  }
  func.func @transform_4(%arg0: i32) -> (i32, i32) {
    %c0_i32 = arith.constant 0 : i32
    %c0_i32_0 = arith.constant 0 : i32
    %c0_i32_1 = arith.constant 0 : i32
    return %c0_i32, %c0_i32_0 : i32, i32
  }
  func.func @transform_5(%arg0: i32) -> (i32, i32) {
    %c0_i32 = arith.constant 0 : i32
    %c0_i32_0 = arith.constant 0 : i32
    %c0_i32_1 = arith.constant 0 : i32
    return %c0_i32, %c0_i32_0 : i32, i32
  }
  func.func @transform_6(%arg0: i32) -> (i32, i32) {
    %c0_i32 = arith.constant 0 : i32
    %c0_i32_0 = arith.constant 0 : i32
    return %arg0, %c0_i32 : i32, i32
  }
}

module attributes {stable_mosaic.version = 14 : i64} {
  func.func @body(%arg0: i32, %arg1: memref<1000x128xf32, #tpu.memory_space<vmem>>, %arg2: memref<2x1000x128xf32, #tpu.memory_space<vmem>>, %arg3: memref<128x128xf32, #tpu.memory_space<vmem>>, %arg4: memref<1x128xf32, #tpu.memory_space<vmem>>, %arg5: memref<128x128xf32, #tpu.memory_space<vmem>>, %arg6: memref<1x128xf32, #tpu.memory_space<vmem>>, %arg7: memref<1000x128xi32, #tpu.memory_space<vmem>>, %arg8: memref<128x128xf32, #tpu.memory_space<vmem>>, %arg9: memref<1x128xf32, #tpu.memory_space<vmem>>, %arg10: memref<128x128xf32, #tpu.memory_space<vmem>>, %arg11: memref<1x128xf32, #tpu.memory_space<vmem>>, %arg12: memref<64x128xf32, #tpu.memory_space<vmem>>, %arg13: memref<64x128xf32, #tpu.memory_space<vmem>>) attributes {dimension_semantics = [#tpu.dimension_semantics<arbitrary>], iteration_bounds = array<i64: 10>, scalar_prefetch = 0 : i64, scratch_operands = 1 : i64, tpu.core_type = #tpu.core_type<tc>, window_params = [{transform_indices = @transform_0, window_bounds = array<i64: 1000, 128>}, {transform_indices = @transform_1, window_bounds = array<i64: 2, 1000, 128>}, {pipeline_mode = #tpu.pipeline_mode<synchronous>, transform_indices = @transform_2, window_bounds = array<i64: 128, 128>}, {pipeline_mode = #tpu.pipeline_mode<synchronous>, transform_indices = @transform_3, window_bounds = array<i64: 1, 128>}, {pipeline_mode = #tpu.pipeline_mode<synchronous>, transform_indices = @transform_4, window_bounds = array<i64: 128, 128>}, {pipeline_mode = #tpu.pipeline_mode<synchronous>, transform_indices = @transform_5, window_bounds = array<i64: 1, 128>}, {transform_indices = @transform_6, window_bounds = array<i64: 1000, 128>}, {pipeline_mode = #tpu.pipeline_mode<synchronous>, transform_indices = @transform_7, window_bounds = array<i64: 128, 128>}, {pipeline_mode = #tpu.pipeline_mode<synchronous>, transform_indices = @transform_8, window_bounds = array<i64: 1, 128>}, {pipeline_mode = #tpu.pipeline_mode<synchronous>, transform_indices = @transform_9, window_bounds = array<i64: 128, 128>}, {pipeline_mode = #tpu.pipeline_mode<synchronous>, transform_indices = @transform_10, window_bounds = array<i64: 1, 128>}, {pipeline_mode = #tpu.pipeline_mode<synchronous>, transform_indices = @transform_11, window_bounds = array<i64: 64, 128>}]} {
    %eq3A = arith.constant 0 : i32
    %eq3A_0 = arith.cmpi eq, %arg0, %eq3A : i32
    %convert_element_type3A = arith.extui %eq3A_0 : i1 to i32
    %cond3A = arith.constant 0 : i32
    %cond3A_1 = arith.cmpi ne, %convert_element_type3A, %cond3A : i32
    scf.if %cond3A_1 {
      %broadcast_in_dim3A = arith.constant 0xFF800000 : f32
      %broadcast_in_dim3A_68 = vector.broadcast %broadcast_in_dim3A : f32 to vector<64x128xf32>
      %swap3A_69 = arith.constant 0 : index
      %swap3A_70 = arith.constant 0 : index
      %swap3A_71 = vector.load %arg13[%swap3A_69, %swap3A_70] : memref<64x128xf32, #tpu.memory_space<vmem>>, vector<64x128xf32>
      tpu.vector_store %arg13[%swap3A_69, %swap3A_70], %broadcast_in_dim3A_68 {strides = array<i32>} : memref<64x128xf32, #tpu.memory_space<vmem>>, vector<64x128xf32>,
    } else {
    }
    %get3A = arith.constant 0 : index
    %get3A_2 = arith.constant 0 : index
    %get3A_3 = vector.load %arg1[%get3A, %get3A_2] : memref<1000x128xf32, #tpu.memory_space<vmem>>, vector<1000x128xf32>
    %get3A_4 = arith.constant 0 : index
    %get3A_5 = arith.constant 0 : index
    %get3A_6 = arith.constant 0 : index
    %get3A_7 = vector.load %arg2[%get3A_4, %get3A_5, %get3A_6] : memref<2x1000x128xf32, #tpu.memory_space<vmem>>, vector<1x1000x128xf32>
    %get3A_8 = vector.shape_cast %get3A_7 : vector<1x1000x128xf32> to vector<1000x128xf32>
    %add3A = arith.addf %get3A_3, %get3A_8 : vector<1000x128xf32>
    %get3A_9 = arith.constant 1 : index
    %get3A_10 = arith.constant 0 : index
    %get3A_11 = arith.constant 0 : index
    %get3A_12 = vector.load %arg2[%get3A_9, %get3A_10, %get3A_11] : memref<2x1000x128xf32, #tpu.memory_space<vmem>>, vector<1x1000x128xf32>
    %get3A_13 = vector.shape_cast %get3A_12 : vector<1x1000x128xf32> to vector<1000x128xf32>
    %add3A_14 = arith.addf %add3A, %get3A_13 : vector<1000x128xf32>
    %get3A_15 = arith.constant 0 : index
    %get3A_16 = arith.constant 0 : index
    %get3A_17 = vector.load %arg3[%get3A_15, %get3A_16] : memref<128x128xf32, #tpu.memory_space<vmem>>, vector<128x128xf32>
    %dot_general3A = arith.constant dense<0.000000e+00> : vector<1000x128xf32>
    %dot_general3A_18 = tpu.matmul %add3A_14, %get3A_17, %dot_general3A {dimension_numbers = #tpu.dot_dimension_numbers<[1], [0], [0], [1], [0, 0, 1, 1], [], []>, transpose_lhs_hint = false} : vector<1000x128xf32>, vector<128x128xf32>, vector<1000x128xf32> -> vector<1000x128xf32>
    %get3A_19 = arith.constant 0 : index
    %get3A_20 = arith.constant 0 : index
    %get3A_21 = vector.load %arg4[%get3A_19, %get3A_20] : memref<1x128xf32, #tpu.memory_space<vmem>>, vector<1x128xf32>
    %add3A_22 = vector.broadcast %get3A_21 : vector<1x128xf32> to vector<1000x128xf32>
    %add3A_23 = arith.addf %dot_general3A_18, %add3A_22 : vector<1000x128xf32>
    %max3A = arith.constant 0.000000e+00 : f32
    %max3A_24 = vector.broadcast %max3A : f32 to vector<1000x128xf32>
    %max3A_25 = arith.maximumf %add3A_23, %max3A_24 : vector<1000x128xf32>
    %get3A_26 = arith.constant 0 : index
    %get3A_27 = arith.constant 0 : index
    %get3A_28 = vector.load %arg5[%get3A_26, %get3A_27] : memref<128x128xf32, #tpu.memory_space<vmem>>, vector<128x128xf32>
    %dot_general3A_29 = arith.constant dense<0.000000e+00> : vector<1000x128xf32>
    %dot_general3A_30 = tpu.matmul %max3A_25, %get3A_28, %dot_general3A_29 {dimension_numbers = #tpu.dot_dimension_numbers<[1], [0], [0], [1], [0, 0, 1, 1], [], []>, transpose_lhs_hint = false} : vector<1000x128xf32>, vector<128x128xf32>, vector<1000x128xf32> -> vector<1000x128xf32>
    %get3A_31 = arith.constant 0 : index
    %get3A_32 = arith.constant 0 : index
    %get3A_33 = vector.load %arg6[%get3A_31, %get3A_32] : memref<1x128xf32, #tpu.memory_space<vmem>>, vector<1x128xf32>
    %add3A_34 = vector.broadcast %get3A_33 : vector<1x128xf32> to vector<1000x128xf32>
    %add3A_35 = arith.addf %dot_general3A_30, %add3A_34 : vector<1000x128xf32>
    %get3A_36 = arith.constant 0 : index
    %get3A_37 = arith.constant 0 : index
    %get3A_38 = vector.load %arg7[%get3A_36, %get3A_37] : memref<1000x128xi32, #tpu.memory_space<vmem>>, vector<1000x128xi32>
    %reduce_min3A = vector.shape_cast %get3A_38 : vector<1000x128xi32> to vector<1x1000x128xi32>
    %reduce_min3A_39 = arith.constant dense<2147483647> : vector<1xi32>
    %reduce_min3A_40 = vector.multi_reduction <minsi>, %reduce_min3A, %reduce_min3A_39 [1, 2] : vector<1x1000x128xi32> to vector<1xi32>
    %reduce_min3A_41 = vector.shape_cast %reduce_min3A_40 : vector<1xi32> to vector<1x1x1xi32>
    %reduce_min3A_42 = vector.extract %reduce_min3A_41[0, 0, 0] : i32 from vector<1x1x1xi32>
    %reduce_max3A = vector.shape_cast %get3A_38 : vector<1000x128xi32> to vector<1x1000x128xi32>
    %reduce_max3A_43 = arith.constant dense<-2147483648> : vector<1xi32>
    %reduce_max3A_44 = vector.multi_reduction <maxsi>, %reduce_max3A, %reduce_max3A_43 [1, 2] : vector<1x1000x128xi32> to vector<1xi32>
    %reduce_max3A_45 = vector.shape_cast %reduce_max3A_44 : vector<1xi32> to vector<1x1x1xi32>
    %reduce_max3A_46 = vector.extract %reduce_max3A_45[0, 0, 0] : i32 from vector<1x1x1xi32>
    %add3A_47 = arith.constant 1 : i32
    %add3A_48 = arith.addi %reduce_max3A_46, %add3A_47 : i32
    %get3A_49 = arith.constant 0 : index
    %get3A_50 = arith.constant 0 : index
    %get3A_51 = vector.load %arg13[%get3A_49, %get3A_50] : memref<64x128xf32, #tpu.memory_space<vmem>>, vector<64x128xf32>
    %while3A = arith.subi %add3A_48, %reduce_min3A_42 : i32
    %while3A_52 = arith.addi %reduce_min3A_42, %while3A : i32
    %while3A_53 = arith.constant 1 : i32
    %while3A_54 = arith.divsi %while3A, %while3A_53 : i32
    %while3A_55 = arith.muli %while3A_54, %while3A_53 : i32
    %while3A_56 = arith.addi %reduce_min3A_42, %while3A_55 : i32
    %while3A_57 = arith.constant 1 : i32
    %while3A_58 = scf.for %while3A_68 = %reduce_min3A_42 to %while3A_56 step %while3A_57 iter_args(%while3A_69 = %get3A_51) -> (vector<64x128xf32>)  : i32 {
      %eq3A_70 = vector.broadcast %while3A_68 : i32 to vector<1000x128xi32>
      %eq3A_71 = arith.cmpi eq, %get3A_38, %eq3A_70 : vector<1000x128xi32>
      %jit3A = arith.constant 0xFF800000 : f32
      %broadcast_in_dim3A = vector.broadcast %jit3A : f32 to vector<1000x128xf32>
      %select_n3A = arith.select %eq3A_71, %add3A_35, %broadcast_in_dim3A : vector<1000x128xi1>, vector<1000x128xf32>
      %reduce_max3A_72 = arith.constant dense<0xFF800000> : vector<128xf32>
      %reduce_max3A_73 = vector.multi_reduction <maximumf>, %select_n3A, %reduce_max3A_72 [0] : vector<1000x128xf32> to vector<128xf32>
      %broadcast_in_dim3A_74 = vector.shape_cast %reduce_max3A_73 : vector<128xf32> to vector<1x128xf32>
      %iota3A = tpu.iota {dimensions = array<i32: 0>} : vector<64x1xi32>
      %eq3A_75 = vector.broadcast %while3A_68 : i32 to vector<64x1xi32>
      %eq3A_76 = arith.cmpi eq, %iota3A, %eq3A_75 : vector<64x1xi32>
      %max3A_77 = vector.broadcast %broadcast_in_dim3A_74 : vector<1x128xf32> to vector<64x128xf32>
      %max3A_78 = arith.maximumf %while3A_69, %max3A_77 : vector<64x128xf32>
      %broadcast_in_dim3A_79 = vector.shape_cast %eq3A_76 : vector<64x1xi1> to vector<64x1xi1>
      %broadcast_in_dim3A_80 = vector.broadcast %broadcast_in_dim3A_79 : vector<64x1xi1> to vector<64x128xi1>
      %select_n3A_81 = arith.select %broadcast_in_dim3A_80, %max3A_78, %while3A_69 : vector<64x128xi1>, vector<64x128xf32>
      scf.yield %select_n3A_81 : vector<64x128xf32>
    }
    %while3A_59 = arith.constant 1 : i32
    %while3A_60 = scf.for %while3A_68 = %while3A_56 to %while3A_52 step %while3A_59 iter_args(%while3A_69 = %while3A_58) -> (vector<64x128xf32>)  : i32 {
      %eq3A_70 = vector.broadcast %while3A_68 : i32 to vector<1000x128xi32>
      %eq3A_71 = arith.cmpi eq, %get3A_38, %eq3A_70 : vector<1000x128xi32>
      %jit3A = arith.constant 0xFF800000 : f32
      %broadcast_in_dim3A = vector.broadcast %jit3A : f32 to vector<1000x128xf32>
      %select_n3A = arith.select %eq3A_71, %add3A_35, %broadcast_in_dim3A : vector<1000x128xi1>, vector<1000x128xf32>
      %reduce_max3A_72 = arith.constant dense<0xFF800000> : vector<128xf32>
      %reduce_max3A_73 = vector.multi_reduction <maximumf>, %select_n3A, %reduce_max3A_72 [0] : vector<1000x128xf32> to vector<128xf32>
      %broadcast_in_dim3A_74 = vector.shape_cast %reduce_max3A_73 : vector<128xf32> to vector<1x128xf32>
      %iota3A = tpu.iota {dimensions = array<i32: 0>} : vector<64x1xi32>
      %eq3A_75 = vector.broadcast %while3A_68 : i32 to vector<64x1xi32>
      %eq3A_76 = arith.cmpi eq, %iota3A, %eq3A_75 : vector<64x1xi32>
      %max3A_77 = vector.broadcast %broadcast_in_dim3A_74 : vector<1x128xf32> to vector<64x128xf32>
      %max3A_78 = arith.maximumf %while3A_69, %max3A_77 : vector<64x128xf32>
      %broadcast_in_dim3A_79 = vector.shape_cast %eq3A_76 : vector<64x1xi1> to vector<64x1xi1>
      %broadcast_in_dim3A_80 = vector.broadcast %broadcast_in_dim3A_79 : vector<64x1xi1> to vector<64x128xi1>
      %select_n3A_81 = arith.select %broadcast_in_dim3A_80, %max3A_78, %while3A_69 : vector<64x128xi1>, vector<64x128xf32>
      scf.yield %select_n3A_81 : vector<64x128xf32>
    }
    %swap3A = arith.constant 0 : index
    %swap3A_61 = arith.constant 0 : index
    %swap3A_62 = vector.load %arg13[%swap3A, %swap3A_61] : memref<64x128xf32, #tpu.memory_space<vmem>>, vector<64x128xf32>
    tpu.vector_store %arg13[%swap3A, %swap3A_61], %while3A_60 {strides = array<i32>} : memref<64x128xf32, #tpu.memory_space<vmem>>, vector<64x128xf32>,
    %eq3A_63 = arith.constant 9 : i32
    %eq3A_64 = arith.cmpi eq, %arg0, %eq3A_63 : i32
    %convert_element_type3A_65 = arith.extui %eq3A_64 : i1 to i32
    %cond3A_66 = arith.constant 0 : i32
    %cond3A_67 = arith.cmpi ne, %convert_element_type3A_65, %cond3A_66 : i32
    scf.if %cond3A_67 {
      %get3A_68 = arith.constant 0 : index
      %get3A_69 = arith.constant 0 : index
      %get3A_70 = vector.load %arg13[%get3A_68, %get3A_69] : memref<64x128xf32, #tpu.memory_space<vmem>>, vector<64x128xf32>
      %get3A_71 = arith.constant 0 : index
      %get3A_72 = arith.constant 0 : index
      %get3A_73 = vector.load %arg8[%get3A_71, %get3A_72] : memref<128x128xf32, #tpu.memory_space<vmem>>, vector<128x128xf32>
      %dot_general3A_74 = arith.constant dense<0.000000e+00> : vector<64x128xf32>
      %dot_general3A_75 = tpu.matmul %get3A_70, %get3A_73, %dot_general3A_74 {dimension_numbers = #tpu.dot_dimension_numbers<[1], [0], [0], [1], [0, 0, 1, 1], [], []>, transpose_lhs_hint = false} : vector<64x128xf32>, vector<128x128xf32>, vector<64x128xf32> -> vector<64x128xf32>
      %get3A_76 = arith.constant 0 : index
      %get3A_77 = arith.constant 0 : index
      %get3A_78 = vector.load %arg9[%get3A_76, %get3A_77] : memref<1x128xf32, #tpu.memory_space<vmem>>, vector<1x128xf32>
      %add3A_79 = vector.broadcast %get3A_78 : vector<1x128xf32> to vector<64x128xf32>
      %add3A_80 = arith.addf %dot_general3A_75, %add3A_79 : vector<64x128xf32>
      %max3A_81 = arith.constant 0.000000e+00 : f32
      %max3A_82 = vector.broadcast %max3A_81 : f32 to vector<64x128xf32>
      %max3A_83 = arith.maximumf %add3A_80, %max3A_82 : vector<64x128xf32>
      %get3A_84 = arith.constant 0 : index
      %get3A_85 = arith.constant 0 : index
      %get3A_86 = vector.load %arg10[%get3A_84, %get3A_85] : memref<128x128xf32, #tpu.memory_space<vmem>>, vector<128x128xf32>
      %dot_general3A_87 = arith.constant dense<0.000000e+00> : vector<64x128xf32>
      %dot_general3A_88 = tpu.matmul %max3A_83, %get3A_86, %dot_general3A_87 {dimension_numbers = #tpu.dot_dimension_numbers<[1], [0], [0], [1], [0, 0, 1, 1], [], []>, transpose_lhs_hint = false} : vector<64x128xf32>, vector<128x128xf32>, vector<64x128xf32> -> vector<64x128xf32>
      %get3A_89 = arith.constant 0 : index
      %get3A_90 = arith.constant 0 : index
      %get3A_91 = vector.load %arg11[%get3A_89, %get3A_90] : memref<1x128xf32, #tpu.memory_space<vmem>>, vector<1x128xf32>
      %add3A_92 = vector.broadcast %get3A_91 : vector<1x128xf32> to vector<64x128xf32>
      %add3A_93 = arith.addf %dot_general3A_88, %add3A_92 : vector<64x128xf32>
      %swap3A_94 = arith.constant 0 : index
      %swap3A_95 = arith.constant 0 : index
      %swap3A_96 = vector.load %arg12[%swap3A_94, %swap3A_95] : memref<64x128xf32, #tpu.memory_space<vmem>>, vector<64x128xf32>
      tpu.vector_store %arg12[%swap3A_94, %swap3A_95], %add3A_93 {strides = array<i32>} : memref<64x128xf32, #tpu.memory_space<vmem>>, vector<64x128xf32>,
    } else {
    }
    return
  }
  func.func @transform_0(%arg0: i32) -> (i32, i32) {
    %c0_i32 = arith.constant 0 : i32
    %c0_i32_0 = arith.constant 0 : i32
    return %arg0, %c0_i32 : i32, i32
  }
  func.func @transform_1(%arg0: i32) -> (i32, i32, i32) {
    %c0_i32 = arith.constant 0 : i32
    %c0_i32_0 = arith.constant 0 : i32
    %c0_i32_1 = arith.constant 0 : i32
    return %c0_i32, %arg0, %c0_i32_0 : i32, i32, i32
  }
  func.func @transform_2(%arg0: i32) -> (i32, i32) {
    %c0_i32 = arith.constant 0 : i32
    %c0_i32_0 = arith.constant 0 : i32
    %c0_i32_1 = arith.constant 0 : i32
    return %c0_i32, %c0_i32_0 : i32, i32
  }
  func.func @transform_3(%arg0: i32) -> (i32, i32) {
    %c0_i32 = arith.constant 0 : i32
    %c0_i32_0 = arith.constant 0 : i32
    %c0_i32_1 = arith.constant 0 : i32
    return %c0_i32, %c0_i32_0 : i32, i32
  }
  func.func @transform_4(%arg0: i32) -> (i32, i32) {
    %c0_i32 = arith.constant 0 : i32
    %c0_i32_0 = arith.constant 0 : i32
    %c0_i32_1 = arith.constant 0 : i32
    return %c0_i32, %c0_i32_0 : i32, i32
  }
  func.func @transform_5(%arg0: i32) -> (i32, i32) {
    %c0_i32 = arith.constant 0 : i32
    %c0_i32_0 = arith.constant 0 : i32
    %c0_i32_1 = arith.constant 0 : i32
    return %c0_i32, %c0_i32_0 : i32, i32
  }
  func.func @transform_6(%arg0: i32) -> (i32, i32) {
    %c0_i32 = arith.constant 0 : i32
    %c0_i32_0 = arith.constant 0 : i32
    return %arg0, %c0_i32 : i32, i32
  }
  func.func @transform_7(%arg0: i32) -> (i32, i32) {
    %c0_i32 = arith.constant 0 : i32
    %c0_i32_0 = arith.constant 0 : i32
    %c0_i32_1 = arith.constant 0 : i32
    return %c0_i32, %c0_i32_0 : i32, i32
  }
  func.func @transform_8(%arg0: i32) -> (i32, i32) {
    %c0_i32 = arith.constant 0 : i32
    %c0_i32_0 = arith.constant 0 : i32
    %c0_i32_1 = arith.constant 0 : i32
    return %c0_i32, %c0_i32_0 : i32, i32
  }
  func.func @transform_9(%arg0: i32) -> (i32, i32) {
    %c0_i32 = arith.constant 0 : i32
    %c0_i32_0 = arith.constant 0 : i32
    %c0_i32_1 = arith.constant 0 : i32
    return %c0_i32, %c0_i32_0 : i32, i32
  }
  func.func @transform_10(%arg0: i32) -> (i32, i32) {
    %c0_i32 = arith.constant 0 : i32
    %c0_i32_0 = arith.constant 0 : i32
    %c0_i32_1 = arith.constant 0 : i32
    return %c0_i32, %c0_i32_0 : i32, i32
  }
  func.func @transform_11(%arg0: i32) -> (i32, i32) {
    %c0_i32 = arith.constant 0 : i32
    %c0_i32_0 = arith.constant 0 : i32
    %c0_i32_1 = arith.constant 0 : i32
    return %c0_i32, %c0_i32_0 : i32, i32
  }
}

</mosaic_0001>

<sc_bundles>
// kernel: kernel.11.cloned.1.call-start
scs
__scs_entry_jumppad:
0x0: {  	(pc) =	sbr.rel $0x88, $3  }
0x1: {  	(tag) =	ssettag $0x0;
	lr =	simm.s32 $0x1  }
0x2: {  	[smem:$0x3F8E] =	sst lr;
	_ =	strace $0xD0000000  }
0x3: {  	_ = 	snop  }
0x4: {  	_ = 	snop  }
0x5: {  	_ = 	snop  }
0x6: {  	_ = 	snop  }
0x7: {  	_ = 	snop  }
__scs_overlays_trampoline_lowered:
0x8: {  	[smem:$0x3F9D] =	sst s0  }
0x9: {  	[smem:$0x3F9E] =	sst s1  }
0xa: {  	[smem:$0x3F9F] =	sst s2  }
0xb: {  	[smem:$0x3FA0] =	sst s3  }
0xc: {  	[smem:$0x3FA1] =	sst s4  }
0xd: {  	[smem:$0x3FA2] =	sst s5  }
0xe: {  	[smem:$0x3FA3] =	sst s6  }
0xf: {  	[smem:$0x3FA4] =	sst s7  }
0x10: {  	[smem:$0x3FA5] =	sst s8  }
0x11: {  	[smem:$0x3FA6] =	sst s9;
	s0 =	simm.s32 @!p0 $0x0  }
0x12: {  	s1 =	sld [smem:$0x3F8C];
	s0 =	simm.s32 @p0 $0x1  }
0x13: {  	[smem:$0x3FA7] =	sst s0;
	s0 =	simm.s32 @!p1 $0x0  }
0x14: {  	s2 =	sld [smem:$0x3F8B];
	s0 =	simm.s32 @p1 $0x1  }
0x15: {  	[smem:$0x3FA8] =	sst s0;
	s0 =	simm.s32 @!p2 $0x0  }
0x16: {  	s3 =	sld [smem:$0x3FDB];
	s0 =	simm.s32 @p2 $0x1  }
0x17: {  	s4 =	simm.s32 $0x1BF5;
	[smem:$0x3FAA] =	sst s0  }
0x18: {  	s0 =	sld [smem:$0x3F8D];
	_ =	swait.ge [sflag:s4], $0x0  }
0x19: {  	s7 =	sld [smem:$0x3F8E]  }
0x1a: {  	s8 =	sadd.s32 $0xFFFFE003, lr  }
0x1b: {  	s9 =	sadd.s32 $0xFFFFFEF7, lr;
	s5 =	simm.s32 $0xFFFFFFFF;
	p2 =	slt.u32 s8, $0xFFFFF086  }
0x1c: {  	p1 =	slt.u32 s9, $0xF7A;
	s5 =	simm.s32 @!p2 $0x0  }
0x1d: {  	s5 =	simm.s32 @p1 $0x1;
	p0 =	seq.s32 s7, s2  }
0x1e: {  	s7 =	smul.u32 @!p0 $0xF7A, s2;
	p2 =	seq.s32 @!p0 s5, $0x0  }
0x1f: {  	s9 =	smul.u32 $0xF7A, s1;
	s8 =	simm.s32 @!p0 $0x1BF5;
	p2 =	por !p2, p0  }
0x20: {  	[sflag:s8] =	ssyncset.s32 @!p0 $0xFFFFF086;
	s6 =	sadd.s32 @!p0 s3, s7;
	s7 =	simm.s32 @!p0 $0x108  }
0x21: {  	s3 =	sadd.s32 s3, s9;
	s6 =	sadd.s32 @!p0 $0x88, s6;
	s7 =	simm.s32 @p2 $0x1082  }
0x22: {  	[simem:s7], [sflag:s8] =	dma.local @!p0 [hbm:s6], $0xF7A  }
0x23: {  	s9 =	sor.u32 $0xD0000000, s2;
	s6 =	simm.s32 $0x108;
	_ =	swait.ge @!p0 [sflag:s8], $0x0  }
0x24: {  	s3 =	sadd.s32 $0x88, s3;
	s6 =	simm.s32 @!p1 $0x1082;
	[sflag:s4] =	ssyncset.s32 $0xFFFFF086  }
0x25: {  	[simem:s6], [sflag:s4] =	dma.local [hbm:s3], $0xF7A  }
0x26: {  	[smem:$0x3F8E] =	sst s1;
	(tag) =	ssettag s2;
	_ =	strace s9  }
0x27: {  	s1 =	sld [smem:$0x3F9E]  }
0x28: {  	s2 =	sld [smem:$0x3F9F]  }
0x29: {  	s4 =	sld [smem:$0x3FA1]  }
0x2a: {  	p0 =	seq.s32 s5, $0x0;
	s5 =	sld [smem:$0x3FA2]  }
0x2b: {  	s6 =	sld [smem:$0x3FA3]  }
0x2c: {  	s7 =	sld [smem:$0x3FA4]  }
0x2d: {  	s3 =	simm.s32 $0x108;
	s8 =	sld [smem:$0x3FA5]  }
0x2e: {  	s3 =	simm.s32 @!p0 $0x1082;
	s9 =	sld [smem:$0x3FA6]  }
0x2f: {  	lr =	sadd.s32 s0, s3;
	s0 =	sld [smem:$0x3F9D]  }
0x30: {  	s3 =	sld [smem:$0x3FA0]  }
0x31: {  	[smem:$0x3FA9] =	sst s10  }
0x32: {  	s10 =	sld [smem:$0x3FA7];
	_ =	sdelay $0x3  }
0x33: {  	p0 =	seq.s32 s10, $0x1;
	s10 =	sld [smem:$0x3FA9];
	_ =	sdelay $0x3  }
0x34: {  	[smem:$0x3FA9] =	sst s10  }
0x35: {  	s10 =	sld [smem:$0x3FA8];
	_ =	sdelay $0x3  }
0x36: {  	p1 =	seq.s32 s10, $0x1;
	s10 =	sld [smem:$0x3FA9];
	_ =	sdelay $0x3  }
0x37: {  	[smem:$0x3FA9] =	sst s10  }
0x38: {  	s10 =	sld [smem:$0x3FAA]  }
0x39: {  	_ = 	snop;
	(pc) =	sbr.ind lr, $3  }
0x3a: {  	_ = 	snop  }
0x3b: {  	_ = 	snop  }
0x3c: {  	p2 =	seq.s32 s10, $0x1;
	s10 =	sld [smem:$0x3FA9]  }
0x3d: {  	_ =	shalt  }
0x3e: {  	_ =	shalt  }
0x3f: {  	_ =	shalt  }
0x40: {  	_ =	shalt  }
0x41: {  	_ =	shalt  }
0x42: {  	_ =	shalt  }
0x43: {  	_ =	shalt  }
0x44: {  	_ =	shalt  }
0x45: {  	_ =	shalt  }
0x46: {  	_ =	shalt  }
0x47: {  	_ =	shalt  }
0x48: {  	_ =	shalt  }
0x49: {  	_ =	shalt  }
0x4a: {  	_ =	shalt  }
0x4b: {  	_ =	shalt  }
0x4c: {  	_ =	shalt  }
0x4d: {  	_ =	shalt  }
0x4e: {  	_ =	shalt  }
0x4f: {  	_ =	shalt  }
0x50: {  	_ =	shalt  }
0x51: {  	_ =	shalt  }
0x52: {  	_ =	shalt  }
0x53: {  	_ =	shalt  }
0x54: {  	_ =	shalt  }
0x55: {  	_ =	shalt  }
0x56: {  	_ =	shalt  }
0x57: {  	_ =	shalt  }
0x58: {  	_ =	shalt  }
0x59: {  	_ =	shalt  }
0x5a: {  	_ =	shalt  }
0x5b: {  	_ =	shalt  }
0x5c: {  	_ =	shalt  }
0x5d: {  	_ =	shalt  }
0x5e: {  	_ =	shalt  }
0x5f: {  	_ =	shalt  }
0x60: {  	_ =	shalt  }
0x61: {  	_ =	shalt  }
0x62: {  	_ =	shalt  }
0x63: {  	_ =	shalt  }
0x64: {  	_ =	shalt  }
0x65: {  	_ =	shalt  }
0x66: {  	_ =	shalt  }
0x67: {  	_ =	shalt  }
0x68: {  	_ =	shalt  }
0x69: {  	_ =	shalt  }
0x6a: {  	_ =	shalt  }
0x6b: {  	_ =	shalt  }
0x6c: {  	_ =	shalt  }
0x6d: {  	_ =	shalt  }
0x6e: {  	_ =	shalt  }
0x6f: {  	_ =	shalt  }
0x70: {  	_ =	shalt  }
0x71: {  	_ =	shalt  }
0x72: {  	_ =	shalt  }
0x73: {  	_ =	shalt  }
0x74: {  	_ =	shalt  }
0x75: {  	_ =	shalt  }
0x76: {  	_ =	shalt  }
0x77: {  	_ =	shalt  }
0x78: {  	_ =	shalt  }
0x79: {  	_ =	shalt  }
0x7a: {  	_ =	shalt  }
0x7b: {  	_ =	shalt  }
0x7c: {  	_ =	shalt  }
0x7d: {  	_ =	shalt  }
0x7e: {  	_ =	shalt  }
0x7f: {  	_ =	shalt  }
0x80: {  	_ =	shalt  }
0x81: {  	_ =	shalt  }
0x82: {  	_ =	shalt  }
0x83: {  	_ =	shalt  }
0x84: {  	_ =	shalt  }
0x85: {  	_ =	shalt  }
0x86: {  	_ =	shalt  }
0x87: {  	_ =	shalt  }
.Lfunc_end0:
.L_simem_size_0:
called_computation.1_lowered:
.L_overlay_start_0:
0x88: {  	s2 =	sld [smem:$0x3FD9]  }
0x89: {  	s3 =	sld [smem:$0x3FFE];
	_ =	sdelay $0x1  }
0x8a: {  	s1 =	srdreg.scid  }
0x8b: {  	s0 =	sand.u32 $0x1, s1  }
0x8c: {  	s16 =	sshll.u32 s0, $0xA;
	s2 =	sadd.s32 s3, s2  }
0x8d: {  	s2 =	sadd.s32 s2, s16  }
0x8e: {  	[smem:$0x3FB5] =	sst s2  }
0x8f: {  	_ = 	snop  }
0x90: {  	(tm) =	ssettm $0x1  }
0x91: {  	s17 =	sld [smem:$0x3FFB];
	_ =	sdelay $0x3  }
0x92: {  	_ =	strace s17  }
0x93: {  	s2 =	sld [smem:$0x3FFC];
	_ =	sdelay $0x3  }
0x94: {  	_ =	strace s2  }
0x95: {  	s2 =	sld [smem:$0x3FFD];
	_ =	sdelay $0x3  }
0x96: {  	_ =	strace s2  }
0x97: {  	_ =	strace $0x8FFFFFFF  }
0x98: {  	s18 =	sld [smem:$0x3FDB];
	_ =	sdelay $0x1  }
0x99: {  	s19 =	simm.s32 $_scs_section_size  }
0x9a: {  	s4 =	simm.s32 $_size__tile_overlayer_lowered;
	s5 =	simm.s32 $_tile_overlayer_lowered  }
0x9b: {  	s22 =	simm.s32 $0x1BFF;
	s21 =	sshll.u32 s5, $0x1;
	s2 =	sadd.s32 s19, s18  }
0x9c: {  	s6 =	simm.s32 $0x0;
	s20 =	sshll.u32 s4, $0x1;
	s4 =	sadd.s32 s21, s2  }
0x9d: {  	[timem:s6], [sflag:s22] =	dma.local [hbm:s4], s20  }
0x9e: {  	_ =	swait.ge [sflag:s22], s20  }
0x9f: {  	s3 =	ssub.s32 $0x0, s20;
	[sflag:s22] =	ssyncset.done $0x0  }
0xa0: {  	[sflag:s22] =	ssyncadd.s32 s3;
	_ =	sdelay $0x1  }
0xa1: {  	s23 =	simm.s32 $0x1B8B  }
0xa2: {  	_ =	swait.ge [sflag:s23], $0x1  }
0xa3: {  	[sflag:s23] =	ssyncset.done $0x0  }
0xa4: {  	s25 =	simm.s32 $0x1B8E;
	s24 =	sld [smem:$0x3FFE];
	[sflag:s23] =	ssyncadd.s32 $0xFFFFFFFF  }
0xa5: {  	s26 =	simm.s32 $execute0_lowered;
	[smem:$0x3FD2] =	sst s25  }
0xa6: {  	s4 =	sshll.u32 s26, $0x1;
	_ =	strace $0x80000049;
	[dreg:$0x1] =	wrdreg $0xFFFFFFFF  }
0xa7: {  	s28 =	simm.s32 $_size_execute0_lowered;
	s2 =	sadd.s32 s2, s4;
	[dreg:$0x0] =	wrdreg $0x0  }
0xa8: {  	s4 =	sshll.u32 s28, $0x1;
	[dreg:$0x2] =	wrdreg s2  }
0xa9: {  	[dreg:$0x3] =	wrdreg s4  }
0xaa: {  	[dreg:$0x4] =	wrdreg $0xC0  }
0xab: {  	_ =	task [dreg:s6], $0x5FFFF  }
0xac: {  	[dreg:$0x1] =	wrdreg $0xFFFFFFFF  }
0xad: {  	[dreg:$0x0] =	wrdreg $0x60  }
0xae: {  	[dreg:$0x2] =	wrdreg s24  }
0xaf: {  	[dreg:$0x3] =	wrdreg $0xB7800  }
0xb0: {  	[dreg:$0x4] =	wrdreg $0x9  }
0xb1: {  	_ =	task.clear_ibuf [dreg:s6], $0x5FFFF;
	_ =	strace $0x90000049  }
0xb2: {  	s29 =	simm.s32 $0x9;
	_ =	strace $0x8000004B  }
0xb3: {  	_ =	swait.ge [sflag:s29], $0x1  }
0xb4: {  	[sflag:s29] =	ssyncadd.s32 $0xFFFFFFFF  }
0xb5: {  	_ =	strace $0x9000004B  }
0xb6: {  	_ =	sfence  }
0xb7: {  	s30 =	sld [smem:$0x0];
	_ =	sdelay $0x2  }
0xb8: {  	s31 =	sshll.u32 s1, $0xD;
	s1 =	sshrl.u32 s1, $0x2  }
0xb9: {  	s3 =	sand.u32 $0x4000, s31;
	s1 =	sadd.s32 s1, s30  }
0xba: {  	s0 =	sor.u32 s3, s0;
	s1 =	sshll.u32 s1, $0x11  }
0xbb: {  	s0 =	sor.u32 s1, s0  }
0xbc: {  	s0 =	sadd.s32 $0x8F2B, s0  }
0xbd: {  	[sflag:s0] =	ssyncadd.remote.s32 $0x1  }
0xbe: {  	_ =	sfence.sel $0xFFFF  }
0xbf: {  	[dreg:$0x0] =	wrdreg $0xFFFFFFFF;
	(pc) =	sbr.abs _section_cstart, $3  }
0xc0: {  	[dreg:$0x1] =	wrdreg $0xFFFFFFFF  }
0xc1: {  	_ =	task.clear_ibuf [dreg:s6], $0x2FFFF;
	_ =	strace $0x9FFFFFFF  }
0xc2: {  	(tm) =	ssettm $0x7FFFFFFF  }
0xc3: {  	_ =	shalt  }
tec
execute0_lowered:
.L_overlay_start_1:
0x0: {  	(tag) =	ssettag $0x1  }
0x1: {  	s1 =	rddreg [dreg:$0x0]  }
0x2: {  	s0 =	srdreg.scid;
	s2 =	rddreg [dreg:$0x1]  }
0x3: {  	s16 =	stileid.u32;
	s3 =	simm.s32 $0x0;
	s17 =	simm.s32 $0x6780  }
0x4: {  	s18 =	simm.s32 $0x7B80;
	s20 =	simm.s32 $0x8F80;
	s21 =	simm.s32 $0x1  }
0x5: {  	s22 =	simm.s32 $0xA380;
	s23 =	simm.s32 $0x2;
	s24 =	simm.s32 $0x3  }
0x6: {  	s25 =	simm.s32 $0x4;
	s19 =	simm.s32 $0x6580;
	s28 =	simm.s32 $0x0  }
0x7: {  	s0 =	sand.u32 $0x1, s0;
	[smem:$0x7FF] =	sst s3;
	s9 =	smul.u32 $0x13800, s16  }
0x8: {  	s26 =	smul.u32 $0x4E000, s16;
	s12 =	sadd.s32 $0x6BE00, s1;
	s30 =	sshll.u32 s16, $0x6  }
0x9: {  	s15 =	sadd.s32 $0x138000, s2;
	p0 =	sne.s32 s16, $0xF;
	s4 =	sshll.u32 s0, $0x4  }
0xa: {  	_ =	strace $0x8000004A;
	s7 =	ssub.s32 $0x2, s0;
	s0 =	smul.u32 $0x138800, s0  }
0xb: {  	s15 =	sshrl.u32 @!p0 s15, $0x3;
	s5 =	sor.u32 s16, s4;
	s4 =	sadd.s32 $0x44C00, s1  }
0xc: {  	s29 =	sshrl.u32 s9, $0x3;
	s11 =	sshrl.u32 s7, $0x1;
	s16 =	simm.s32 $0x28  }
0xd: {  	s6 =	smul.u32 $0x4E2, s5;
	s5 =	sshll.u32 s5, $0xB;
	s13 =	ssub.s32 s7, s11  }
0xe: {  	s7 =	sadd.s32 $0x44A00, s1;
	s31 =	sadd.s32 s9, s0;
	s0 =	sshrl.u32 s0, $0x3  }
0xf: {  	s10 =	sadd.s32 s5, s1;
	s5 =	sadd.s32 s29, s1;
	s0 =	sadd.s32 s12, s0  }
0x10: {  	s8 =	sadd.s32 s6, s1;
	s6 =	sshrl.u32 s26, $0x2;
	s5 =	sadd.s32 $0x1DA00, s5  }
0x11: {  	s9 =	sadd.s32 $0xDA00, s10;
	s1 =	sshrl.u32 s31, $0x3;
	s11 =	sadd.s32 $0x27000, s0  }
0x12: {  	s26 =	simm.s32 $0x65A8;
	s14 =	sadd.s32 s6, s2;
	s6 =	sor.u32 $0x1C05, s30  }
0x13: {  	s8 =	sadd.s32 $0x3C00, s8;
	s10 =	sadd.s32 s12, s1;
	s12 =	smax.u32 s13, $0x1  }
0x14: {  	s1 =	simm.s32 $0x6528;
	s13 =	sshrl.u32 s14, $0x3;
	s14 =	simm.s32 $0x5  }
.LBB2_1:
0x15: {  	[spmem:s13], [sflag:s6] =	dma.local [hbm:s5], $0x2700  }
0x16: {  	_ =	swait.ge [sflag:s14], $0x2700  }
0x17: {  	[sflag:s14] =	ssyncset.done $0x0  }
0x18: {  	s29 =	simm.s32 @!p0 $0x5;
	[sflag:s14] =	ssyncadd.s32 $0xFFFFD900  }
0x19: {  	[spmem:s15], [sflag:s6] =	dma.local @!p0 [hbm:s7], $0x100  }
0x1a: {  	_ =	swait.ge @!p0 [sflag:s29], $0x100  }
0x1b: {  	[sflag:s29] =	ssyncset.done @!p0 $0x0  }
0x1c: {  	[sflag:s29] =	ssyncadd.s32 @!p0 $0xFFFFFF00  }
0x1d: {  	[tilespmem:s3], [sflag:$0x5] =	stream.linear.gather [hbm4b:s8+s3], $0x2710, $0x38;
	[tilespmem:$0x1F000] =	vst v63  }
0x1e: {  	_ =	swait.ge [sflag:s14], $0x2710  }
0x1f: {  	[sflag:s14] =	ssyncset.done $0x0  }
0x20: {  	s29 =	simm.s32 $0x2780;
	[sflag:s14] =	ssyncadd.s32 $0xFFFFD8F0  }
0x21: {  	[tilespmem:s29], [sflag:$0x5] =	stream.linear.gather [hbm4b:s9+s3], $0x3E80, $0x38;
	[tilespmem:$0x1F000] =	vst v63  }
0x22: {  	_ =	swait.ge [sflag:s14], $0x3E80  }
0x23: {  	[sflag:s14] =	ssyncset.done $0x0  }
0x24: {  	[sflag:s14] =	ssyncadd.s32 $0xFFFFC180  }
0x25: {  	[bflag:$0x0] =	sbarrier.arrive $0xFFFF  }
0x26: {  	[tilespmem:s17], [sflag:$0x1] =	stream.indirect.gather [hbm4b:s4+s16], $0x80, s3, s16, $0xb8;
	[tilespmem:$0x1F000] =	vst v63  }
0x27: {  	_ = 	snop  }
0x28: {  	[tilespmem:s18], [sflag:$0x2] =	stream.indirect.gather [hbm4b:s4+s16], $0x80, s16, s16, $0xb8;
	[tilespmem:$0x1F000] =	vst v63  }
0x29: {  	s0 =	simm.s32 $0x50  }
0x2a: {  	[tilespmem:s20], [sflag:$0x3] =	stream.indirect.gather [hbm4b:s4+s16], $0x80, s0, s16, $0xb8;
	[tilespmem:$0x1F000] =	vst v63  }
0x2b: {  	_ =	swait.ge [sflag:s21], $0x1400  }
0x2c: {  	[sflag:s21] =	ssyncset.done $0x0  }
0x2d: {  	s30 =	simm.s32 $0x78;
	[sflag:s21] =	ssyncadd.s32 $0xFFFFEC00  }
0x2e: {  	[tilespmem:s22], [sflag:$0x4] =	stream.indirect.gather [hbm4b:s4+s16], $0x80, s30, s16, $0xb8;
	[tilespmem:$0x1F000] =	vst v63  }
0x2f: {  	_ = 	snop  }
0x30: {  	[spmem:s2] =	stream.indirect.scatter.add.f32 [tilespmem:s17], [sflag:$0x5], $0x80, s29, s16, $0xb8;
	[tilespmem:$0x1F000] =	vst v63  }
0x31: {  	_ =	swait.ge [sflag:s14], $0x1400  }
0x32: {  	[sflag:s14] =	ssyncset.done $0x0  }
0x33: {  	[sflag:s14] =	ssyncadd.s32 $0xFFFFEC00  }
0x34: {  	_ =	swait.ge [sflag:s23], $0x1400  }
0x35: {  	[sflag:s23] =	ssyncset.done $0x0  }
0x36: {  	s30 =	simm.s32 $0xA0;
	[sflag:s23] =	ssyncadd.s32 $0xFFFFEC00  }
0x37: {  	[tilespmem:s17], [sflag:$0x1] =	stream.indirect.gather [hbm4b:s4+s16], $0x80, s30, s16, $0xb8;
	[tilespmem:$0x1F000] =	vst v63  }
0x38: {  	s30 =	simm.s32 $0x27A8  }
0x39: {  	[spmem:s2] =	stream.indirect.scatter.add.f32 [tilespmem:s18], [sflag:$0x5], $0x80, s30, s16, $0xb8;
	[tilespmem:$0x1F000] =	vst v63  }
0x3a: {  	_ =	swait.ge [sflag:s14], $0x1400  }
0x3b: {  	[sflag:s14] =	ssyncset.done $0x0  }
0x3c: {  	[sflag:s14] =	ssyncadd.s32 $0xFFFFEC00  }
0x3d: {  	_ =	swait.ge [sflag:s24], $0x1400  }
0x3e: {  	[sflag:s24] =	ssyncset.done $0x0  }
0x3f: {  	s30 =	simm.s32 $0xC8;
	[sflag:s24] =	ssyncadd.s32 $0xFFFFEC00  }
0x40: {  	[tilespmem:s18], [sflag:$0x2] =	stream.indirect.gather [hbm4b:s4+s16], $0x80, s30, s16, $0xb8;
	[tilespmem:$0x1F000] =	vst v63  }
0x41: {  	s30 =	simm.s32 $0x2800  }
0x42: {  	[spmem:s2] =	stream.indirect.scatter.add.f32 [tilespmem:s20], [sflag:$0x5], $0x80, s30, s16, $0xb8;
	[tilespmem:$0x1F000] =	vst v63  }
0x43: {  	_ =	swait.ge [sflag:s14], $0x1400  }
0x44: {  	[sflag:s14] =	ssyncset.done $0x0  }
0x45: {  	[sflag:s14] =	ssyncadd.s32 $0xFFFFEC00  }
0x46: {  	_ =	swait.ge [sflag:s25], $0x1400  }
0x47: {  	[sflag:s25] =	ssyncset.done $0x0  }
0x48: {  	s30 =	simm.s32 $0xF0;
	[sflag:s25] =	ssyncadd.s32 $0xFFFFEC00  }
0x49: {  	[tilespmem:s20], [sflag:$0x3] =	stream.indirect.gather [hbm4b:s4+s16], $0x80, s30, s16, $0xb8;
	[tilespmem:$0x1F000] =	vst v63  }
0x4a: {  	s30 =	simm.s32 $0x2828  }
0x4b: {  	[spmem:s2] =	stream.indirect.scatter.add.f32 [tilespmem:s22], [sflag:$0x5], $0x80, s30, s16, $0xb8;
	[tilespmem:$0x1F000] =	vst v63  }
0x4c: {  	_ =	swait.ge [sflag:s14], $0x1400  }
0x4d: {  	s30 =	simm.s32 $0x280;
	[sflag:s14] =	ssyncset.done $0x0  }
.LBB2_2:
0x4e: {  	p1 =	sne.s32 s30, $0x9600;
	[sflag:s14] =	ssyncadd.s32 $0xFFFFEC00;
	s29 =	sadd.s32 $0x100, s29  }
0x4f: {  	s31 =	smov.u32 s30;
	s30 =	sadd.s32 $0x280, s30  }
0x50: {  	_ =	swait.ge [sflag:s21], $0x1400  }
0x51: {  	s31 =	sshra.s32 s31, $0x2;
	[sflag:s21] =	ssyncset.done $0x0  }
0x52: {  	s0 =	sadd.s32 $0x78, s31;
	[sflag:s21] =	ssyncadd.s32 $0xFFFFEC00  }
0x53: {  	[tilespmem:s22], [sflag:$0x4] =	stream.indirect.gather [hbm4b:s4+s16], $0x80, s0, s16, $0xb8;
	[tilespmem:$0x1F000] =	vst v63  }
0x54: {  	_ = 	snop  }
0x55: {  	[spmem:s2] =	stream.indirect.scatter.add.f32 [tilespmem:s17], [sflag:$0x5], $0x80, s29, s16, $0xb8;
	[tilespmem:$0x1F000] =	vst v63  }
0x56: {  	_ =	swait.ge [sflag:s14], $0x1400  }
0x57: {  	[sflag:s14] =	ssyncset.done $0x0  }
0x58: {  	[sflag:s14] =	ssyncadd.s32 $0xFFFFEC00  }
0x59: {  	_ =	swait.ge [sflag:s23], $0x1400  }
0x5a: {  	[sflag:s23] =	ssyncset.done $0x0  }
0x5b: {  	s0 =	sadd.s32 $0xA0, s31;
	[sflag:s23] =	ssyncadd.s32 $0xFFFFEC00  }
0x5c: {  	[tilespmem:s17], [sflag:$0x1] =	stream.indirect.gather [hbm4b:s4+s16], $0x80, s0, s16, $0xb8;
	[tilespmem:$0x1F000] =	vst v63  }
0x5d: {  	s0 =	sadd.s32 $0x28, s29  }
0x5e: {  	[spmem:s2] =	stream.indirect.scatter.add.f32 [tilespmem:s18], [sflag:$0x5], $0x80, s0, s16, $0xb8;
	[tilespmem:$0x1F000] =	vst v63  }
0x5f: {  	_ =	swait.ge [sflag:s14], $0x1400  }
0x60: {  	[sflag:s14] =	ssyncset.done $0x0  }
0x61: {  	[sflag:s14] =	ssyncadd.s32 $0xFFFFEC00  }
0x62: {  	_ =	swait.ge [sflag:s24], $0x1400  }
0x63: {  	[sflag:s24] =	ssyncset.done $0x0  }
0x64: {  	s0 =	sadd.s32 $0xC8, s31;
	[sflag:s24] =	ssyncadd.s32 $0xFFFFEC00  }
0x65: {  	[tilespmem:s18], [sflag:$0x2] =	stream.indirect.gather [hbm4b:s4+s16], $0x80, s0, s16, $0xb8;
	[tilespmem:$0x1F000] =	vst v63  }
0x66: {  	s0 =	sadd.s32 $0x80, s29  }
0x67: {  	[spmem:s2] =	stream.indirect.scatter.add.f32 [tilespmem:s20], [sflag:$0x5], $0x80, s0, s16, $0xb8;
	[tilespmem:$0x1F000] =	vst v63  }
0x68: {  	_ =	swait.ge [sflag:s14], $0x1400  }
0x69: {  	[sflag:s14] =	ssyncset.done $0x0  }
0x6a: {  	[sflag:s14] =	ssyncadd.s32 $0xFFFFEC00  }
0x6b: {  	_ =	swait.ge [sflag:s25], $0x1400  }
0x6c: {  	[sflag:s25] =	ssyncset.done $0x0  }
0x6d: {  	s0 =	sadd.s32 $0xF0, s31;
	[sflag:s25] =	ssyncadd.s32 $0xFFFFEC00  }
0x6e: {  	[tilespmem:s20], [sflag:$0x3] =	stream.indirect.gather [hbm4b:s4+s16], $0x80, s0, s16, $0xb8;
	[tilespmem:$0x1F000] =	vst v63  }
.Ltmp0:
0x6f: {  	_ = 	snop;
	(pc) =	sbr.rel @p1 .LBB2_2-.Ltmp0, $4  }
0x70: {  	s0 =	sadd.s32 $0xA8, s29  }
0x71: {  	[spmem:s2] =	stream.indirect.scatter.add.f32 [tilespmem:s22], [sflag:$0x5], $0x80, s0, s16, $0xb8;
	[tilespmem:$0x1F000] =	vst v63  }
0x72: {  	_ =	swait.ge [sflag:s14], $0x1400  }
0x73: {  	[sflag:s14] =	ssyncset.done $0x0  }
0x74: {  	[sflag:s14] =	ssyncadd.s32 $0xFFFFEC00  }
0x75: {  	_ =	swait.ge [sflag:s21], $0x1400  }
0x76: {  	[sflag:s21] =	ssyncset.done $0x0  }
0x77: {  	s0 =	simm.s32 $0x2698;
	[sflag:s21] =	ssyncadd.s32 $0xFFFFEC00  }
0x78: {  	[tilespmem:s22], [sflag:$0x4] =	stream.indirect.gather [hbm4b:s4+s16], $0x80, s0, s16, $0xb8;
	[tilespmem:$0x1F000] =	vst v63  }
0x79: {  	s30 =	simm.s32 $0x6480  }
0x7a: {  	[spmem:s2] =	stream.indirect.scatter.add.f32 [tilespmem:s17], [sflag:$0x5], $0x80, s30, s16, $0xb8;
	[tilespmem:$0x1F000] =	vst v63  }
0x7b: {  	_ =	swait.ge [sflag:s14], $0x1400  }
0x7c: {  	[sflag:s14] =	ssyncset.done $0x0  }
0x7d: {  	[sflag:s14] =	ssyncadd.s32 $0xFFFFEC00  }
0x7e: {  	_ =	swait.ge [sflag:s23], $0x1400  }
0x7f: {  	[sflag:s23] =	ssyncset.done $0x0  }
0x80: {  	s31 =	simm.s32 $0x26C0;
	[sflag:s23] =	ssyncadd.s32 $0xFFFFEC00  }
0x81: {  	[tilespmem:s17], [sflag:$0x1] =	stream.indirect.gather [hbm4b:s4+s16], $0x80, s31, s16, $0xb8;
	[tilespmem:$0x1F000] =	vst v63  }
0x82: {  	s29 =	simm.s32 $0x64A8  }
0x83: {  	[spmem:s2] =	stream.indirect.scatter.add.f32 [tilespmem:s18], [sflag:$0x5], $0x80, s29, s16, $0xb8;
	[tilespmem:$0x1F000] =	vst v63  }
0x84: {  	_ =	swait.ge [sflag:s14], $0x1400  }
0x85: {  	[sflag:s14] =	ssyncset.done $0x0  }
0x86: {  	[sflag:s14] =	ssyncadd.s32 $0xFFFFEC00  }
0x87: {  	_ =	swait.ge [sflag:s24], $0x1400  }
0x88: {  	[sflag:s24] =	ssyncset.done $0x0  }
0x89: {  	s30 =	simm.s32 $0x26E8;
	[sflag:s24] =	ssyncadd.s32 $0xFFFFEC00  }
0x8a: {  	[tilespmem:s18], [sflag:$0x2] =	stream.indirect.gather [hbm4b:s4+s16], $0x80, s30, s16, $0xb8;
	[tilespmem:$0x1F000] =	vst v63  }
0x8b: {  	s31 =	simm.s32 $0x6500  }
0x8c: {  	[spmem:s2] =	stream.indirect.scatter.add.f32 [tilespmem:s20], [sflag:$0x5], $0x80, s31, s16, $0xb8;
	[tilespmem:$0x1F000] =	vst v63  }
0x8d: {  	_ =	swait.ge [sflag:s14], $0x1400  }
0x8e: {  	[sflag:s14] =	ssyncset.done $0x0  }
0x8f: {  	[sflag:s14] =	ssyncadd.s32 $0xFFFFEC00  }
0x90: {  	_ =	swait.ge [sflag:s25], $0x1400  }
0x91: {  	[sflag:s25] =	ssyncset.done $0x0  }
0x92: {  	[sflag:s25] =	ssyncadd.s32 $0xFFFFEC00  }
0x93: {  	[spmem:s2] =	stream.indirect.scatter.add.f32 [tilespmem:s22], [sflag:$0x5], $0x80, s1, s16, $0xb8;
	[tilespmem:$0x1F000] =	vst v63  }
0x94: {  	_ =	swait.ge [sflag:s14], $0x1400  }
0x95: {  	[sflag:s14] =	ssyncset.done $0x0  }
0x96: {  	[sflag:s14] =	ssyncadd.s32 $0xFFFFEC00  }
0x97: {  	_ =	swait.ge [sflag:s21], $0x1400  }
0x98: {  	[sflag:s21] =	ssyncset.done $0x0  }
0x99: {  	[sflag:s21] =	ssyncadd.s32 $0xFFFFEC00  }
0x9a: {  	[spmem:s2] =	stream.indirect.scatter.add.f32 [tilespmem:s17], [sflag:$0x5], $0x80, s19, s16, $0xb8;
	[tilespmem:$0x1F000] =	vst v63  }
0x9b: {  	_ =	swait.ge [sflag:s14], $0x1400  }
0x9c: {  	[sflag:s14] =	ssyncset.done $0x0  }
0x9d: {  	[sflag:s14] =	ssyncadd.s32 $0xFFFFEC00  }
0x9e: {  	_ =	swait.ge [sflag:s23], $0x1400  }
0x9f: {  	[sflag:s23] =	ssyncset.done $0x0  }
0xa0: {  	[sflag:s23] =	ssyncadd.s32 $0xFFFFEC00  }
0xa1: {  	[spmem:s2] =	stream.indirect.scatter.add.f32 [tilespmem:s18], [sflag:$0x5], $0x80, s26, s16, $0xb8;
	[tilespmem:$0x1F000] =	vst v63  }
0xa2: {  	_ =	swait.ge [sflag:s14], $0x1400  }
0xa3: {  	[sflag:s14] =	ssyncset.done $0x0  }
0xa4: {  	[sflag:s14] =	ssyncadd.s32 $0xFFFFEC00  }
0xa5: {  	[bflag:$0x0] =	sbarrier.arrive $0xFFFF  }
0xa6: {  	[hbm:s10], [sflag:s6] =	dma.local [spmem:s13], $0x2700  }
0xa7: {  	s28 =	sadd.s32 $0x1, s28;
	_ =	swait.ge [sflag:s14], $0x2700  }
0xa8: {  	p1 =	sne.s32 s28, s12;
	[sflag:s14] =	ssyncset.done $0x0  }
.Ltmp1:
0xa9: {  	s0 =	simm.s32 @!p0 $0x5;
	[sflag:s14] =	ssyncadd.s32 $0xFFFFD900;
	(pc) =	sbr.rel @p1 .LBB2_1-.Ltmp1, $4  }
0xaa: {  	[hbm:s11], [sflag:s6] =	dma.local @!p0 [spmem:s15], $0x100  }
0xab: {  	_ =	swait.ge @!p0 [sflag:s0], $0x100  }
0xac: {  	[sflag:s0] =	ssyncset.done @!p0 $0x0  }
0xad: {  	[sflag:s0] =	ssyncadd.s32 @!p0 $0xFFFFFF00  }
0xae: {  	_ =	sfence.sel $0x180000  }
0xaf: {  	[bflag:$0x0] =	sbarrier.arrive $0xFFFF  }
0xb0: {  	_ =	strace $0x9000004A  }
0xb1: {  	s0 =	stileid.u32;
	[bflag:$0x2] =	sbarrier.arrive $0xFFFF  }
0xb2: {  	p0 =	sne.s32 s0, $0x0;
	s0 =	rddreg [dreg:$0x2]  }
0xb3: {  	s0 =	sadd.s32 @!p0 $0x100000, s0  }
0xb4: {  	[sflag:s0] =	ssyncadd.tile.s32 @!p0 $0x1;
	_ =	shalt  }
.Lfunc_end2:
_tile_overlayer_lowered:
.L_overlay_start_2:
0xb5: {  	(tag) =	ssettag $0x2  }
0xb6: {  	s0 =	rddreg [dreg:$0x0];
	s2 =	stileid.u32  }
0xb7: {  	s1 =	rddreg [dreg:$0x1];
	p0 =	sne.s32 s2, $0x0  }
0xb8: {  	s3 =	rddreg [dreg:$0x2];
	[bflag:$0x3] =	sbarrier.arrive $0xFFFF;
	s2 =	simm.s32 @!p0 $0x1C05  }
0xb9: {  	[timem:s3], [sflag:s2] =	dma.local @!p0 [hbm:s0], s1  }
0xba: {  	s0 =	simm.s32 @!p0 $0x5  }
0xbb: {  	_ =	swait.ge @!p0 [sflag:s0], s1  }
0xbc: {  	s1 =	ssub.s32 @!p0 $0x0, s1;
	[sflag:s0] =	ssyncset.done @!p0 $0x0  }
0xbd: {  	[sflag:s0] =	ssyncadd.s32 @!p0 s1  }
0xbe: {  	[bflag:$0x3] =	sbarrier.arrive $0xFFFF  }
0xbf: {  	_ =	shalt  }

// kernel: kernel.14.cloned.1.call-start
scs
__scs_entry_jumppad:
0x0: {  	(pc) =	sbr.rel $0x88, $3  }
0x1: {  	(tag) =	ssettag $0x0;
	lr =	simm.s32 $0x1  }
0x2: {  	[smem:$0x3F8E] =	sst lr;
	_ =	strace $0xD0000000  }
0x3: {  	_ = 	snop  }
0x4: {  	_ = 	snop  }
0x5: {  	_ = 	snop  }
0x6: {  	_ = 	snop  }
0x7: {  	_ = 	snop  }
__scs_overlays_trampoline_lowered:
0x8: {  	[smem:$0x3F9D] =	sst s0  }
0x9: {  	[smem:$0x3F9E] =	sst s1  }
0xa: {  	[smem:$0x3F9F] =	sst s2  }
0xb: {  	[smem:$0x3FA0] =	sst s3  }
0xc: {  	[smem:$0x3FA1] =	sst s4  }
0xd: {  	[smem:$0x3FA2] =	sst s5  }
0xe: {  	[smem:$0x3FA3] =	sst s6  }
0xf: {  	[smem:$0x3FA4] =	sst s7  }
0x10: {  	[smem:$0x3FA5] =	sst s8  }
0x11: {  	[smem:$0x3FA6] =	sst s9;
	s0 =	simm.s32 @!p0 $0x0  }
0x12: {  	s1 =	sld [smem:$0x3F8C];
	s0 =	simm.s32 @p0 $0x1  }
0x13: {  	[smem:$0x3FA7] =	sst s0;
	s0 =	simm.s32 @!p1 $0x0  }
0x14: {  	s2 =	sld [smem:$0x3F8B];
	s0 =	simm.s32 @p1 $0x1  }
0x15: {  	[smem:$0x3FA8] =	sst s0;
	s0 =	simm.s32 @!p2 $0x0  }
0x16: {  	s3 =	sld [smem:$0x3FDB];
	s0 =	simm.s32 @p2 $0x1  }
0x17: {  	s4 =	simm.s32 $0x1BF5;
	[smem:$0x3FAA] =	sst s0  }
0x18: {  	s0 =	sld [smem:$0x3F8D];
	_ =	swait.ge [sflag:s4], $0x0  }
0x19: {  	s7 =	sld [smem:$0x3F8E]  }
0x1a: {  	s8 =	sadd.s32 $0xFFFFE003, lr  }
0x1b: {  	s9 =	sadd.s32 $0xFFFFFEF7, lr;
	s5 =	simm.s32 $0xFFFFFFFF;
	p2 =	slt.u32 s8, $0xFFFFF086  }
0x1c: {  	p1 =	slt.u32 s9, $0xF7A;
	s5 =	simm.s32 @!p2 $0x0  }
0x1d: {  	s5 =	simm.s32 @p1 $0x1;
	p0 =	seq.s32 s7, s2  }
0x1e: {  	s7 =	smul.u32 @!p0 $0xF7A, s2;
	p2 =	seq.s32 @!p0 s5, $0x0  }
0x1f: {  	s9 =	smul.u32 $0xF7A, s1;
	s8 =	simm.s32 @!p0 $0x1BF5;
	p2 =	por !p2, p0  }
0x20: {  	[sflag:s8] =	ssyncset.s32 @!p0 $0xFFFFF086;
	s6 =	sadd.s32 @!p0 s3, s7;
	s7 =	simm.s32 @!p0 $0x108  }
0x21: {  	s3 =	sadd.s32 s3, s9;
	s6 =	sadd.s32 @!p0 $0x88, s6;
	s7 =	simm.s32 @p2 $0x1082  }
0x22: {  	[simem:s7], [sflag:s8] =	dma.local @!p0 [hbm:s6], $0xF7A  }
0x23: {  	s9 =	sor.u32 $0xD0000000, s2;
	s6 =	simm.s32 $0x108;
	_ =	swait.ge @!p0 [sflag:s8], $0x0  }
0x24: {  	s3 =	sadd.s32 $0x88, s3;
	s6 =	simm.s32 @!p1 $0x1082;
	[sflag:s4] =	ssyncset.s32 $0xFFFFF086  }
0x25: {  	[simem:s6], [sflag:s4] =	dma.local [hbm:s3], $0xF7A  }
0x26: {  	[smem:$0x3F8E] =	sst s1;
	(tag) =	ssettag s2;
	_ =	strace s9  }
0x27: {  	s1 =	sld [smem:$0x3F9E]  }
0x28: {  	s2 =	sld [smem:$0x3F9F]  }
0x29: {  	s4 =	sld [smem:$0x3FA1]  }
0x2a: {  	p0 =	seq.s32 s5, $0x0;
	s5 =	sld [smem:$0x3FA2]  }
0x2b: {  	s6 =	sld [smem:$0x3FA3]  }
0x2c: {  	s7 =	sld [smem:$0x3FA4]  }
0x2d: {  	s3 =	simm.s32 $0x108;
	s8 =	sld [smem:$0x3FA5]  }
0x2e: {  	s3 =	simm.s32 @!p0 $0x1082;
	s9 =	sld [smem:$0x3FA6]  }
0x2f: {  	lr =	sadd.s32 s0, s3;
	s0 =	sld [smem:$0x3F9D]  }
0x30: {  	s3 =	sld [smem:$0x3FA0]  }
0x31: {  	[smem:$0x3FA9] =	sst s10  }
0x32: {  	s10 =	sld [smem:$0x3FA7];
	_ =	sdelay $0x3  }
0x33: {  	p0 =	seq.s32 s10, $0x1;
	s10 =	sld [smem:$0x3FA9];
	_ =	sdelay $0x3  }
0x34: {  	[smem:$0x3FA9] =	sst s10  }
0x35: {  	s10 =	sld [smem:$0x3FA8];
	_ =	sdelay $0x3  }
0x36: {  	p1 =	seq.s32 s10, $0x1;
	s10 =	sld [smem:$0x3FA9];
	_ =	sdelay $0x3  }
0x37: {  	[smem:$0x3FA9] =	sst s10  }
0x38: {  	s10 =	sld [smem:$0x3FAA]  }
0x39: {  	_ = 	snop;
	(pc) =	sbr.ind lr, $3  }
0x3a: {  	_ = 	snop  }
0x3b: {  	_ = 	snop  }
0x3c: {  	p2 =	seq.s32 s10, $0x1;
	s10 =	sld [smem:$0x3FA9]  }
0x3d: {  	_ =	shalt  }
0x3e: {  	_ =	shalt  }
0x3f: {  	_ =	shalt  }
0x40: {  	_ =	shalt  }
0x41: {  	_ =	shalt  }
0x42: {  	_ =	shalt  }
0x43: {  	_ =	shalt  }
0x44: {  	_ =	shalt  }
0x45: {  	_ =	shalt  }
0x46: {  	_ =	shalt  }
0x47: {  	_ =	shalt  }
0x48: {  	_ =	shalt  }
0x49: {  	_ =	shalt  }
0x4a: {  	_ =	shalt  }
0x4b: {  	_ =	shalt  }
0x4c: {  	_ =	shalt  }
0x4d: {  	_ =	shalt  }
0x4e: {  	_ =	shalt  }
0x4f: {  	_ =	shalt  }
0x50: {  	_ =	shalt  }
0x51: {  	_ =	shalt  }
0x52: {  	_ =	shalt  }
0x53: {  	_ =	shalt  }
0x54: {  	_ =	shalt  }
0x55: {  	_ =	shalt  }
0x56: {  	_ =	shalt  }
0x57: {  	_ =	shalt  }
0x58: {  	_ =	shalt  }
0x59: {  	_ =	shalt  }
0x5a: {  	_ =	shalt  }
0x5b: {  	_ =	shalt  }
0x5c: {  	_ =	shalt  }
0x5d: {  	_ =	shalt  }
0x5e: {  	_ =	shalt  }
0x5f: {  	_ =	shalt  }
0x60: {  	_ =	shalt  }
0x61: {  	_ =	shalt  }
0x62: {  	_ =	shalt  }
0x63: {  	_ =	shalt  }
0x64: {  	_ =	shalt  }
0x65: {  	_ =	shalt  }
0x66: {  	_ =	shalt  }
0x67: {  	_ =	shalt  }
0x68: {  	_ =	shalt  }
0x69: {  	_ =	shalt  }
0x6a: {  	_ =	shalt  }
0x6b: {  	_ =	shalt  }
0x6c: {  	_ =	shalt  }
0x6d: {  	_ =	shalt  }
0x6e: {  	_ =	shalt  }
0x6f: {  	_ =	shalt  }
0x70: {  	_ =	shalt  }
0x71: {  	_ =	shalt  }
0x72: {  	_ =	shalt  }
0x73: {  	_ =	shalt  }
0x74: {  	_ =	shalt  }
0x75: {  	_ =	shalt  }
0x76: {  	_ =	shalt  }
0x77: {  	_ =	shalt  }
0x78: {  	_ =	shalt  }
0x79: {  	_ =	shalt  }
0x7a: {  	_ =	shalt  }
0x7b: {  	_ =	shalt  }
0x7c: {  	_ =	shalt  }
0x7d: {  	_ =	shalt  }
0x7e: {  	_ =	shalt  }
0x7f: {  	_ =	shalt  }
0x80: {  	_ =	shalt  }
0x81: {  	_ =	shalt  }
0x82: {  	_ =	shalt  }
0x83: {  	_ =	shalt  }
0x84: {  	_ =	shalt  }
0x85: {  	_ =	shalt  }
0x86: {  	_ =	shalt  }
0x87: {  	_ =	shalt  }
.Lfunc_end0:
.L_simem_size_0:
called_computation.2_lowered:
.L_overlay_start_0:
0x88: {  	s2 =	sld [smem:$0x3FD9]  }
0x89: {  	s3 =	sld [smem:$0x3FFE];
	_ =	sdelay $0x1  }
0x8a: {  	s1 =	srdreg.scid  }
0x8b: {  	s0 =	sand.u32 $0x1, s1  }
0x8c: {  	s16 =	sshll.u32 s0, $0xA;
	s2 =	sadd.s32 s3, s2  }
0x8d: {  	s2 =	sadd.s32 s2, s16  }
0x8e: {  	[smem:$0x3FB5] =	sst s2  }
0x8f: {  	_ = 	snop  }
0x90: {  	(tm) =	ssettm $0x1  }
0x91: {  	s17 =	sld [smem:$0x3FFB];
	_ =	sdelay $0x3  }
0x92: {  	_ =	strace s17  }
0x93: {  	s2 =	sld [smem:$0x3FFC];
	_ =	sdelay $0x3  }
0x94: {  	_ =	strace s2  }
0x95: {  	s2 =	sld [smem:$0x3FFD];
	_ =	sdelay $0x3  }
0x96: {  	_ =	strace s2  }
0x97: {  	_ =	strace $0x8FFFFFFF  }
0x98: {  	s18 =	sld [smem:$0x3FDB];
	_ =	sdelay $0x1  }
0x99: {  	s19 =	simm.s32 $_scs_section_size  }
0x9a: {  	s4 =	simm.s32 $_size__tile_overlayer_lowered;
	s5 =	simm.s32 $_tile_overlayer_lowered  }
0x9b: {  	s22 =	simm.s32 $0x1BFF;
	s21 =	sshll.u32 s5, $0x1;
	s2 =	sadd.s32 s19, s18  }
0x9c: {  	s6 =	simm.s32 $0x0;
	s20 =	sshll.u32 s4, $0x1;
	s4 =	sadd.s32 s21, s2  }
0x9d: {  	[timem:s6], [sflag:s22] =	dma.local [hbm:s4], s20  }
0x9e: {  	_ =	swait.ge [sflag:s22], s20  }
0x9f: {  	s3 =	ssub.s32 $0x0, s20;
	[sflag:s22] =	ssyncset.done $0x0  }
0xa0: {  	[sflag:s22] =	ssyncadd.s32 s3;
	_ =	sdelay $0x1  }
0xa1: {  	s23 =	simm.s32 $0x1B8B  }
0xa2: {  	_ =	swait.ge [sflag:s23], $0x1  }
0xa3: {  	[sflag:s23] =	ssyncset.done $0x0  }
0xa4: {  	s25 =	simm.s32 $0x1B8E;
	s24 =	sld [smem:$0x3FFE];
	[sflag:s23] =	ssyncadd.s32 $0xFFFFFFFF  }
0xa5: {  	s26 =	simm.s32 $execute0_lowered;
	[smem:$0x3FD2] =	sst s25  }
0xa6: {  	s4 =	sshll.u32 s26, $0x1;
	_ =	strace $0x8000004C;
	[dreg:$0x1] =	wrdreg $0xFFFFFFFF  }
0xa7: {  	s28 =	simm.s32 $_size_execute0_lowered;
	s2 =	sadd.s32 s2, s4;
	[dreg:$0x0] =	wrdreg $0x0  }
0xa8: {  	s4 =	sshll.u32 s28, $0x1;
	[dreg:$0x2] =	wrdreg s2  }
0xa9: {  	[dreg:$0x3] =	wrdreg s4  }
0xaa: {  	[dreg:$0x4] =	wrdreg $0xC0  }
0xab: {  	_ =	task [dreg:s6], $0x5FFFF  }
0xac: {  	[dreg:$0x1] =	wrdreg $0xFFFFFFFF  }
0xad: {  	[dreg:$0x0] =	wrdreg $0x60  }
0xae: {  	[dreg:$0x2] =	wrdreg s24  }
0xaf: {  	[dreg:$0x3] =	wrdreg $0xB7800  }
0xb0: {  	[dreg:$0x4] =	wrdreg $0x9  }
0xb1: {  	_ =	task.clear_ibuf [dreg:s6], $0x5FFFF;
	_ =	strace $0x9000004C  }
0xb2: {  	s29 =	simm.s32 $0x9;
	_ =	strace $0x8000004E  }
0xb3: {  	_ =	swait.ge [sflag:s29], $0x1  }
0xb4: {  	[sflag:s29] =	ssyncadd.s32 $0xFFFFFFFF  }
0xb5: {  	_ =	strace $0x9000004E  }
0xb6: {  	_ =	sfence  }
0xb7: {  	s30 =	sld [smem:$0x0];
	_ =	sdelay $0x2  }
0xb8: {  	s31 =	sshll.u32 s1, $0xD;
	s1 =	sshrl.u32 s1, $0x2  }
0xb9: {  	s3 =	sand.u32 $0x4000, s31;
	s1 =	sadd.s32 s1, s30  }
0xba: {  	s0 =	sor.u32 s3, s0;
	s1 =	sshll.u32 s1, $0x11  }
0xbb: {  	s0 =	sor.u32 s1, s0  }
0xbc: {  	s0 =	sadd.s32 $0x8F2B, s0  }
0xbd: {  	[sflag:s0] =	ssyncadd.remote.s32 $0x1  }
0xbe: {  	_ =	sfence.sel $0xFFFF  }
0xbf: {  	[dreg:$0x0] =	wrdreg $0xFFFFFFFF;
	(pc) =	sbr.abs _section_cstart, $3  }
0xc0: {  	[dreg:$0x1] =	wrdreg $0xFFFFFFFF  }
0xc1: {  	_ =	task.clear_ibuf [dreg:s6], $0x2FFFF;
	_ =	strace $0x9FFFFFFF  }
0xc2: {  	(tm) =	ssettm $0x7FFFFFFF  }
0xc3: {  	_ =	shalt  }
tec
execute0_lowered:
.L_overlay_start_1:
0x0: {  	(tag) =	ssettag $0x1  }
0x1: {  	s1 =	rddreg [dreg:$0x0]  }
0x2: {  	s0 =	srdreg.scid;
	s2 =	rddreg [dreg:$0x1]  }
0x3: {  	s16 =	stileid.u32;
	s3 =	simm.s32 $0x0;
	s17 =	simm.s32 $0x6780  }
0x4: {  	s18 =	simm.s32 $0x7B80;
	s20 =	simm.s32 $0x8F80;
	s21 =	simm.s32 $0x1  }
0x5: {  	s22 =	simm.s32 $0xA380;
	s23 =	simm.s32 $0x2;
	s24 =	simm.s32 $0x3  }
0x6: {  	s25 =	simm.s32 $0x4;
	s19 =	simm.s32 $0x6580;
	s28 =	simm.s32 $0x0  }
0x7: {  	s0 =	sand.u32 $0x1, s0;
	[smem:$0x7FF] =	sst s3;
	s9 =	smul.u32 $0x13800, s16  }
0x8: {  	s26 =	smul.u32 $0x4E000, s16;
	s12 =	sadd.s32 $0x6BE00, s1;
	s30 =	sshll.u32 s16, $0x6  }
0x9: {  	s15 =	sadd.s32 $0x138000, s2;
	p0 =	sne.s32 s16, $0xF;
	s4 =	sshll.u32 s0, $0x4  }
0xa: {  	_ =	strace $0x8000004D;
	s7 =	ssub.s32 $0x2, s0;
	s0 =	smul.u32 $0x138800, s0  }
0xb: {  	s15 =	sshrl.u32 @!p0 s15, $0x3;
	s5 =	sor.u32 s16, s4;
	s4 =	sadd.s32 $0x44C00, s1  }
0xc: {  	s29 =	sshrl.u32 s9, $0x3;
	s11 =	sshrl.u32 s7, $0x1;
	s16 =	simm.s32 $0x28  }
0xd: {  	s6 =	smul.u32 $0x4E2, s5;
	s5 =	sshll.u32 s5, $0xB;
	s13 =	ssub.s32 s7, s11  }
0xe: {  	s7 =	sadd.s32 $0x44A00, s1;
	s31 =	sadd.s32 s9, s0;
	s0 =	sshrl.u32 s0, $0x3  }
0xf: {  	s10 =	sadd.s32 s5, s1;
	s5 =	sadd.s32 s29, s1;
	s0 =	sadd.s32 s12, s0  }
0x10: {  	s8 =	sadd.s32 s6, s1;
	s6 =	sshrl.u32 s26, $0x2;
	s5 =	sadd.s32 $0x1DA00, s5  }
0x11: {  	s9 =	sadd.s32 $0xDA00, s10;
	s1 =	sshrl.u32 s31, $0x3;
	s11 =	sadd.s32 $0x27000, s0  }
0x12: {  	s26 =	simm.s32 $0x65A8;
	s14 =	sadd.s32 s6, s2;
	s6 =	sor.u32 $0x1C05, s30  }
0x13: {  	s8 =	sadd.s32 $0x3C00, s8;
	s10 =	sadd.s32 s12, s1;
	s12 =	smax.u32 s13, $0x1  }
0x14: {  	s1 =	simm.s32 $0x6528;
	s13 =	sshrl.u32 s14, $0x3;
	s14 =	simm.s32 $0x5  }
.LBB2_1:
0x15: {  	[spmem:s13], [sflag:s6] =	dma.local [hbm:s5], $0x2700  }
0x16: {  	_ =	swait.ge [sflag:s14], $0x2700  }
0x17: {  	[sflag:s14] =	ssyncset.done $0x0  }
0x18: {  	s29 =	simm.s32 @!p0 $0x5;
	[sflag:s14] =	ssyncadd.s32 $0xFFFFD900  }
0x19: {  	[spmem:s15], [sflag:s6] =	dma.local @!p0 [hbm:s7], $0x100  }
0x1a: {  	_ =	swait.ge @!p0 [sflag:s29], $0x100  }
0x1b: {  	[sflag:s29] =	ssyncset.done @!p0 $0x0  }
0x1c: {  	[sflag:s29] =	ssyncadd.s32 @!p0 $0xFFFFFF00  }
0x1d: {  	[tilespmem:s3], [sflag:$0x5] =	stream.linear.gather [hbm4b:s8+s3], $0x2710, $0x38;
	[tilespmem:$0x1F000] =	vst v63  }
0x1e: {  	_ =	swait.ge [sflag:s14], $0x2710  }
0x1f: {  	[sflag:s14] =	ssyncset.done $0x0  }
0x20: {  	s29 =	simm.s32 $0x2780;
	[sflag:s14] =	ssyncadd.s32 $0xFFFFD8F0  }
0x21: {  	[tilespmem:s29], [sflag:$0x5] =	stream.linear.gather [hbm4b:s9+s3], $0x3E80, $0x38;
	[tilespmem:$0x1F000] =	vst v63  }
0x22: {  	_ =	swait.ge [sflag:s14], $0x3E80  }
0x23: {  	[sflag:s14] =	ssyncset.done $0x0  }
0x24: {  	[sflag:s14] =	ssyncadd.s32 $0xFFFFC180  }
0x25: {  	[bflag:$0x0] =	sbarrier.arrive $0xFFFF  }
0x26: {  	[tilespmem:s17], [sflag:$0x1] =	stream.indirect.gather [hbm4b:s4+s16], $0x80, s3, s16, $0xb8;
	[tilespmem:$0x1F000] =	vst v63  }
0x27: {  	_ = 	snop  }
0x28: {  	[tilespmem:s18], [sflag:$0x2] =	stream.indirect.gather [hbm4b:s4+s16], $0x80, s16, s16, $0xb8;
	[tilespmem:$0x1F000] =	vst v63  }
0x29: {  	s0 =	simm.s32 $0x50  }
0x2a: {  	[tilespmem:s20], [sflag:$0x3] =	stream.indirect.gather [hbm4b:s4+s16], $0x80, s0, s16, $0xb8;
	[tilespmem:$0x1F000] =	vst v63  }
0x2b: {  	_ =	swait.ge [sflag:s21], $0x1400  }
0x2c: {  	[sflag:s21] =	ssyncset.done $0x0  }
0x2d: {  	s30 =	simm.s32 $0x78;
	[sflag:s21] =	ssyncadd.s32 $0xFFFFEC00  }
0x2e: {  	[tilespmem:s22], [sflag:$0x4] =	stream.indirect.gather [hbm4b:s4+s16], $0x80, s30, s16, $0xb8;
	[tilespmem:$0x1F000] =	vst v63  }
0x2f: {  	_ = 	snop  }
0x30: {  	[spmem:s2] =	stream.indirect.scatter.add.f32 [tilespmem:s17], [sflag:$0x5], $0x80, s29, s16, $0xb8;
	[tilespmem:$0x1F000] =	vst v63  }
0x31: {  	_ =	swait.ge [sflag:s14], $0x1400  }
0x32: {  	[sflag:s14] =	ssyncset.done $0x0  }
0x33: {  	[sflag:s14] =	ssyncadd.s32 $0xFFFFEC00  }
0x34: {  	_ =	swait.ge [sflag:s23], $0x1400  }
0x35: {  	[sflag:s23] =	ssyncset.done $0x0  }
0x36: {  	s30 =	simm.s32 $0xA0;
	[sflag:s23] =	ssyncadd.s32 $0xFFFFEC00  }
0x37: {  	[tilespmem:s17], [sflag:$0x1] =	stream.indirect.gather [hbm4b:s4+s16], $0x80, s30, s16, $0xb8;
	[tilespmem:$0x1F000] =	vst v63  }
0x38: {  	s30 =	simm.s32 $0x27A8  }
0x39: {  	[spmem:s2] =	stream.indirect.scatter.add.f32 [tilespmem:s18], [sflag:$0x5], $0x80, s30, s16, $0xb8;
	[tilespmem:$0x1F000] =	vst v63  }
0x3a: {  	_ =	swait.ge [sflag:s14], $0x1400  }
0x3b: {  	[sflag:s14] =	ssyncset.done $0x0  }
0x3c: {  	[sflag:s14] =	ssyncadd.s32 $0xFFFFEC00  }
0x3d: {  	_ =	swait.ge [sflag:s24], $0x1400  }
0x3e: {  	[sflag:s24] =	ssyncset.done $0x0  }
0x3f: {  	s30 =	simm.s32 $0xC8;
	[sflag:s24] =	ssyncadd.s32 $0xFFFFEC00  }
0x40: {  	[tilespmem:s18], [sflag:$0x2] =	stream.indirect.gather [hbm4b:s4+s16], $0x80, s30, s16, $0xb8;
	[tilespmem:$0x1F000] =	vst v63  }
0x41: {  	s30 =	simm.s32 $0x2800  }
0x42: {  	[spmem:s2] =	stream.indirect.scatter.add.f32 [tilespmem:s20], [sflag:$0x5], $0x80, s30, s16, $0xb8;
	[tilespmem:$0x1F000] =	vst v63  }
0x43: {  	_ =	swait.ge [sflag:s14], $0x1400  }
0x44: {  	[sflag:s14] =	ssyncset.done $0x0  }
0x45: {  	[sflag:s14] =	ssyncadd.s32 $0xFFFFEC00  }
0x46: {  	_ =	swait.ge [sflag:s25], $0x1400  }
0x47: {  	[sflag:s25] =	ssyncset.done $0x0  }
0x48: {  	s30 =	simm.s32 $0xF0;
	[sflag:s25] =	ssyncadd.s32 $0xFFFFEC00  }
0x49: {  	[tilespmem:s20], [sflag:$0x3] =	stream.indirect.gather [hbm4b:s4+s16], $0x80, s30, s16, $0xb8;
	[tilespmem:$0x1F000] =	vst v63  }
0x4a: {  	s30 =	simm.s32 $0x2828  }
0x4b: {  	[spmem:s2] =	stream.indirect.scatter.add.f32 [tilespmem:s22], [sflag:$0x5], $0x80, s30, s16, $0xb8;
	[tilespmem:$0x1F000] =	vst v63  }
0x4c: {  	_ =	swait.ge [sflag:s14], $0x1400  }
0x4d: {  	s30 =	simm.s32 $0x280;
	[sflag:s14] =	ssyncset.done $0x0  }
.LBB2_2:
0x4e: {  	p1 =	sne.s32 s30, $0x9600;
	[sflag:s14] =	ssyncadd.s32 $0xFFFFEC00;
	s29 =	sadd.s32 $0x100, s29  }
0x4f: {  	s31 =	smov.u32 s30;
	s30 =	sadd.s32 $0x280, s30  }
0x50: {  	_ =	swait.ge [sflag:s21], $0x1400  }
0x51: {  	s31 =	sshra.s32 s31, $0x2;
	[sflag:s21] =	ssyncset.done $0x0  }
0x52: {  	s0 =	sadd.s32 $0x78, s31;
	[sflag:s21] =	ssyncadd.s32 $0xFFFFEC00  }
0x53: {  	[tilespmem:s22], [sflag:$0x4] =	stream.indirect.gather [hbm4b:s4+s16], $0x80, s0, s16, $0xb8;
	[tilespmem:$0x1F000] =	vst v63  }
0x54: {  	_ = 	snop  }
0x55: {  	[spmem:s2] =	stream.indirect.scatter.add.f32 [tilespmem:s17], [sflag:$0x5], $0x80, s29, s16, $0xb8;
	[tilespmem:$0x1F000] =	vst v63  }
0x56: {  	_ =	swait.ge [sflag:s14], $0x1400  }
0x57: {  	[sflag:s14] =	ssyncset.done $0x0  }
0x58: {  	[sflag:s14] =	ssyncadd.s32 $0xFFFFEC00  }
0x59: {  	_ =	swait.ge [sflag:s23], $0x1400  }
0x5a: {  	[sflag:s23] =	ssyncset.done $0x0  }
0x5b: {  	s0 =	sadd.s32 $0xA0, s31;
	[sflag:s23] =	ssyncadd.s32 $0xFFFFEC00  }
0x5c: {  	[tilespmem:s17], [sflag:$0x1] =	stream.indirect.gather [hbm4b:s4+s16], $0x80, s0, s16, $0xb8;
	[tilespmem:$0x1F000] =	vst v63  }
0x5d: {  	s0 =	sadd.s32 $0x28, s29  }
0x5e: {  	[spmem:s2] =	stream.indirect.scatter.add.f32 [tilespmem:s18], [sflag:$0x5], $0x80, s0, s16, $0xb8;
	[tilespmem:$0x1F000] =	vst v63  }
0x5f: {  	_ =	swait.ge [sflag:s14], $0x1400  }
0x60: {  	[sflag:s14] =	ssyncset.done $0x0  }
0x61: {  	[sflag:s14] =	ssyncadd.s32 $0xFFFFEC00  }
0x62: {  	_ =	swait.ge [sflag:s24], $0x1400  }
0x63: {  	[sflag:s24] =	ssyncset.done $0x0  }
0x64: {  	s0 =	sadd.s32 $0xC8, s31;
	[sflag:s24] =	ssyncadd.s32 $0xFFFFEC00  }
0x65: {  	[tilespmem:s18], [sflag:$0x2] =	stream.indirect.gather [hbm4b:s4+s16], $0x80, s0, s16, $0xb8;
	[tilespmem:$0x1F000] =	vst v63  }
0x66: {  	s0 =	sadd.s32 $0x80, s29  }
0x67: {  	[spmem:s2] =	stream.indirect.scatter.add.f32 [tilespmem:s20], [sflag:$0x5], $0x80, s0, s16, $0xb8;
	[tilespmem:$0x1F000] =	vst v63  }
0x68: {  	_ =	swait.ge [sflag:s14], $0x1400  }
0x69: {  	[sflag:s14] =	ssyncset.done $0x0  }
0x6a: {  	[sflag:s14] =	ssyncadd.s32 $0xFFFFEC00  }
0x6b: {  	_ =	swait.ge [sflag:s25], $0x1400  }
0x6c: {  	[sflag:s25] =	ssyncset.done $0x0  }
0x6d: {  	s0 =	sadd.s32 $0xF0, s31;
	[sflag:s25] =	ssyncadd.s32 $0xFFFFEC00  }
0x6e: {  	[tilespmem:s20], [sflag:$0x3] =	stream.indirect.gather [hbm4b:s4+s16], $0x80, s0, s16, $0xb8;
	[tilespmem:$0x1F000] =	vst v63  }
.Ltmp0:
0x6f: {  	_ = 	snop;
	(pc) =	sbr.rel @p1 .LBB2_2-.Ltmp0, $4  }
0x70: {  	s0 =	sadd.s32 $0xA8, s29  }
0x71: {  	[spmem:s2] =	stream.indirect.scatter.add.f32 [tilespmem:s22], [sflag:$0x5], $0x80, s0, s16, $0xb8;
	[tilespmem:$0x1F000] =	vst v63  }
0x72: {  	_ =	swait.ge [sflag:s14], $0x1400  }
0x73: {  	[sflag:s14] =	ssyncset.done $0x0  }
0x74: {  	[sflag:s14] =	ssyncadd.s32 $0xFFFFEC00  }
0x75: {  	_ =	swait.ge [sflag:s21], $0x1400  }
0x76: {  	[sflag:s21] =	ssyncset.done $0x0  }
0x77: {  	s0 =	simm.s32 $0x2698;
	[sflag:s21] =	ssyncadd.s32 $0xFFFFEC00  }
0x78: {  	[tilespmem:s22], [sflag:$0x4] =	stream.indirect.gather [hbm4b:s4+s16], $0x80, s0, s16, $0xb8;
	[tilespmem:$0x1F000] =	vst v63  }
0x79: {  	s30 =	simm.s32 $0x6480  }
0x7a: {  	[spmem:s2] =	stream.indirect.scatter.add.f32 [tilespmem:s17], [sflag:$0x5], $0x80, s30, s16, $0xb8;
	[tilespmem:$0x1F000] =	vst v63  }
0x7b: {  	_ =	swait.ge [sflag:s14], $0x1400  }
0x7c: {  	[sflag:s14] =	ssyncset.done $0x0  }
0x7d: {  	[sflag:s14] =	ssyncadd.s32 $0xFFFFEC00  }
0x7e: {  	_ =	swait.ge [sflag:s23], $0x1400  }
0x7f: {  	[sflag:s23] =	ssyncset.done $0x0  }
0x80: {  	s31 =	simm.s32 $0x26C0;
	[sflag:s23] =	ssyncadd.s32 $0xFFFFEC00  }
0x81: {  	[tilespmem:s17], [sflag:$0x1] =	stream.indirect.gather [hbm4b:s4+s16], $0x80, s31, s16, $0xb8;
	[tilespmem:$0x1F000] =	vst v63  }
0x82: {  	s29 =	simm.s32 $0x64A8  }
0x83: {  	[spmem:s2] =	stream.indirect.scatter.add.f32 [tilespmem:s18], [sflag:$0x5], $0x80, s29, s16, $0xb8;
	[tilespmem:$0x1F000] =	vst v63  }
0x84: {  	_ =	swait.ge [sflag:s14], $0x1400  }
0x85: {  	[sflag:s14] =	ssyncset.done $0x0  }
0x86: {  	[sflag:s14] =	ssyncadd.s32 $0xFFFFEC00  }
0x87: {  	_ =	swait.ge [sflag:s24], $0x1400  }
0x88: {  	[sflag:s24] =	ssyncset.done $0x0  }
0x89: {  	s30 =	simm.s32 $0x26E8;
	[sflag:s24] =	ssyncadd.s32 $0xFFFFEC00  }
0x8a: {  	[tilespmem:s18], [sflag:$0x2] =	stream.indirect.gather [hbm4b:s4+s16], $0x80, s30, s16, $0xb8;
	[tilespmem:$0x1F000] =	vst v63  }
0x8b: {  	s31 =	simm.s32 $0x6500  }
0x8c: {  	[spmem:s2] =	stream.indirect.scatter.add.f32 [tilespmem:s20], [sflag:$0x5], $0x80, s31, s16, $0xb8;
	[tilespmem:$0x1F000] =	vst v63  }
0x8d: {  	_ =	swait.ge [sflag:s14], $0x1400  }
0x8e: {  	[sflag:s14] =	ssyncset.done $0x0  }
0x8f: {  	[sflag:s14] =	ssyncadd.s32 $0xFFFFEC00  }
0x90: {  	_ =	swait.ge [sflag:s25], $0x1400  }
0x91: {  	[sflag:s25] =	ssyncset.done $0x0  }
0x92: {  	[sflag:s25] =	ssyncadd.s32 $0xFFFFEC00  }
0x93: {  	[spmem:s2] =	stream.indirect.scatter.add.f32 [tilespmem:s22], [sflag:$0x5], $0x80, s1, s16, $0xb8;
	[tilespmem:$0x1F000] =	vst v63  }
0x94: {  	_ =	swait.ge [sflag:s14], $0x1400  }
0x95: {  	[sflag:s14] =	ssyncset.done $0x0  }
0x96: {  	[sflag:s14] =	ssyncadd.s32 $0xFFFFEC00  }
0x97: {  	_ =	swait.ge [sflag:s21], $0x1400  }
0x98: {  	[sflag:s21] =	ssyncset.done $0x0  }
0x99: {  	[sflag:s21] =	ssyncadd.s32 $0xFFFFEC00  }
0x9a: {  	[spmem:s2] =	stream.indirect.scatter.add.f32 [tilespmem:s17], [sflag:$0x5], $0x80, s19, s16, $0xb8;
	[tilespmem:$0x1F000] =	vst v63  }
0x9b: {  	_ =	swait.ge [sflag:s14], $0x1400  }
0x9c: {  	[sflag:s14] =	ssyncset.done $0x0  }
0x9d: {  	[sflag:s14] =	ssyncadd.s32 $0xFFFFEC00  }
0x9e: {  	_ =	swait.ge [sflag:s23], $0x1400  }
0x9f: {  	[sflag:s23] =	ssyncset.done $0x0  }
0xa0: {  	[sflag:s23] =	ssyncadd.s32 $0xFFFFEC00  }
0xa1: {  	[spmem:s2] =	stream.indirect.scatter.add.f32 [tilespmem:s18], [sflag:$0x5], $0x80, s26, s16, $0xb8;
	[tilespmem:$0x1F000] =	vst v63  }
0xa2: {  	_ =	swait.ge [sflag:s14], $0x1400  }
0xa3: {  	[sflag:s14] =	ssyncset.done $0x0  }
0xa4: {  	[sflag:s14] =	ssyncadd.s32 $0xFFFFEC00  }
0xa5: {  	[bflag:$0x0] =	sbarrier.arrive $0xFFFF  }
0xa6: {  	[hbm:s10], [sflag:s6] =	dma.local [spmem:s13], $0x2700  }
0xa7: {  	s28 =	sadd.s32 $0x1, s28;
	_ =	swait.ge [sflag:s14], $0x2700  }
0xa8: {  	p1 =	sne.s32 s28, s12;
	[sflag:s14] =	ssyncset.done $0x0  }
.Ltmp1:
0xa9: {  	s0 =	simm.s32 @!p0 $0x5;
	[sflag:s14] =	ssyncadd.s32 $0xFFFFD900;
	(pc) =	sbr.rel @p1 .LBB2_1-.Ltmp1, $4  }
0xaa: {  	[hbm:s11], [sflag:s6] =	dma.local @!p0 [spmem:s15], $0x100  }
0xab: {  	_ =	swait.ge @!p0 [sflag:s0], $0x100  }
0xac: {  	[sflag:s0] =	ssyncset.done @!p0 $0x0  }
0xad: {  	[sflag:s0] =	ssyncadd.s32 @!p0 $0xFFFFFF00  }
0xae: {  	_ =	sfence.sel $0x180000  }
0xaf: {  	[bflag:$0x0] =	sbarrier.arrive $0xFFFF  }
0xb0: {  	_ =	strace $0x9000004D  }
0xb1: {  	s0 =	stileid.u32;
	[bflag:$0x2] =	sbarrier.arrive $0xFFFF  }
0xb2: {  	p0 =	sne.s32 s0, $0x0;
	s0 =	rddreg [dreg:$0x2]  }
0xb3: {  	s0 =	sadd.s32 @!p0 $0x100000, s0  }
0xb4: {  	[sflag:s0] =	ssyncadd.tile.s32 @!p0 $0x1;
	_ =	shalt  }
.Lfunc_end2:
_tile_overlayer_lowered:
.L_overlay_start_2:
0xb5: {  	(tag) =	ssettag $0x2  }
0xb6: {  	s0 =	rddreg [dreg:$0x0];
	s2 =	stileid.u32  }
0xb7: {  	s1 =	rddreg [dreg:$0x1];
	p0 =	sne.s32 s2, $0x0  }
0xb8: {  	s3 =	rddreg [dreg:$0x2];
	[bflag:$0x3] =	sbarrier.arrive $0xFFFF;
	s2 =	simm.s32 @!p0 $0x1C05  }
0xb9: {  	[timem:s3], [sflag:s2] =	dma.local @!p0 [hbm:s0], s1  }
0xba: {  	s0 =	simm.s32 @!p0 $0x5  }
0xbb: {  	_ =	swait.ge @!p0 [sflag:s0], s1  }
0xbc: {  	s1 =	ssub.s32 @!p0 $0x0, s1;
	[sflag:s0] =	ssyncset.done @!p0 $0x0  }
0xbd: {  	[sflag:s0] =	ssyncadd.s32 @!p0 s1  }
0xbe: {  	[bflag:$0x3] =	sbarrier.arrive $0xFFFF  }
0xbf: {  	_ =	shalt  }

// kernel: kernel.8.cloned.1.call-start
scs
__scs_entry_jumppad:
0x0: {  	(pc) =	sbr.rel $0x88, $3  }
0x1: {  	(tag) =	ssettag $0x0;
	lr =	simm.s32 $0x1  }
0x2: {  	[smem:$0x3F8E] =	sst lr;
	_ =	strace $0xD0000000  }
0x3: {  	_ = 	snop  }
0x4: {  	_ = 	snop  }
0x5: {  	_ = 	snop  }
0x6: {  	_ = 	snop  }
0x7: {  	_ = 	snop  }
__scs_overlays_trampoline_lowered:
0x8: {  	[smem:$0x3F9D] =	sst s0  }
0x9: {  	[smem:$0x3F9E] =	sst s1  }
0xa: {  	[smem:$0x3F9F] =	sst s2  }
0xb: {  	[smem:$0x3FA0] =	sst s3  }
0xc: {  	[smem:$0x3FA1] =	sst s4  }
0xd: {  	[smem:$0x3FA2] =	sst s5  }
0xe: {  	[smem:$0x3FA3] =	sst s6  }
0xf: {  	[smem:$0x3FA4] =	sst s7  }
0x10: {  	[smem:$0x3FA5] =	sst s8  }
0x11: {  	[smem:$0x3FA6] =	sst s9;
	s0 =	simm.s32 @!p0 $0x0  }
0x12: {  	s1 =	sld [smem:$0x3F8C];
	s0 =	simm.s32 @p0 $0x1  }
0x13: {  	[smem:$0x3FA7] =	sst s0;
	s0 =	simm.s32 @!p1 $0x0  }
0x14: {  	s2 =	sld [smem:$0x3F8B];
	s0 =	simm.s32 @p1 $0x1  }
0x15: {  	[smem:$0x3FA8] =	sst s0;
	s0 =	simm.s32 @!p2 $0x0  }
0x16: {  	s3 =	sld [smem:$0x3FDB];
	s0 =	simm.s32 @p2 $0x1  }
0x17: {  	s4 =	simm.s32 $0x1BF5;
	[smem:$0x3FAA] =	sst s0  }
0x18: {  	s0 =	sld [smem:$0x3F8D];
	_ =	swait.ge [sflag:s4], $0x0  }
0x19: {  	s7 =	sld [smem:$0x3F8E]  }
0x1a: {  	s8 =	sadd.s32 $0xFFFFE003, lr  }
0x1b: {  	s9 =	sadd.s32 $0xFFFFFEF7, lr;
	s5 =	simm.s32 $0xFFFFFFFF;
	p2 =	slt.u32 s8, $0xFFFFF086  }
0x1c: {  	p1 =	slt.u32 s9, $0xF7A;
	s5 =	simm.s32 @!p2 $0x0  }
0x1d: {  	s5 =	simm.s32 @p1 $0x1;
	p0 =	seq.s32 s7, s2  }
0x1e: {  	s7 =	smul.u32 @!p0 $0xF7A, s2;
	p2 =	seq.s32 @!p0 s5, $0x0  }
0x1f: {  	s9 =	smul.u32 $0xF7A, s1;
	s8 =	simm.s32 @!p0 $0x1BF5;
	p2 =	por !p2, p0  }
0x20: {  	[sflag:s8] =	ssyncset.s32 @!p0 $0xFFFFF086;
	s6 =	sadd.s32 @!p0 s3, s7;
	s7 =	simm.s32 @!p0 $0x108  }
0x21: {  	s3 =	sadd.s32 s3, s9;
	s6 =	sadd.s32 @!p0 $0x88, s6;
	s7 =	simm.s32 @p2 $0x1082  }
0x22: {  	[simem:s7], [sflag:s8] =	dma.local @!p0 [hbm:s6], $0xF7A  }
0x23: {  	s9 =	sor.u32 $0xD0000000, s2;
	s6 =	simm.s32 $0x108;
	_ =	swait.ge @!p0 [sflag:s8], $0x0  }
0x24: {  	s3 =	sadd.s32 $0x88, s3;
	s6 =	simm.s32 @!p1 $0x1082;
	[sflag:s4] =	ssyncset.s32 $0xFFFFF086  }
0x25: {  	[simem:s6], [sflag:s4] =	dma.local [hbm:s3], $0xF7A  }
0x26: {  	[smem:$0x3F8E] =	sst s1;
	(tag) =	ssettag s2;
	_ =	strace s9  }
0x27: {  	s1 =	sld [smem:$0x3F9E]  }
0x28: {  	s2 =	sld [smem:$0x3F9F]  }
0x29: {  	s4 =	sld [smem:$0x3FA1]  }
0x2a: {  	p0 =	seq.s32 s5, $0x0;
	s5 =	sld [smem:$0x3FA2]  }
0x2b: {  	s6 =	sld [smem:$0x3FA3]  }
0x2c: {  	s7 =	sld [smem:$0x3FA4]  }
0x2d: {  	s3 =	simm.s32 $0x108;
	s8 =	sld [smem:$0x3FA5]  }
0x2e: {  	s3 =	simm.s32 @!p0 $0x1082;
	s9 =	sld [smem:$0x3FA6]  }
0x2f: {  	lr =	sadd.s32 s0, s3;
	s0 =	sld [smem:$0x3F9D]  }
0x30: {  	s3 =	sld [smem:$0x3FA0]  }
0x31: {  	[smem:$0x3FA9] =	sst s10  }
0x32: {  	s10 =	sld [smem:$0x3FA7];
	_ =	sdelay $0x3  }
0x33: {  	p0 =	seq.s32 s10, $0x1;
	s10 =	sld [smem:$0x3FA9];
	_ =	sdelay $0x3  }
0x34: {  	[smem:$0x3FA9] =	sst s10  }
0x35: {  	s10 =	sld [smem:$0x3FA8];
	_ =	sdelay $0x3  }
0x36: {  	p1 =	seq.s32 s10, $0x1;
	s10 =	sld [smem:$0x3FA9];
	_ =	sdelay $0x3  }
0x37: {  	[smem:$0x3FA9] =	sst s10  }
0x38: {  	s10 =	sld [smem:$0x3FAA]  }
0x39: {  	_ = 	snop;
	(pc) =	sbr.ind lr, $3  }
0x3a: {  	_ = 	snop  }
0x3b: {  	_ = 	snop  }
0x3c: {  	p2 =	seq.s32 s10, $0x1;
	s10 =	sld [smem:$0x3FA9]  }
0x3d: {  	_ =	shalt  }
0x3e: {  	_ =	shalt  }
0x3f: {  	_ =	shalt  }
0x40: {  	_ =	shalt  }
0x41: {  	_ =	shalt  }
0x42: {  	_ =	shalt  }
0x43: {  	_ =	shalt  }
0x44: {  	_ =	shalt  }
0x45: {  	_ =	shalt  }
0x46: {  	_ =	shalt  }
0x47: {  	_ =	shalt  }
0x48: {  	_ =	shalt  }
0x49: {  	_ =	shalt  }
0x4a: {  	_ =	shalt  }
0x4b: {  	_ =	shalt  }
0x4c: {  	_ =	shalt  }
0x4d: {  	_ =	shalt  }
0x4e: {  	_ =	shalt  }
0x4f: {  	_ =	shalt  }
0x50: {  	_ =	shalt  }
0x51: {  	_ =	shalt  }
0x52: {  	_ =	shalt  }
0x53: {  	_ =	shalt  }
0x54: {  	_ =	shalt  }
0x55: {  	_ =	shalt  }
0x56: {  	_ =	shalt  }
0x57: {  	_ =	shalt  }
0x58: {  	_ =	shalt  }
0x59: {  	_ =	shalt  }
0x5a: {  	_ =	shalt  }
0x5b: {  	_ =	shalt  }
0x5c: {  	_ =	shalt  }
0x5d: {  	_ =	shalt  }
0x5e: {  	_ =	shalt  }
0x5f: {  	_ =	shalt  }
0x60: {  	_ =	shalt  }
0x61: {  	_ =	shalt  }
0x62: {  	_ =	shalt  }
0x63: {  	_ =	shalt  }
0x64: {  	_ =	shalt  }
0x65: {  	_ =	shalt  }
0x66: {  	_ =	shalt  }
0x67: {  	_ =	shalt  }
0x68: {  	_ =	shalt  }
0x69: {  	_ =	shalt  }
0x6a: {  	_ =	shalt  }
0x6b: {  	_ =	shalt  }
0x6c: {  	_ =	shalt  }
0x6d: {  	_ =	shalt  }
0x6e: {  	_ =	shalt  }
0x6f: {  	_ =	shalt  }
0x70: {  	_ =	shalt  }
0x71: {  	_ =	shalt  }
0x72: {  	_ =	shalt  }
0x73: {  	_ =	shalt  }
0x74: {  	_ =	shalt  }
0x75: {  	_ =	shalt  }
0x76: {  	_ =	shalt  }
0x77: {  	_ =	shalt  }
0x78: {  	_ =	shalt  }
0x79: {  	_ =	shalt  }
0x7a: {  	_ =	shalt  }
0x7b: {  	_ =	shalt  }
0x7c: {  	_ =	shalt  }
0x7d: {  	_ =	shalt  }
0x7e: {  	_ =	shalt  }
0x7f: {  	_ =	shalt  }
0x80: {  	_ =	shalt  }
0x81: {  	_ =	shalt  }
0x82: {  	_ =	shalt  }
0x83: {  	_ =	shalt  }
0x84: {  	_ =	shalt  }
0x85: {  	_ =	shalt  }
0x86: {  	_ =	shalt  }
0x87: {  	_ =	shalt  }
.Lfunc_end0:
.L_simem_size_0:
called_computation_lowered:
.L_overlay_start_0:
0x88: {  	s2 =	sld [smem:$0x3FD9]  }
0x89: {  	s3 =	sld [smem:$0x3FFE];
	_ =	sdelay $0x1  }
0x8a: {  	s1 =	srdreg.scid  }
0x8b: {  	s0 =	sand.u32 $0x1, s1  }
0x8c: {  	s17 =	sshll.u32 s0, $0xA;
	s2 =	sadd.s32 s3, s2  }
0x8d: {  	s2 =	sadd.s32 s2, s17  }
0x8e: {  	[smem:$0x3FB5] =	sst s2  }
0x8f: {  	_ = 	snop  }
0x90: {  	s2 =	sld [smem:$0x3FC9];
	(tm) =	ssettm $0x1  }
0x91: {  	s18 =	sld [smem:$0x3FFB];
	_ =	sdelay $0x3  }
0x92: {  	_ =	strace s18  }
0x93: {  	s3 =	sld [smem:$0x3FFC];
	_ =	sdelay $0x3  }
0x94: {  	_ =	strace s3  }
0x95: {  	s3 =	sld [smem:$0x3FFD];
	_ =	sdelay $0x3  }
0x96: {  	_ =	strace s3  }
0x97: {  	_ =	strace $0x8FFFFFFF  }
0x98: {  	s19 =	sld [smem:$0x3FDB];
	_ =	sdelay $0x1  }
0x99: {  	s4 =	simm.s32 $_scs_section_size  }
0x9a: {  	s5 =	simm.s32 $_size__tile_overlayer_lowered;
	s6 =	simm.s32 $_tile_overlayer_lowered  }
0x9b: {  	s22 =	simm.s32 $0x1BFF;
	s21 =	sshll.u32 s6, $0x1;
	s3 =	sadd.s32 s4, s19  }
0x9c: {  	s7 =	simm.s32 $0x0;
	s20 =	sshll.u32 s5, $0x1;
	s5 =	sadd.s32 s21, s3  }
0x9d: {  	[timem:s7], [sflag:s22] =	dma.local [hbm:s5], s20  }
0x9e: {  	_ =	swait.ge [sflag:s22], s20  }
0x9f: {  	s4 =	ssub.s32 $0x0, s20;
	[sflag:s22] =	ssyncset.done $0x0  }
0xa0: {  	[sflag:s22] =	ssyncadd.s32 s4;
	_ =	sdelay $0x1  }
0xa1: {  	s23 =	simm.s32 $0x1B8B  }
0xa2: {  	_ =	swait.ge [sflag:s23], $0x1  }
0xa3: {  	[sflag:s23] =	ssyncset.done $0x0  }
0xa4: {  	s25 =	simm.s32 $0x1B8E;
	s24 =	sld [smem:$0x3FFE];
	[sflag:s23] =	ssyncadd.s32 $0xFFFFFFFF  }
0xa5: {  	s26 =	simm.s32 $execute0_lowered;
	[smem:$0x3FD2] =	sst s25  }
0xa6: {  	s5 =	sshll.u32 s26, $0x1;
	_ =	strace $0x80000046;
	[dreg:$0x1] =	wrdreg $0xFFFFFFFF  }
0xa7: {  	s28 =	simm.s32 $_size_execute0_lowered;
	s3 =	sadd.s32 s3, s5;
	[dreg:$0x0] =	wrdreg $0x0  }
0xa8: {  	s5 =	sshll.u32 s28, $0x1;
	[dreg:$0x2] =	wrdreg s3  }
0xa9: {  	[dreg:$0x3] =	wrdreg s5  }
0xaa: {  	[dreg:$0x4] =	wrdreg $0xC0  }
0xab: {  	_ =	task [dreg:s7], $0x5FFFF  }
0xac: {  	[dreg:$0x1] =	wrdreg $0xFFFFFFFF  }
0xad: {  	[dreg:$0x0] =	wrdreg $0x60  }
0xae: {  	[dreg:$0x2] =	wrdreg s2  }
0xaf: {  	[dreg:$0x3] =	wrdreg s24  }
0xb0: {  	[dreg:$0x4] =	wrdreg $0xB7800  }
0xb1: {  	[dreg:$0x5] =	wrdreg $0x9  }
0xb2: {  	_ =	task.clear_ibuf [dreg:s7], $0x6FFFF;
	_ =	strace $0x90000046  }
0xb3: {  	s29 =	simm.s32 $0x9;
	_ =	strace $0x80000048  }
0xb4: {  	_ =	swait.ge [sflag:s29], $0x1  }
0xb5: {  	[sflag:s29] =	ssyncadd.s32 $0xFFFFFFFF  }
0xb6: {  	_ =	strace $0x90000048  }
0xb7: {  	_ =	sfence  }
0xb8: {  	s30 =	sld [smem:$0x0];
	_ =	sdelay $0x2  }
0xb9: {  	s31 =	sshll.u32 s1, $0xD;
	s1 =	sshrl.u32 s1, $0x2  }
0xba: {  	s3 =	sand.u32 $0x4000, s31;
	s1 =	sadd.s32 s1, s30  }
0xbb: {  	s0 =	sor.u32 s3, s0;
	s1 =	sshll.u32 s1, $0x11  }
0xbc: {  	s0 =	sor.u32 s1, s0  }
0xbd: {  	s0 =	sadd.s32 $0x8F2B, s0  }
0xbe: {  	[sflag:s0] =	ssyncadd.remote.s32 $0x1  }
0xbf: {  	_ =	sfence.sel $0xFFFF  }
0xc0: {  	[dreg:$0x0] =	wrdreg $0xFFFFFFFF;
	(pc) =	sbr.abs _section_cstart, $3  }
0xc1: {  	[dreg:$0x1] =	wrdreg $0xFFFFFFFF  }
0xc2: {  	_ =	task.clear_ibuf [dreg:s7], $0x2FFFF;
	_ =	strace $0x9FFFFFFF  }
0xc3: {  	(tm) =	ssettm $0x7FFFFFFF  }
tec
execute0_lowered:
.L_overlay_start_1:
0x0: {  	(tag) =	ssettag $0x1  }
0x1: {  	s0 =	rddreg [dreg:$0x0]  }
0x2: {  	s1 =	srdreg.scid;
	s2 =	rddreg [dreg:$0x1]  }
0x3: {  	s3 =	rddreg [dreg:$0x2];
	s16 =	stileid.u32;
	s4 =	simm.s32 $0x0  }
0x4: {  	s17 =	simm.s32 $0x6780;
	s18 =	simm.s32 $0x7B80;
	s20 =	simm.s32 $0x8F80  }
0x5: {  	s21 =	simm.s32 $0x1;
	s22 =	simm.s32 $0xA380;
	s23 =	simm.s32 $0x2  }
0x6: {  	s24 =	simm.s32 $0x3;
	s25 =	simm.s32 $0x4;
	s19 =	simm.s32 $0x6580  }
0x7: {  	s28 =	simm.s32 $0x0;
	s1 =	sand.u32 $0x1, s1;
	s9 =	smul.u32 $0x13800, s16  }
0x8: {  	[smem:$0x7FF] =	sst s4;
	s26 =	smul.u32 $0x4E000, s16;
	s12 =	sadd.s32 $0x44C00, s2  }
0x9: {  	s30 =	sshll.u32 s16, $0x6;
	s15 =	sadd.s32 $0x138000, s3;
	p0 =	sne.s32 s16, $0xF  }
0xa: {  	s5 =	sshll.u32 s1, $0x4;
	_ =	strace $0x80000047;
	s7 =	ssub.s32 $0x2, s1  }
0xb: {  	s1 =	smul.u32 $0x138800, s1;
	s15 =	sshrl.u32 @!p0 s15, $0x3;
	s5 =	sor.u32 s16, s5  }
0xc: {  	s29 =	sshrl.u32 s9, $0x3;
	s11 =	sshrl.u32 s7, $0x1;
	s16 =	simm.s32 $0x28  }
0xd: {  	s6 =	smul.u32 $0x4E2, s5;
	s5 =	sshll.u32 s5, $0xB;
	s13 =	ssub.s32 s7, s11  }
0xe: {  	s7 =	sadd.s32 $0x44A00, s2;
	s31 =	sadd.s32 s9, s1;
	s1 =	sshrl.u32 s1, $0x3  }
0xf: {  	s10 =	sadd.s32 s5, s2;
	s5 =	sadd.s32 s29, s2;
	s1 =	sadd.s32 s12, s1  }
0x10: {  	s8 =	sadd.s32 s6, s2;
	s6 =	sshrl.u32 s26, $0x2;
	s5 =	sadd.s32 $0x1DA00, s5  }
0x11: {  	s9 =	sadd.s32 $0xDA00, s10;
	s2 =	sshrl.u32 s31, $0x3;
	s11 =	sadd.s32 $0x27000, s1  }
0x12: {  	s26 =	simm.s32 $0x65A8;
	s14 =	sadd.s32 s6, s3;
	s6 =	sor.u32 $0x1C05, s30  }
0x13: {  	s8 =	sadd.s32 $0x3C00, s8;
	s10 =	sadd.s32 s12, s2;
	s12 =	smax.u32 s13, $0x1  }
0x14: {  	s2 =	simm.s32 $0x6528;
	s13 =	sshrl.u32 s14, $0x3;
	s14 =	simm.s32 $0x5  }
.LBB2_1:
0x15: {  	[spmem:s13], [sflag:s6] =	dma.local [hbm:s5], $0x2700  }
0x16: {  	_ =	swait.ge [sflag:s14], $0x2700  }
0x17: {  	[sflag:s14] =	ssyncset.done $0x0  }
0x18: {  	s29 =	simm.s32 @!p0 $0x5;
	[sflag:s14] =	ssyncadd.s32 $0xFFFFD900  }
0x19: {  	[spmem:s15], [sflag:s6] =	dma.local @!p0 [hbm:s7], $0x100  }
0x1a: {  	_ =	swait.ge @!p0 [sflag:s29], $0x100  }
0x1b: {  	[sflag:s29] =	ssyncset.done @!p0 $0x0  }
0x1c: {  	[sflag:s29] =	ssyncadd.s32 @!p0 $0xFFFFFF00  }
0x1d: {  	[tilespmem:s4], [sflag:$0x5] =	stream.linear.gather [hbm4b:s8+s4], $0x2710, $0x38;
	[tilespmem:$0x1F000] =	vst v63  }
0x1e: {  	_ =	swait.ge [sflag:s14], $0x2710  }
0x1f: {  	[sflag:s14] =	ssyncset.done $0x0  }
0x20: {  	s29 =	simm.s32 $0x2780;
	[sflag:s14] =	ssyncadd.s32 $0xFFFFD8F0  }
0x21: {  	[tilespmem:s29], [sflag:$0x5] =	stream.linear.gather [hbm4b:s9+s4], $0x3E80, $0x38;
	[tilespmem:$0x1F000] =	vst v63  }
0x22: {  	_ =	swait.ge [sflag:s14], $0x3E80  }
0x23: {  	[sflag:s14] =	ssyncset.done $0x0  }
0x24: {  	[sflag:s14] =	ssyncadd.s32 $0xFFFFC180  }
0x25: {  	[bflag:$0x0] =	sbarrier.arrive $0xFFFF  }
0x26: {  	[tilespmem:s17], [sflag:$0x1] =	stream.indirect.gather [hbm4b:s0+s16], $0x80, s4, s16, $0xb8;
	[tilespmem:$0x1F000] =	vst v63  }
0x27: {  	_ = 	snop  }
0x28: {  	[tilespmem:s18], [sflag:$0x2] =	stream.indirect.gather [hbm4b:s0+s16], $0x80, s16, s16, $0xb8;
	[tilespmem:$0x1F000] =	vst v63  }
0x29: {  	s1 =	simm.s32 $0x50  }
0x2a: {  	[tilespmem:s20], [sflag:$0x3] =	stream.indirect.gather [hbm4b:s0+s16], $0x80, s1, s16, $0xb8;
	[tilespmem:$0x1F000] =	vst v63  }
0x2b: {  	_ =	swait.ge [sflag:s21], $0x1400  }
0x2c: {  	[sflag:s21] =	ssyncset.done $0x0  }
0x2d: {  	s30 =	simm.s32 $0x78;
	[sflag:s21] =	ssyncadd.s32 $0xFFFFEC00  }
0x2e: {  	[tilespmem:s22], [sflag:$0x4] =	stream.indirect.gather [hbm4b:s0+s16], $0x80, s30, s16, $0xb8;
	[tilespmem:$0x1F000] =	vst v63  }
0x2f: {  	_ = 	snop  }
0x30: {  	[spmem:s3] =	stream.indirect.scatter.add.f32 [tilespmem:s17], [sflag:$0x5], $0x80, s29, s16, $0xb8;
	[tilespmem:$0x1F000] =	vst v63  }
0x31: {  	_ =	swait.ge [sflag:s14], $0x1400  }
0x32: {  	[sflag:s14] =	ssyncset.done $0x0  }
0x33: {  	[sflag:s14] =	ssyncadd.s32 $0xFFFFEC00  }
0x34: {  	_ =	swait.ge [sflag:s23], $0x1400  }
0x35: {  	[sflag:s23] =	ssyncset.done $0x0  }
0x36: {  	s30 =	simm.s32 $0xA0;
	[sflag:s23] =	ssyncadd.s32 $0xFFFFEC00  }
0x37: {  	[tilespmem:s17], [sflag:$0x1] =	stream.indirect.gather [hbm4b:s0+s16], $0x80, s30, s16, $0xb8;
	[tilespmem:$0x1F000] =	vst v63  }
0x38: {  	s30 =	simm.s32 $0x27A8  }
0x39: {  	[spmem:s3] =	stream.indirect.scatter.add.f32 [tilespmem:s18], [sflag:$0x5], $0x80, s30, s16, $0xb8;
	[tilespmem:$0x1F000] =	vst v63  }
0x3a: {  	_ =	swait.ge [sflag:s14], $0x1400  }
0x3b: {  	[sflag:s14] =	ssyncset.done $0x0  }
0x3c: {  	[sflag:s14] =	ssyncadd.s32 $0xFFFFEC00  }
0x3d: {  	_ =	swait.ge [sflag:s24], $0x1400  }
0x3e: {  	[sflag:s24] =	ssyncset.done $0x0  }
0x3f: {  	s30 =	simm.s32 $0xC8;
	[sflag:s24] =	ssyncadd.s32 $0xFFFFEC00  }
0x40: {  	[tilespmem:s18], [sflag:$0x2] =	stream.indirect.gather [hbm4b:s0+s16], $0x80, s30, s16, $0xb8;
	[tilespmem:$0x1F000] =	vst v63  }
0x41: {  	s30 =	simm.s32 $0x2800  }
0x42: {  	[spmem:s3] =	stream.indirect.scatter.add.f32 [tilespmem:s20], [sflag:$0x5], $0x80, s30, s16, $0xb8;
	[tilespmem:$0x1F000] =	vst v63  }
0x43: {  	_ =	swait.ge [sflag:s14], $0x1400  }
0x44: {  	[sflag:s14] =	ssyncset.done $0x0  }
0x45: {  	[sflag:s14] =	ssyncadd.s32 $0xFFFFEC00  }
0x46: {  	_ =	swait.ge [sflag:s25], $0x1400  }
0x47: {  	[sflag:s25] =	ssyncset.done $0x0  }
0x48: {  	s30 =	simm.s32 $0xF0;
	[sflag:s25] =	ssyncadd.s32 $0xFFFFEC00  }
0x49: {  	[tilespmem:s20], [sflag:$0x3] =	stream.indirect.gather [hbm4b:s0+s16], $0x80, s30, s16, $0xb8;
	[tilespmem:$0x1F000] =	vst v63  }
0x4a: {  	s30 =	simm.s32 $0x2828  }
0x4b: {  	[spmem:s3] =	stream.indirect.scatter.add.f32 [tilespmem:s22], [sflag:$0x5], $0x80, s30, s16, $0xb8;
	[tilespmem:$0x1F000] =	vst v63  }
0x4c: {  	_ =	swait.ge [sflag:s14], $0x1400  }
0x4d: {  	s30 =	simm.s32 $0x280;
	[sflag:s14] =	ssyncset.done $0x0  }
.LBB2_2:
0x4e: {  	p1 =	sne.s32 s30, $0x9600;
	[sflag:s14] =	ssyncadd.s32 $0xFFFFEC00;
	s29 =	sadd.s32 $0x100, s29  }
0x4f: {  	s31 =	smov.u32 s30;
	s30 =	sadd.s32 $0x280, s30  }
0x50: {  	_ =	swait.ge [sflag:s21], $0x1400  }
0x51: {  	s31 =	sshra.s32 s31, $0x2;
	[sflag:s21] =	ssyncset.done $0x0  }
0x52: {  	s1 =	sadd.s32 $0x78, s31;
	[sflag:s21] =	ssyncadd.s32 $0xFFFFEC00  }
0x53: {  	[tilespmem:s22], [sflag:$0x4] =	stream.indirect.gather [hbm4b:s0+s16], $0x80, s1, s16, $0xb8;
	[tilespmem:$0x1F000] =	vst v63  }
0x54: {  	_ = 	snop  }
0x55: {  	[spmem:s3] =	stream.indirect.scatter.add.f32 [tilespmem:s17], [sflag:$0x5], $0x80, s29, s16, $0xb8;
	[tilespmem:$0x1F000] =	vst v63  }
0x56: {  	_ =	swait.ge [sflag:s14], $0x1400  }
0x57: {  	[sflag:s14] =	ssyncset.done $0x0  }
0x58: {  	[sflag:s14] =	ssyncadd.s32 $0xFFFFEC00  }
0x59: {  	_ =	swait.ge [sflag:s23], $0x1400  }
0x5a: {  	[sflag:s23] =	ssyncset.done $0x0  }
0x5b: {  	s1 =	sadd.s32 $0xA0, s31;
	[sflag:s23] =	ssyncadd.s32 $0xFFFFEC00  }
0x5c: {  	[tilespmem:s17], [sflag:$0x1] =	stream.indirect.gather [hbm4b:s0+s16], $0x80, s1, s16, $0xb8;
	[tilespmem:$0x1F000] =	vst v63  }
0x5d: {  	s1 =	sadd.s32 $0x28, s29  }
0x5e: {  	[spmem:s3] =	stream.indirect.scatter.add.f32 [tilespmem:s18], [sflag:$0x5], $0x80, s1, s16, $0xb8;
	[tilespmem:$0x1F000] =	vst v63  }
0x5f: {  	_ =	swait.ge [sflag:s14], $0x1400  }
0x60: {  	[sflag:s14] =	ssyncset.done $0x0  }
0x61: {  	[sflag:s14] =	ssyncadd.s32 $0xFFFFEC00  }
0x62: {  	_ =	swait.ge [sflag:s24], $0x1400  }
0x63: {  	[sflag:s24] =	ssyncset.done $0x0  }
0x64: {  	s1 =	sadd.s32 $0xC8, s31;
	[sflag:s24] =	ssyncadd.s32 $0xFFFFEC00  }
0x65: {  	[tilespmem:s18], [sflag:$0x2] =	stream.indirect.gather [hbm4b:s0+s16], $0x80, s1, s16, $0xb8;
	[tilespmem:$0x1F000] =	vst v63  }
0x66: {  	s1 =	sadd.s32 $0x80, s29  }
0x67: {  	[spmem:s3] =	stream.indirect.scatter.add.f32 [tilespmem:s20], [sflag:$0x5], $0x80, s1, s16, $0xb8;
	[tilespmem:$0x1F000] =	vst v63  }
0x68: {  	_ =	swait.ge [sflag:s14], $0x1400  }
0x69: {  	[sflag:s14] =	ssyncset.done $0x0  }
0x6a: {  	[sflag:s14] =	ssyncadd.s32 $0xFFFFEC00  }
0x6b: {  	_ =	swait.ge [sflag:s25], $0x1400  }
0x6c: {  	[sflag:s25] =	ssyncset.done $0x0  }
0x6d: {  	s1 =	sadd.s32 $0xF0, s31;
	[sflag:s25] =	ssyncadd.s32 $0xFFFFEC00  }
0x6e: {  	[tilespmem:s20], [sflag:$0x3] =	stream.indirect.gather [hbm4b:s0+s16], $0x80, s1, s16, $0xb8;
	[tilespmem:$0x1F000] =	vst v63  }
.Ltmp0:
0x6f: {  	_ = 	snop;
	(pc) =	sbr.rel @p1 .LBB2_2-.Ltmp0, $4  }
0x70: {  	s1 =	sadd.s32 $0xA8, s29  }
0x71: {  	[spmem:s3] =	stream.indirect.scatter.add.f32 [tilespmem:s22], [sflag:$0x5], $0x80, s1, s16, $0xb8;
	[tilespmem:$0x1F000] =	vst v63  }
0x72: {  	_ =	swait.ge [sflag:s14], $0x1400  }
0x73: {  	[sflag:s14] =	ssyncset.done $0x0  }
0x74: {  	[sflag:s14] =	ssyncadd.s32 $0xFFFFEC00  }
0x75: {  	_ =	swait.ge [sflag:s21], $0x1400  }
0x76: {  	[sflag:s21] =	ssyncset.done $0x0  }
0x77: {  	s1 =	simm.s32 $0x2698;
	[sflag:s21] =	ssyncadd.s32 $0xFFFFEC00  }
0x78: {  	[tilespmem:s22], [sflag:$0x4] =	stream.indirect.gather [hbm4b:s0+s16], $0x80, s1, s16, $0xb8;
	[tilespmem:$0x1F000] =	vst v63  }
0x79: {  	s30 =	simm.s32 $0x6480  }
0x7a: {  	[spmem:s3] =	stream.indirect.scatter.add.f32 [tilespmem:s17], [sflag:$0x5], $0x80, s30, s16, $0xb8;
	[tilespmem:$0x1F000] =	vst v63  }
0x7b: {  	_ =	swait.ge [sflag:s14], $0x1400  }
0x7c: {  	[sflag:s14] =	ssyncset.done $0x0  }
0x7d: {  	[sflag:s14] =	ssyncadd.s32 $0xFFFFEC00  }
0x7e: {  	_ =	swait.ge [sflag:s23], $0x1400  }
0x7f: {  	[sflag:s23] =	ssyncset.done $0x0  }
0x80: {  	s31 =	simm.s32 $0x26C0;
	[sflag:s23] =	ssyncadd.s32 $0xFFFFEC00  }
0x81: {  	[tilespmem:s17], [sflag:$0x1] =	stream.indirect.gather [hbm4b:s0+s16], $0x80, s31, s16, $0xb8;
	[tilespmem:$0x1F000] =	vst v63  }
0x82: {  	s29 =	simm.s32 $0x64A8  }
0x83: {  	[spmem:s3] =	stream.indirect.scatter.add.f32 [tilespmem:s18], [sflag:$0x5], $0x80, s29, s16, $0xb8;
	[tilespmem:$0x1F000] =	vst v63  }
0x84: {  	_ =	swait.ge [sflag:s14], $0x1400  }
0x85: {  	[sflag:s14] =	ssyncset.done $0x0  }
0x86: {  	[sflag:s14] =	ssyncadd.s32 $0xFFFFEC00  }
0x87: {  	_ =	swait.ge [sflag:s24], $0x1400  }
0x88: {  	[sflag:s24] =	ssyncset.done $0x0  }
0x89: {  	s30 =	simm.s32 $0x26E8;
	[sflag:s24] =	ssyncadd.s32 $0xFFFFEC00  }
0x8a: {  	[tilespmem:s18], [sflag:$0x2] =	stream.indirect.gather [hbm4b:s0+s16], $0x80, s30, s16, $0xb8;
	[tilespmem:$0x1F000] =	vst v63  }
0x8b: {  	s31 =	simm.s32 $0x6500  }
0x8c: {  	[spmem:s3] =	stream.indirect.scatter.add.f32 [tilespmem:s20], [sflag:$0x5], $0x80, s31, s16, $0xb8;
	[tilespmem:$0x1F000] =	vst v63  }
0x8d: {  	_ =	swait.ge [sflag:s14], $0x1400  }
0x8e: {  	[sflag:s14] =	ssyncset.done $0x0  }
0x8f: {  	[sflag:s14] =	ssyncadd.s32 $0xFFFFEC00  }
0x90: {  	_ =	swait.ge [sflag:s25], $0x1400  }
0x91: {  	[sflag:s25] =	ssyncset.done $0x0  }
0x92: {  	[sflag:s25] =	ssyncadd.s32 $0xFFFFEC00  }
0x93: {  	[spmem:s3] =	stream.indirect.scatter.add.f32 [tilespmem:s22], [sflag:$0x5], $0x80, s2, s16, $0xb8;
	[tilespmem:$0x1F000] =	vst v63  }
0x94: {  	_ =	swait.ge [sflag:s14], $0x1400  }
0x95: {  	[sflag:s14] =	ssyncset.done $0x0  }
0x96: {  	[sflag:s14] =	ssyncadd.s32 $0xFFFFEC00  }
0x97: {  	_ =	swait.ge [sflag:s21], $0x1400  }
0x98: {  	[sflag:s21] =	ssyncset.done $0x0  }
0x99: {  	[sflag:s21] =	ssyncadd.s32 $0xFFFFEC00  }
0x9a: {  	[spmem:s3] =	stream.indirect.scatter.add.f32 [tilespmem:s17], [sflag:$0x5], $0x80, s19, s16, $0xb8;
	[tilespmem:$0x1F000] =	vst v63  }
0x9b: {  	_ =	swait.ge [sflag:s14], $0x1400  }
0x9c: {  	[sflag:s14] =	ssyncset.done $0x0  }
0x9d: {  	[sflag:s14] =	ssyncadd.s32 $0xFFFFEC00  }
0x9e: {  	_ =	swait.ge [sflag:s23], $0x1400  }
0x9f: {  	[sflag:s23] =	ssyncset.done $0x0  }
0xa0: {  	[sflag:s23] =	ssyncadd.s32 $0xFFFFEC00  }
0xa1: {  	[spmem:s3] =	stream.indirect.scatter.add.f32 [tilespmem:s18], [sflag:$0x5], $0x80, s26, s16, $0xb8;
	[tilespmem:$0x1F000] =	vst v63  }
0xa2: {  	_ =	swait.ge [sflag:s14], $0x1400  }
0xa3: {  	[sflag:s14] =	ssyncset.done $0x0  }
0xa4: {  	[sflag:s14] =	ssyncadd.s32 $0xFFFFEC00  }
0xa5: {  	[bflag:$0x0] =	sbarrier.arrive $0xFFFF  }
0xa6: {  	[hbm:s10], [sflag:s6] =	dma.local [spmem:s13], $0x2700  }
0xa7: {  	s28 =	sadd.s32 $0x1, s28;
	_ =	swait.ge [sflag:s14], $0x2700  }
0xa8: {  	p1 =	sne.s32 s28, s12;
	[sflag:s14] =	ssyncset.done $0x0  }
.Ltmp1:
0xa9: {  	s1 =	simm.s32 @!p0 $0x5;
	[sflag:s14] =	ssyncadd.s32 $0xFFFFD900;
	(pc) =	sbr.rel @p1 .LBB2_1-.Ltmp1, $4  }
0xaa: {  	[hbm:s11], [sflag:s6] =	dma.local @!p0 [spmem:s15], $0x100  }
0xab: {  	_ =	swait.ge @!p0 [sflag:s1], $0x100  }
0xac: {  	[sflag:s1] =	ssyncset.done @!p0 $0x0  }
0xad: {  	[sflag:s1] =	ssyncadd.s32 @!p0 $0xFFFFFF00  }
0xae: {  	_ =	sfence.sel $0x180000  }
0xaf: {  	[bflag:$0x0] =	sbarrier.arrive $0xFFFF  }
0xb0: {  	_ =	strace $0x90000047  }
0xb1: {  	s0 =	stileid.u32;
	[bflag:$0x2] =	sbarrier.arrive $0xFFFF  }
0xb2: {  	p0 =	sne.s32 s0, $0x0;
	s0 =	rddreg [dreg:$0x3]  }
0xb3: {  	s0 =	sadd.s32 @!p0 $0x100000, s0  }
0xb4: {  	[sflag:s0] =	ssyncadd.tile.s32 @!p0 $0x1;
	_ =	shalt  }
.Lfunc_end2:
_tile_overlayer_lowered:
.L_overlay_start_2:
0xb5: {  	(tag) =	ssettag $0x2  }
0xb6: {  	s0 =	rddreg [dreg:$0x0];
	s2 =	stileid.u32  }
0xb7: {  	s1 =	rddreg [dreg:$0x1];
	p0 =	sne.s32 s2, $0x0  }
0xb8: {  	s3 =	rddreg [dreg:$0x2];
	[bflag:$0x3] =	sbarrier.arrive $0xFFFF;
	s2 =	simm.s32 @!p0 $0x1C05  }
0xb9: {  	[timem:s3], [sflag:s2] =	dma.local @!p0 [hbm:s0], s1  }
0xba: {  	s0 =	simm.s32 @!p0 $0x5  }
0xbb: {  	_ =	swait.ge @!p0 [sflag:s0], s1  }
0xbc: {  	s1 =	ssub.s32 @!p0 $0x0, s1;
	[sflag:s0] =	ssyncset.done @!p0 $0x0  }
0xbd: {  	[sflag:s0] =	ssyncadd.s32 @!p0 s1  }
0xbe: {  	[bflag:$0x3] =	sbarrier.arrive $0xFFFF  }
0xbf: {  	_ =	shalt  }

</sc_bundles>
